<compile_context>
chip_gen: v7x
topology: tpu7x:2x2x1
jax: 0.10.2.dev20260603
libtpu: 0.0.44.dev20260713+nightly
codegen_flags: <defaults>
</compile_context>

<pallas_src>
import functools

import jax
import jax.numpy as jnp
from jax import lax
from jax.experimental import pallas as pl
from jax.experimental.pallas import tpu as pltpu
from jax.experimental.pallas import tpu_sc as plsc

NA = 50000
NP = 800000
DA = 75
DP = 14
H = 50

NC = 2
NS = 16
NW = NC * NS
BPG = 64
NBG = NP // BPG
BPS = 128

NPASS = 4
PBASE = (0, 12512, 25024, 37536)
PSIZE = (12512, 12512, 12512, 12464)
RPT = 392
LROWS = (360, 360, 360, 312)

BA = 2000
NAB = NA // BA
BPR = 8000
NPB = NP // BPR

_f32 = jnp.float32


def _relu(x):
    return jnp.maximum(x, 0.0)


def _atoms_body(af, wuv, bvec, waa, baa, t, aa):
    x = af[...]
    t[...] = jnp.dot(x, wuv[...], preferred_element_type=_f32) + bvec[...]
    aa[...] = _relu(jnp.dot(x, waa[...], preferred_element_type=_f32) + baa[...])


def _pa_body(pf, wpa, bpa, pa):
    pa[...] = _relu(jnp.dot(pf[...], wpa[...], preferred_element_type=_f32)
                    + bpa[...])


def _p_body(s, pf, wp1, wpp, bpp, wp2, bp, p):
    pp = _relu(jnp.dot(pf[...], wpp[...], preferred_element_type=_f32) + bpp[...])
    x = (jnp.dot(s[...], wp1[...], preferred_element_type=_f32)
         + jnp.dot(pp, wp2[...], preferred_element_type=_f32) + bp[...])
    p[...] = _relu(x)


def _a_body(aa, seg, waa2, wseg, ba, a):
    x = (jnp.dot(aa[...], waa2[...], preferred_element_type=_f32)
         + jnp.dot(seg[...], wseg[...], preferred_element_type=_f32) + ba[...])
    a[...] = _relu(x)


_sc_mesh = plsc.VectorSubcoreMesh(core_axis_name="c", subcore_axis_name="s")


@functools.partial(
    pl.kernel,
    out_type=(
        jax.ShapeDtypeStruct((NP, 64), _f32),
        jax.ShapeDtypeStruct((NA, 64), _f32),
    ),
    mesh=_sc_mesh,
    scratch_types=(
        pltpu.VMEM((BPG,), jnp.int32),
        pltpu.VMEM((BPG,), jnp.int32),
        pltpu.VMEM((BPG, 128), _f32),
        pltpu.VMEM((BPG, 128), _f32),
        pltpu.VMEM((BPG, 64), _f32),
        pltpu.VMEM((BPS + 16,), jnp.int32),
        pltpu.VMEM((BPS, 64), _f32),
        pltpu.VMEM((144,), jnp.int32),
        pltpu.VMEM((RPT, 64), _f32),
        pltpu.SemaphoreType.DMA,
        pltpu.SemaphoreType.DMA,
    ),
)
def _sc_stage(t_hbm, ii_hbm, jj_hbm, pa_hbm, ids_hbm, bnd_hbm,
              s_hbm, seg_hbm,
              bi_v, bj_v, ti_v, tj_v, s_v, idv, pa_v, bnd_v, acc,
              sem1, sem2):
    c = lax.axis_index("c")
    sid = lax.axis_index("s")
    wid = sid * NC + c

    zero16 = jnp.zeros((16,), _f32)

    pltpu.sync_copy(bnd_hbm, bnd_v.at[pl.ds(0, 136)])
    for p in range(NPASS):
        my_base = PBASE[p] + RPT * wid

        def zrow(r, carry):
            for q in range(4):
                acc[r, pl.ds(16 * q, 16)] = zero16
            return carry
        lax.fori_loop(0, RPT, zrow, 0)

        bidx = p * NW + wid
        p0 = bnd_v[pl.ds(bidx, 16)][0]
        p1 = bnd_v[pl.ds(bidx + 1, 16)][0]
        k0 = lax.div(p0, BPS)
        k1 = lax.div(p1 + BPS - 1, BPS)

        def chunk_body(k, carry):
            r0 = k * BPS
            pltpu.sync_copy(ids_hbm.at[pl.ds(r0, BPS)], idv.at[pl.ds(0, BPS)])
            pltpu.sync_copy(pa_hbm.at[pl.ds(r0, BPS)], pa_v)

            def row_body(r, carry2):
                gp = r0 + r
                rid = idv[pl.ds(r, 16)][0]
                lid = rid - my_base

                @pl.when((gp >= p0) & (gp < p1))
                def _():
                    for q in range(4):
                        acc[lid, pl.ds(16 * q, 16)] = (
                            acc[lid, pl.ds(16 * q, 16)]
                            + pa_v[r, pl.ds(16 * q, 16)])
                return carry2
            lax.fori_loop(0, BPS, row_body, 0)
            return carry
        lax.fori_loop(k0, k1, chunk_body, 0)

        pl.when(wid < NW - 1)(
            lambda my_base=my_base: pltpu.sync_copy(
                acc, seg_hbm.at[pl.ds(my_base, RPT)]))
        pl.when(wid == NW - 1)(
            lambda my_base=my_base, lr=LROWS[p]: pltpu.sync_copy(
                acc.at[pl.ds(0, lr)], seg_hbm.at[pl.ds(my_base, lr)]))

    nb0 = (wid * NBG) // NW
    nb1 = ((wid + 1) * NBG) // NW

    def gbody(b, carry):
        r0 = b * BPG
        pltpu.sync_copy(ii_hbm.at[pl.ds(r0, BPG)], bi_v)
        pltpu.sync_copy(jj_hbm.at[pl.ds(r0, BPG)], bj_v)
        cp1 = pltpu.async_copy(t_hbm.at[bi_v], ti_v, sem1)
        cp2 = pltpu.async_copy(t_hbm.at[bj_v], tj_v, sem2)
        cp1.wait()
        cp2.wait()

        def rbody(r, rcarry):
            for q in range(4):
                u_i = ti_v[r, pl.ds(16 * q, 16)]
                v_i = ti_v[r, pl.ds(64 + 16 * q, 16)]
                u_j = tj_v[r, pl.ds(16 * q, 16)]
                v_j = tj_v[r, pl.ds(64 + 16 * q, 16)]
                x1 = jnp.maximum(u_i + v_j, 0.0)
                x2 = jnp.maximum(u_j + v_i, 0.0)
                s_v[r, pl.ds(16 * q, 16)] = x1 + x2
            return rcarry
        lax.fori_loop(0, BPG, rbody, 0)
        pltpu.sync_copy(s_v, s_hbm.at[pl.ds(r0, BPG)])
        return carry

    lax.fori_loop(nb0, nb1, gbody, 0)


def kernel(atom_features, pair_features, pair_split, pair_membership,
           atom_split, atom_to_pair, W_AA, b_AA, W_PA, b_PA, W_A, b_A,
           W_AP, b_AP, W_PP, b_PP, W_P, b_P):
    af = atom_features
    pf = pair_features

    w_uv = (jnp.zeros((DA, 128), _f32)
            .at[:, :H].set(W_AP[:DA])
            .at[:, 64:64 + H].set(W_AP[DA:]))
    bvec = jnp.zeros((1, 128), _f32).at[0, 64:64 + H].set(b_AP)
    wpa_pad = jnp.zeros((DP, 64), _f32).at[:, :H].set(W_PA)
    bpa_pad = jnp.zeros((1, 64), _f32).at[0, :H].set(b_PA)
    wp1_pad = jnp.zeros((64, H), _f32).at[:H].set(W_P[:H])
    wp2 = W_P[H:]
    wseg_pad = jnp.zeros((64, H), _f32).at[:H].set(W_A[H:])
    ii = atom_to_pair[:, 0]
    jj = atom_to_pair[:, 1]
    bases = jnp.array([PBASE[p] + RPT * t for p in range(NPASS)
                       for t in range(NW)], dtype=jnp.int32)
    bnd = jnp.searchsorted(pair_split, bases, side='left').astype(jnp.int32)
    bnd = jnp.concatenate([bnd, jnp.full((8,), NP, jnp.int32)])

    t_arr, aa = pl.pallas_call(
        _atoms_body,
        grid=(NAB,),
        in_specs=[
            pl.BlockSpec((BA, DA), lambda i: (i, 0)),
            pl.BlockSpec((DA, 128), lambda i: (0, 0)),
            pl.BlockSpec((1, 128), lambda i: (0, 0)),
            pl.BlockSpec((DA, H), lambda i: (0, 0)),
            pl.BlockSpec((1, H), lambda i: (0, 0)),
        ],
        out_specs=[
            pl.BlockSpec((BA, 128), lambda i: (i, 0)),
            pl.BlockSpec((BA, H), lambda i: (i, 0)),
        ],
        out_shape=[
            jax.ShapeDtypeStruct((NA, 128), _f32),
            jax.ShapeDtypeStruct((NA, H), _f32),
        ],
    )(af, w_uv, bvec, W_AA, b_AA.reshape(1, H))

    pa_arr = pl.pallas_call(
        _pa_body,
        grid=(NPB,),
        in_specs=[
            pl.BlockSpec((BPR, DP), lambda i: (i, 0)),
            pl.BlockSpec((DP, 64), lambda i: (0, 0)),
            pl.BlockSpec((1, 64), lambda i: (0, 0)),
        ],
        out_specs=pl.BlockSpec((BPR, 64), lambda i: (i, 0)),
        out_shape=jax.ShapeDtypeStruct((NP, 64), _f32),
    )(pf, wpa_pad, bpa_pad)

    s_arr, seg = _sc_stage(t_arr, ii, jj, pa_arr, pair_split, bnd)

    p_out = pl.pallas_call(
        _p_body,
        grid=(NPB,),
        in_specs=[
            pl.BlockSpec((BPR, 64), lambda i: (i, 0)),
            pl.BlockSpec((BPR, DP), lambda i: (i, 0)),
            pl.BlockSpec((64, H), lambda i: (0, 0)),
            pl.BlockSpec((DP, H), lambda i: (0, 0)),
            pl.BlockSpec((1, H), lambda i: (0, 0)),
            pl.BlockSpec((H, H), lambda i: (0, 0)),
            pl.BlockSpec((1, H), lambda i: (0, 0)),
        ],
        out_specs=pl.BlockSpec((BPR, H), lambda i: (i, 0)),
        out_shape=jax.ShapeDtypeStruct((NP, H), _f32),
    )(s_arr, pf, wp1_pad, W_PP, b_PP.reshape(1, H), wp2, b_P.reshape(1, H))

    a_out = pl.pallas_call(
        _a_body,
        grid=(NAB,),
        in_specs=[
            pl.BlockSpec((BA, H), lambda i: (i, 0)),
            pl.BlockSpec((BA, 64), lambda i: (i, 0)),
            pl.BlockSpec((H, H), lambda i: (0, 0)),
            pl.BlockSpec((64, H), lambda i: (0, 0)),
            pl.BlockSpec((1, H), lambda i: (0, 0)),
        ],
        out_specs=pl.BlockSpec((BA, H), lambda i: (i, 0)),
        out_shape=jax.ShapeDtypeStruct((NA, H), _f32),
    )(aa, seg, W_A[:H], wseg_pad, b_A.reshape(1, H))

    return (a_out, p_out)

# --- scband reference (transcript-rebuilt; emitter-appended) ---
"""Pipeline reference for scband-weave-layer-61830349193917 (READ-ONLY COPY).

The authoritative reference and input builder live on the scoring server;
editing this copy changes nothing except your own understanding.
"""

import jax, jax.numpy as jnp
import numpy as np

N_ATOMS = 50000
N_PAIRS = 800000
D_ATOM = 75
D_PAIR = 14
H = 50


def setup_inputs(seed: int = 0) -> dict:
    key = jax.random.key(seed)
    ks = jax.random.split(key, 20)
    inp = {}
    inp['atom_features'] = jax.random.normal(ks[0], (N_ATOMS, D_ATOM), dtype=jnp.float32)
    inp['pair_features'] = jax.random.normal(ks[1], (N_PAIRS, D_PAIR), dtype=jnp.float32)
    inp['pair_split'] = jnp.sort(jax.random.randint(ks[2], (N_PAIRS,), 0, N_ATOMS, dtype=jnp.int32))
    inp['pair_membership'] = jnp.ones((N_ATOMS,), dtype=jnp.int32)
    inp['atom_split'] = jnp.sort(jax.random.randint(ks[3], (N_ATOMS,), 0, 1000, dtype=jnp.int32))
    inp['atom_to_pair'] = jax.random.randint(ks[4], (N_PAIRS, 2), 0, N_ATOMS, dtype=jnp.int32)
    # learned parameters (glorot-like scaled normals)
    def glorot(k, shape):
        fan_in, fan_out = shape[0], shape[1]
        s = np.sqrt(6.0 / (fan_in + fan_out))
        return jax.random.uniform(k, shape, dtype=jnp.float32, minval=-s, maxval=s)
    inp['W_AA'] = glorot(ks[5], (D_ATOM, H))
    inp['b_AA'] = jnp.zeros((H,), dtype=jnp.float32)
    inp['W_PA'] = glorot(ks[6], (D_PAIR, H))
    inp['b_PA'] = jnp.zeros((H,), dtype=jnp.float32)
    inp['W_A'] = glorot(ks[7], (2 * H, H))
    inp['b_A'] = jnp.zeros((H,), dtype=jnp.float32)
    inp['W_AP'] = glorot(ks[8], (2 * D_ATOM, H))
    inp['b_AP'] = jnp.zeros((H,), dtype=jnp.float32)
    inp['W_PP'] = glorot(ks[9], (D_PAIR, H))
    inp['b_PP'] = jnp.zeros((H,), dtype=jnp.float32)
    inp['W_P'] = glorot(ks[10], (2 * H, H))
    inp['b_P'] = jnp.zeros((H,), dtype=jnp.float32)
    return inp


def reference(atom_features, pair_features, pair_split, pair_membership, atom_split,
              atom_to_pair, W_AA, b_AA, W_PA, b_PA, W_A, b_A, W_AP, b_AP,
              W_PP, b_PP, W_P, b_P):
    act = jax.nn.relu
    # atom -> atom
    AA = act(jnp.dot(atom_features, W_AA) + b_AA)
    # pair -> atom: per-pair transform then segment-sum onto atoms
    PA = act(jnp.dot(pair_features, W_PA) + b_PA)
    PA = jax.ops.segment_sum(PA, pair_split, num_segments=N_ATOMS)
    A = act(jnp.dot(jnp.concatenate([AA, PA], axis=1), W_A) + b_A)
    # atom -> pair: gather both endpoint atom features
    ap_ij = jnp.take(atom_features, atom_to_pair, axis=0).reshape(-1, 2 * D_ATOM)
    AP_ij = act(jnp.dot(ap_ij, W_AP) + b_AP)
    ap_ji = jnp.take(atom_features, atom_to_pair[:, ::-1], axis=0).reshape(-1, 2 * D_ATOM)
    AP_ji = act(jnp.dot(ap_ji, W_AP) + b_AP)
    # pair -> pair
    PP = act(jnp.dot(pair_features, W_PP) + b_PP)
    P = act(jnp.dot(jnp.concatenate([AP_ij + AP_ji, PP], axis=1), W_P) + b_P)
    return (A, P)

if __name__ == "__main__":
    import jax
    _d = setup_inputs()
    print(jax.jit(kernel)(*tuple(_d.values())))

</pallas_src>

<mosaic_0001>
#map = affine_map<(d0, d1) -> (0, 0)>
#map1 = affine_map<(d0, d1) -> (0)>
module attributes {stable_mosaic.version = 14 : i64} {
  func.func @_sc_stage(%arg0: i32, %arg1: i32, %arg2: memref<50000x128xf32, #tpu.memory_space<hbm>>, %arg3: memref<800000xi32, #tpu.memory_space<hbm>>, %arg4: memref<800000xi32, #tpu.memory_space<hbm>>, %arg5: memref<800000x64xf32, #tpu.memory_space<hbm>>, %arg6: memref<800000xi32, #tpu.memory_space<hbm>>, %arg7: memref<136xi32, #tpu.memory_space<hbm>>, %arg8: memref<800000x64xf32, #tpu.memory_space<hbm>>, %arg9: memref<50000x64xf32, #tpu.memory_space<hbm>>, %arg10: memref<64xi32, #tpu.memory_space<vmem>>, %arg11: memref<64xi32, #tpu.memory_space<vmem>>, %arg12: memref<64x128xf32, #tpu.memory_space<vmem>>, %arg13: memref<64x128xf32, #tpu.memory_space<vmem>>, %arg14: memref<64x64xf32, #tpu.memory_space<vmem>>, %arg15: memref<144xi32, #tpu.memory_space<vmem>>, %arg16: memref<128x64xf32, #tpu.memory_space<vmem>>, %arg17: memref<144xi32, #tpu.memory_space<vmem>>, %arg18: memref<392x64xf32, #tpu.memory_space<vmem>>, %arg19: memref<!tpu.dma_semaphore, #tpu.memory_space<semaphore_mem>>, %arg20: memref<!tpu.dma_semaphore, #tpu.memory_space<semaphore_mem>>) attributes {dimension_semantics = [#tpu.dimension_semantics<core_parallel>, #tpu.dimension_semantics<subcore_parallel>], iteration_bounds = array<i64: 2, 16>, scalar_prefetch = 0 : i64, scratch_operands = 11 : i64, tpu.core_type = #tpu.core_type<sc_vector_subcore>, window_params = [{transform_indices = #map}, {transform_indices = #map1}, {transform_indices = #map1}, {transform_indices = #map}, {transform_indices = #map1}, {transform_indices = #map1}, {transform_indices = #map}, {transform_indices = #map}]} {
    %mul3A = arith.constant 2 : i32
    %mul3A_0 = arith.muli %arg1, %mul3A : i32
    %add3A = arith.addi %mul3A_0, %arg0 : i32
    %broadcast_in_dim3A = arith.constant 0.000000e+00 : f32
    %broadcast_in_dim3A_1 = vector.broadcast %broadcast_in_dim3A : f32 to vector<16xf32>
    "tpu.region"() ({
      %run_scoped3A = tpu.sem_alloc : memref<!tpu.dma_semaphore, #tpu.memory_space<semaphore_mem>>
      %dma_start3A = arith.constant 0 : i32
      %dma_start3A_252 = tpu.memref_slice %arg17[%dma_start3A] : memref<144xi32, #tpu.memory_space<vmem>> -> memref<136xi32, #tpu.memory_space<vmem>>
      %dma_start3A_253 = arith.constant 0 : i32
      %dma_start3A_254 = tpu.memref_slice %arg17[%dma_start3A_253] : memref<144xi32, #tpu.memory_space<vmem>> -> memref<136xi32, #tpu.memory_space<vmem>>
      tpu.enqueue_dma source(%arg7 : memref<136xi32, #tpu.memory_space<hbm>>) target(%dma_start3A_254 : memref<136xi32, #tpu.memory_space<vmem>>) target_semaphore(%run_scoped3A : memref<!tpu.dma_semaphore, #tpu.memory_space<semaphore_mem>>)
      %dma_wait3A = arith.constant 0 : i32
      %dma_wait3A_255 = tpu.memref_slice %arg17[%dma_wait3A] : memref<144xi32, #tpu.memory_space<vmem>> -> memref<136xi32, #tpu.memory_space<vmem>>
      %dma_wait3A_256 = arith.constant 0 : i32
      %dma_wait3A_257 = tpu.memref_slice %arg17[%dma_wait3A_256] : memref<144xi32, #tpu.memory_space<vmem>> -> memref<136xi32, #tpu.memory_space<vmem>>
      tpu.wait_dma2 semaphore(%run_scoped3A : memref<!tpu.dma_semaphore, #tpu.memory_space<semaphore_mem>>) src(%arg7 : memref<136xi32, #tpu.memory_space<hbm>>) dst(%dma_wait3A_257 : memref<136xi32, #tpu.memory_space<vmem>>)
      tpu.yield
    }) : () -> ()
    %mul3A_2 = arith.constant 392 : i32
    %mul3A_3 = arith.muli %mul3A_2, %add3A : i32
    %add3A_4 = arith.constant 0 : i32
    %add3A_5 = arith.addi %add3A_4, %mul3A_3 : i32
    %scan3A = arith.constant 0 : i32
    %scan3A_6 = arith.constant 0 : i32
    %scan3A_7 = arith.constant 392 : i32
    %scan3A_8 = arith.addi %scan3A_6, %scan3A_7 : i32
    %scan3A_9 = arith.constant 1 : i32
    scf.for %scan3A_252 = %scan3A_6 to %scan3A_8 step %scan3A_9  : i32 {
      %swap3A = arith.index_cast %scan3A_252 : i32 to index
      %swap3A_253 = arith.constant 0 : index
      %swap3A_254 = tpu.vector_load %arg18[%swap3A, %swap3A_253] {strides = array<i32>} : memref<392x64xf32, #tpu.memory_space<vmem>>, vector<1x16xf32>,
      %swap3A_255 = vector.shape_cast %swap3A_254 : vector<1x16xf32> to vector<16xf32>
      %swap3A_256 = vector.shape_cast %broadcast_in_dim3A_1 : vector<16xf32> to vector<1x16xf32>
      tpu.vector_store %arg18[%swap3A, %swap3A_253], %swap3A_256 {strides = array<i32>} : memref<392x64xf32, #tpu.memory_space<vmem>>, vector<1x16xf32>,
      %swap3A_257 = arith.index_cast %scan3A_252 : i32 to index
      %swap3A_258 = arith.constant 16 : index
      %swap3A_259 = tpu.vector_load %arg18[%swap3A_257, %swap3A_258] {strides = array<i32>} : memref<392x64xf32, #tpu.memory_space<vmem>>, vector<1x16xf32>,
      %swap3A_260 = vector.shape_cast %swap3A_259 : vector<1x16xf32> to vector<16xf32>
      %swap3A_261 = vector.shape_cast %broadcast_in_dim3A_1 : vector<16xf32> to vector<1x16xf32>
      tpu.vector_store %arg18[%swap3A_257, %swap3A_258], %swap3A_261 {strides = array<i32>} : memref<392x64xf32, #tpu.memory_space<vmem>>, vector<1x16xf32>,
      %swap3A_262 = arith.index_cast %scan3A_252 : i32 to index
      %swap3A_263 = arith.constant 32 : index
      %swap3A_264 = tpu.vector_load %arg18[%swap3A_262, %swap3A_263] {strides = array<i32>} : memref<392x64xf32, #tpu.memory_space<vmem>>, vector<1x16xf32>,
      %swap3A_265 = vector.shape_cast %swap3A_264 : vector<1x16xf32> to vector<16xf32>
      %swap3A_266 = vector.shape_cast %broadcast_in_dim3A_1 : vector<16xf32> to vector<1x16xf32>
      tpu.vector_store %arg18[%swap3A_262, %swap3A_263], %swap3A_266 {strides = array<i32>} : memref<392x64xf32, #tpu.memory_space<vmem>>, vector<1x16xf32>,
      %swap3A_267 = arith.index_cast %scan3A_252 : i32 to index
      %swap3A_268 = arith.constant 48 : index
      %swap3A_269 = tpu.vector_load %arg18[%swap3A_267, %swap3A_268] {strides = array<i32>} : memref<392x64xf32, #tpu.memory_space<vmem>>, vector<1x16xf32>,
      %swap3A_270 = vector.shape_cast %swap3A_269 : vector<1x16xf32> to vector<16xf32>
      %swap3A_271 = vector.shape_cast %broadcast_in_dim3A_1 : vector<16xf32> to vector<1x16xf32>
      tpu.vector_store %arg18[%swap3A_267, %swap3A_268], %swap3A_271 {strides = array<i32>} : memref<392x64xf32, #tpu.memory_space<vmem>>, vector<1x16xf32>,
    }
    %scan3A_10 = arith.constant 392 : i32
    %add3A_11 = arith.constant 0 : i32
    %add3A_12 = arith.addi %add3A_11, %add3A : i32
    %get3A = arith.index_cast %add3A_12 : i32 to index
    %get3A_13 = tpu.vector_load %arg17[%get3A] {strides = array<i32>} : memref<144xi32, #tpu.memory_space<vmem>>, vector<16xi32>,
    %get3A_14 = vector.shape_cast %get3A_13 : vector<16xi32> to vector<16xi32>
    %slice3A = vector.extract_strided_slice %get3A_14 {offsets = [0], sizes = [1], strides = [1]} : vector<16xi32> to vector<1xi32>
    %squeeze3A = vector.extract %slice3A[0] : i32 from vector<1xi32>
    %add3A_15 = arith.constant 1 : i32
    %add3A_16 = arith.addi %add3A_12, %add3A_15 : i32
    %get3A_17 = arith.index_cast %add3A_16 : i32 to index
    %get3A_18 = tpu.vector_load %arg17[%get3A_17] {strides = array<i32>} : memref<144xi32, #tpu.memory_space<vmem>>, vector<16xi32>,
    %get3A_19 = vector.shape_cast %get3A_18 : vector<16xi32> to vector<16xi32>
    %slice3A_20 = vector.extract_strided_slice %get3A_19 {offsets = [0], sizes = [1], strides = [1]} : vector<16xi32> to vector<1xi32>
    %squeeze3A_21 = vector.extract %slice3A_20[0] : i32 from vector<1xi32>
    %div3A = arith.constant 128 : i32
    %div3A_22 = arith.divsi %squeeze3A, %div3A : i32
    %add3A_23 = arith.constant 128 : i32
    %add3A_24 = arith.addi %squeeze3A_21, %add3A_23 : i32
    %sub3A = arith.constant 1 : i32
    %sub3A_25 = arith.subi %add3A_24, %sub3A : i32
    %div3A_26 = arith.constant 128 : i32
    %div3A_27 = arith.divsi %sub3A_25, %div3A_26 : i32
    %while3A = arith.constant 0 : i32
    %while3A_28 = arith.subi %div3A_27, %div3A_22 : i32
    %while3A_29 = arith.addi %div3A_22, %while3A_28 : i32
    %while3A_30 = arith.constant 1 : i32
    %while3A_31 = arith.divsi %while3A_28, %while3A_30 : i32
    %while3A_32 = arith.muli %while3A_31, %while3A_30 : i32
    %while3A_33 = arith.addi %div3A_22, %while3A_32 : i32
    %while3A_34 = arith.constant 1 : i32
    scf.for %while3A_252 = %div3A_22 to %while3A_33 step %while3A_34  : i32 {
      %mul3A_253 = arith.constant 128 : i32
      %mul3A_254 = arith.muli %while3A_252, %mul3A_253 : i32
      "tpu.region"() ({
        %run_scoped3A = tpu.sem_alloc : memref<!tpu.dma_semaphore, #tpu.memory_space<semaphore_mem>>
        %dma_start3A = arith.constant 0 : i32
        %dma_start3A_261 = tpu.memref_slice %arg15[%dma_start3A] : memref<144xi32, #tpu.memory_space<vmem>> -> memref<128xi32, #tpu.memory_space<vmem>>
        %dma_start3A_262 = tpu.memref_slice %arg6[%mul3A_254] : memref<800000xi32, #tpu.memory_space<hbm>> -> memref<128xi32, #tpu.memory_space<hbm>>
        %dma_start3A_263 = arith.constant 0 : i32
        %dma_start3A_264 = tpu.memref_slice %arg15[%dma_start3A_263] : memref<144xi32, #tpu.memory_space<vmem>> -> memref<128xi32, #tpu.memory_space<vmem>>
        %dma_start3A_265 = tpu.memref_slice %arg6[%mul3A_254] : memref<800000xi32, #tpu.memory_space<hbm>> -> memref<128xi32, #tpu.memory_space<hbm>>
        tpu.enqueue_dma source(%dma_start3A_265 : memref<128xi32, #tpu.memory_space<hbm>>) target(%dma_start3A_264 : memref<128xi32, #tpu.memory_space<vmem>>) target_semaphore(%run_scoped3A : memref<!tpu.dma_semaphore, #tpu.memory_space<semaphore_mem>>)
        %dma_wait3A = arith.constant 0 : i32
        %dma_wait3A_266 = tpu.memref_slice %arg15[%dma_wait3A] : memref<144xi32, #tpu.memory_space<vmem>> -> memref<128xi32, #tpu.memory_space<vmem>>
        %dma_wait3A_267 = tpu.memref_slice %arg6[%mul3A_254] : memref<800000xi32, #tpu.memory_space<hbm>> -> memref<128xi32, #tpu.memory_space<hbm>>
        %dma_wait3A_268 = arith.constant 0 : i32
        %dma_wait3A_269 = tpu.memref_slice %arg15[%dma_wait3A_268] : memref<144xi32, #tpu.memory_space<vmem>> -> memref<128xi32, #tpu.memory_space<vmem>>
        %dma_wait3A_270 = tpu.memref_slice %arg6[%mul3A_254] : memref<800000xi32, #tpu.memory_space<hbm>> -> memref<128xi32, #tpu.memory_space<hbm>>
        tpu.wait_dma2 semaphore(%run_scoped3A : memref<!tpu.dma_semaphore, #tpu.memory_space<semaphore_mem>>) src(%dma_wait3A_270 : memref<128xi32, #tpu.memory_space<hbm>>) dst(%dma_wait3A_269 : memref<128xi32, #tpu.memory_space<vmem>>)
        tpu.yield
      }) : () -> ()
      "tpu.region"() ({
        %run_scoped3A = tpu.sem_alloc : memref<!tpu.dma_semaphore, #tpu.memory_space<semaphore_mem>>
        %dma_start3A = arith.constant 0 : i32
        %dma_start3A_261 = tpu.memref_slice %arg5[%mul3A_254, %dma_start3A] : memref<800000x64xf32, #tpu.memory_space<hbm>> -> memref<128x64xf32, #tpu.memory_space<hbm>>
        %dma_start3A_262 = arith.constant 0 : i32
        %dma_start3A_263 = tpu.memref_slice %arg5[%mul3A_254, %dma_start3A_262] : memref<800000x64xf32, #tpu.memory_space<hbm>> -> memref<128x64xf32, #tpu.memory_space<hbm>>
        tpu.enqueue_dma source(%dma_start3A_263 : memref<128x64xf32, #tpu.memory_space<hbm>>) target(%arg16 : memref<128x64xf32, #tpu.memory_space<vmem>>) target_semaphore(%run_scoped3A : memref<!tpu.dma_semaphore, #tpu.memory_space<semaphore_mem>>)
        %dma_wait3A = arith.constant 0 : i32
        %dma_wait3A_264 = tpu.memref_slice %arg5[%mul3A_254, %dma_wait3A] : memref<800000x64xf32, #tpu.memory_space<hbm>> -> memref<128x64xf32, #tpu.memory_space<hbm>>
        %dma_wait3A_265 = arith.constant 0 : i32
        %dma_wait3A_266 = tpu.memref_slice %arg5[%mul3A_254, %dma_wait3A_265] : memref<800000x64xf32, #tpu.memory_space<hbm>> -> memref<128x64xf32, #tpu.memory_space<hbm>>
        tpu.wait_dma2 semaphore(%run_scoped3A : memref<!tpu.dma_semaphore, #tpu.memory_space<semaphore_mem>>) src(%dma_wait3A_266 : memref<128x64xf32, #tpu.memory_space<hbm>>) dst(%arg16 : memref<128x64xf32, #tpu.memory_space<vmem>>)
        tpu.yield
      }) : () -> ()
      %scan3A_255 = arith.constant 0 : i32
      %scan3A_256 = arith.constant 0 : i32
      %scan3A_257 = arith.constant 128 : i32
      %scan3A_258 = arith.addi %scan3A_256, %scan3A_257 : i32
      %scan3A_259 = arith.constant 1 : i32
      scf.for %scan3A_261 = %scan3A_256 to %scan3A_258 step %scan3A_259  : i32 {
        %add3A_262 = arith.addi %mul3A_254, %scan3A_261 : i32
        %get3A_263 = arith.index_cast %scan3A_261 : i32 to index
        %get3A_264 = tpu.vector_load %arg15[%get3A_263] {strides = array<i32>} : memref<144xi32, #tpu.memory_space<vmem>>, vector<16xi32>,
        %get3A_265 = vector.shape_cast %get3A_264 : vector<16xi32> to vector<16xi32>
        %slice3A_266 = vector.extract_strided_slice %get3A_265 {offsets = [0], sizes = [1], strides = [1]} : vector<16xi32> to vector<1xi32>
        %squeeze3A_267 = vector.extract %slice3A_266[0] : i32 from vector<1xi32>
        %sub3A_268 = arith.subi %squeeze3A_267, %add3A_5 : i32
        %ge3A = arith.cmpi sge, %add3A_262, %squeeze3A : i32
        %lt3A_269 = arith.cmpi slt, %add3A_262, %squeeze3A_21 : i32
        %and3A_270 = arith.andi %ge3A, %lt3A_269 : i1
        %convert_element_type3A_271 = arith.extui %and3A_270 : i1 to i32
        %cond3A_272 = arith.constant 0 : i32
        %cond3A_273 = arith.cmpi ne, %convert_element_type3A_271, %cond3A_272 : i32
        scf.if %cond3A_273 {
          %get3A_274 = arith.index_cast %sub3A_268 : i32 to index
          %get3A_275 = arith.constant 0 : index
          %get3A_276 = tpu.vector_load %arg18[%get3A_274, %get3A_275] {strides = array<i32>} : memref<392x64xf32, #tpu.memory_space<vmem>>, vector<1x16xf32>,
          %get3A_277 = vector.shape_cast %get3A_276 : vector<1x16xf32> to vector<16xf32>
          %get3A_278 = arith.index_cast %scan3A_261 : i32 to index
          %get3A_279 = arith.constant 0 : index
          %get3A_280 = tpu.vector_load %arg16[%get3A_278, %get3A_279] {strides = array<i32>} : memref<128x64xf32, #tpu.memory_space<vmem>>, vector<1x16xf32>,
          %get3A_281 = vector.shape_cast %get3A_280 : vector<1x16xf32> to vector<16xf32>
          %add3A_282 = arith.addf %get3A_277, %get3A_281 : vector<16xf32>
          %swap3A = arith.index_cast %sub3A_268 : i32 to index
          %swap3A_283 = arith.constant 0 : index
          %swap3A_284 = tpu.vector_load %arg18[%swap3A, %swap3A_283] {strides = array<i32>} : memref<392x64xf32, #tpu.memory_space<vmem>>, vector<1x16xf32>,
          %swap3A_285 = vector.shape_cast %swap3A_284 : vector<1x16xf32> to vector<16xf32>
          %swap3A_286 = vector.shape_cast %add3A_282 : vector<16xf32> to vector<1x16xf32>
          tpu.vector_store %arg18[%swap3A, %swap3A_283], %swap3A_286 {strides = array<i32>} : memref<392x64xf32, #tpu.memory_space<vmem>>, vector<1x16xf32>,
          %get3A_287 = arith.index_cast %sub3A_268 : i32 to index
          %get3A_288 = arith.constant 16 : index
          %get3A_289 = tpu.vector_load %arg18[%get3A_287, %get3A_288] {strides = array<i32>} : memref<392x64xf32, #tpu.memory_space<vmem>>, vector<1x16xf32>,
          %get3A_290 = vector.shape_cast %get3A_289 : vector<1x16xf32> to vector<16xf32>
          %get3A_291 = arith.index_cast %scan3A_261 : i32 to index
          %get3A_292 = arith.constant 16 : index
          %get3A_293 = tpu.vector_load %arg16[%get3A_291, %get3A_292] {strides = array<i32>} : memref<128x64xf32, #tpu.memory_space<vmem>>, vector<1x16xf32>,
          %get3A_294 = vector.shape_cast %get3A_293 : vector<1x16xf32> to vector<16xf32>
          %add3A_295 = arith.addf %get3A_290, %get3A_294 : vector<16xf32>
          %swap3A_296 = arith.index_cast %sub3A_268 : i32 to index
          %swap3A_297 = arith.constant 16 : index
          %swap3A_298 = tpu.vector_load %arg18[%swap3A_296, %swap3A_297] {strides = array<i32>} : memref<392x64xf32, #tpu.memory_space<vmem>>, vector<1x16xf32>,
          %swap3A_299 = vector.shape_cast %swap3A_298 : vector<1x16xf32> to vector<16xf32>
          %swap3A_300 = vector.shape_cast %add3A_295 : vector<16xf32> to vector<1x16xf32>
          tpu.vector_store %arg18[%swap3A_296, %swap3A_297], %swap3A_300 {strides = array<i32>} : memref<392x64xf32, #tpu.memory_space<vmem>>, vector<1x16xf32>,
          %get3A_301 = arith.index_cast %sub3A_268 : i32 to index
          %get3A_302 = arith.constant 32 : index
          %get3A_303 = tpu.vector_load %arg18[%get3A_301, %get3A_302] {strides = array<i32>} : memref<392x64xf32, #tpu.memory_space<vmem>>, vector<1x16xf32>,
          %get3A_304 = vector.shape_cast %get3A_303 : vector<1x16xf32> to vector<16xf32>
          %get3A_305 = arith.index_cast %scan3A_261 : i32 to index
          %get3A_306 = arith.constant 32 : index
          %get3A_307 = tpu.vector_load %arg16[%get3A_305, %get3A_306] {strides = array<i32>} : memref<128x64xf32, #tpu.memory_space<vmem>>, vector<1x16xf32>,
          %get3A_308 = vector.shape_cast %get3A_307 : vector<1x16xf32> to vector<16xf32>
          %add3A_309 = arith.addf %get3A_304, %get3A_308 : vector<16xf32>
          %swap3A_310 = arith.index_cast %sub3A_268 : i32 to index
          %swap3A_311 = arith.constant 32 : index
          %swap3A_312 = tpu.vector_load %arg18[%swap3A_310, %swap3A_311] {strides = array<i32>} : memref<392x64xf32, #tpu.memory_space<vmem>>, vector<1x16xf32>,
          %swap3A_313 = vector.shape_cast %swap3A_312 : vector<1x16xf32> to vector<16xf32>
          %swap3A_314 = vector.shape_cast %add3A_309 : vector<16xf32> to vector<1x16xf32>
          tpu.vector_store %arg18[%swap3A_310, %swap3A_311], %swap3A_314 {strides = array<i32>} : memref<392x64xf32, #tpu.memory_space<vmem>>, vector<1x16xf32>,
          %get3A_315 = arith.index_cast %sub3A_268 : i32 to index
          %get3A_316 = arith.constant 48 : index
          %get3A_317 = tpu.vector_load %arg18[%get3A_315, %get3A_316] {strides = array<i32>} : memref<392x64xf32, #tpu.memory_space<vmem>>, vector<1x16xf32>,
          %get3A_318 = vector.shape_cast %get3A_317 : vector<1x16xf32> to vector<16xf32>
          %get3A_319 = arith.index_cast %scan3A_261 : i32 to index
          %get3A_320 = arith.constant 48 : index
          %get3A_321 = tpu.vector_load %arg16[%get3A_319, %get3A_320] {strides = array<i32>} : memref<128x64xf32, #tpu.memory_space<vmem>>, vector<1x16xf32>,
          %get3A_322 = vector.shape_cast %get3A_321 : vector<1x16xf32> to vector<16xf32>
          %add3A_323 = arith.addf %get3A_318, %get3A_322 : vector<16xf32>
          %swap3A_324 = arith.index_cast %sub3A_268 : i32 to index
          %swap3A_325 = arith.constant 48 : index
          %swap3A_326 = tpu.vector_load %arg18[%swap3A_324, %swap3A_325] {strides = array<i32>} : memref<392x64xf32, #tpu.memory_space<vmem>>, vector<1x16xf32>,
          %swap3A_327 = vector.shape_cast %swap3A_326 : vector<1x16xf32> to vector<16xf32>
          %swap3A_328 = vector.shape_cast %add3A_323 : vector<16xf32> to vector<1x16xf32>
          tpu.vector_store %arg18[%swap3A_324, %swap3A_325], %swap3A_328 {strides = array<i32>} : memref<392x64xf32, #tpu.memory_space<vmem>>, vector<1x16xf32>,
        } else {
        }
      }
      %scan3A_260 = arith.constant 128 : i32
    }
    %while3A_35 = arith.constant 1 : i32
    scf.for %while3A_252 = %while3A_33 to %while3A_29 step %while3A_35  : i32 {
      %mul3A_253 = arith.constant 128 : i32
      %mul3A_254 = arith.muli %while3A_252, %mul3A_253 : i32
      "tpu.region"() ({
        %run_scoped3A = tpu.sem_alloc : memref<!tpu.dma_semaphore, #tpu.memory_space<semaphore_mem>>
        %dma_start3A = arith.constant 0 : i32
        %dma_start3A_261 = tpu.memref_slice %arg15[%dma_start3A] : memref<144xi32, #tpu.memory_space<vmem>> -> memref<128xi32, #tpu.memory_space<vmem>>
        %dma_start3A_262 = tpu.memref_slice %arg6[%mul3A_254] : memref<800000xi32, #tpu.memory_space<hbm>> -> memref<128xi32, #tpu.memory_space<hbm>>
        %dma_start3A_263 = arith.constant 0 : i32
        %dma_start3A_264 = tpu.memref_slice %arg15[%dma_start3A_263] : memref<144xi32, #tpu.memory_space<vmem>> -> memref<128xi32, #tpu.memory_space<vmem>>
        %dma_start3A_265 = tpu.memref_slice %arg6[%mul3A_254] : memref<800000xi32, #tpu.memory_space<hbm>> -> memref<128xi32, #tpu.memory_space<hbm>>
        tpu.enqueue_dma source(%dma_start3A_265 : memref<128xi32, #tpu.memory_space<hbm>>) target(%dma_start3A_264 : memref<128xi32, #tpu.memory_space<vmem>>) target_semaphore(%run_scoped3A : memref<!tpu.dma_semaphore, #tpu.memory_space<semaphore_mem>>)
        %dma_wait3A = arith.constant 0 : i32
        %dma_wait3A_266 = tpu.memref_slice %arg15[%dma_wait3A] : memref<144xi32, #tpu.memory_space<vmem>> -> memref<128xi32, #tpu.memory_space<vmem>>
        %dma_wait3A_267 = tpu.memref_slice %arg6[%mul3A_254] : memref<800000xi32, #tpu.memory_space<hbm>> -> memref<128xi32, #tpu.memory_space<hbm>>
        %dma_wait3A_268 = arith.constant 0 : i32
        %dma_wait3A_269 = tpu.memref_slice %arg15[%dma_wait3A_268] : memref<144xi32, #tpu.memory_space<vmem>> -> memref<128xi32, #tpu.memory_space<vmem>>
        %dma_wait3A_270 = tpu.memref_slice %arg6[%mul3A_254] : memref<800000xi32, #tpu.memory_space<hbm>> -> memref<128xi32, #tpu.memory_space<hbm>>
        tpu.wait_dma2 semaphore(%run_scoped3A : memref<!tpu.dma_semaphore, #tpu.memory_space<semaphore_mem>>) src(%dma_wait3A_270 : memref<128xi32, #tpu.memory_space<hbm>>) dst(%dma_wait3A_269 : memref<128xi32, #tpu.memory_space<vmem>>)
        tpu.yield
      }) : () -> ()
      "tpu.region"() ({
        %run_scoped3A = tpu.sem_alloc : memref<!tpu.dma_semaphore, #tpu.memory_space<semaphore_mem>>
        %dma_start3A = arith.constant 0 : i32
        %dma_start3A_261 = tpu.memref_slice %arg5[%mul3A_254, %dma_start3A] : memref<800000x64xf32, #tpu.memory_space<hbm>> -> memref<128x64xf32, #tpu.memory_space<hbm>>
        %dma_start3A_262 = arith.constant 0 : i32
        %dma_start3A_263 = tpu.memref_slice %arg5[%mul3A_254, %dma_start3A_262] : memref<800000x64xf32, #tpu.memory_space<hbm>> -> memref<128x64xf32, #tpu.memory_space<hbm>>
        tpu.enqueue_dma source(%dma_start3A_263 : memref<128x64xf32, #tpu.memory_space<hbm>>) target(%arg16 : memref<128x64xf32, #tpu.memory_space<vmem>>) target_semaphore(%run_scoped3A : memref<!tpu.dma_semaphore, #tpu.memory_space<semaphore_mem>>)
        %dma_wait3A = arith.constant 0 : i32
        %dma_wait3A_264 = tpu.memref_slice %arg5[%mul3A_254, %dma_wait3A] : memref<800000x64xf32, #tpu.memory_space<hbm>> -> memref<128x64xf32, #tpu.memory_space<hbm>>
        %dma_wait3A_265 = arith.constant 0 : i32
        %dma_wait3A_266 = tpu.memref_slice %arg5[%mul3A_254, %dma_wait3A_265] : memref<800000x64xf32, #tpu.memory_space<hbm>> -> memref<128x64xf32, #tpu.memory_space<hbm>>
        tpu.wait_dma2 semaphore(%run_scoped3A : memref<!tpu.dma_semaphore, #tpu.memory_space<semaphore_mem>>) src(%dma_wait3A_266 : memref<128x64xf32, #tpu.memory_space<hbm>>) dst(%arg16 : memref<128x64xf32, #tpu.memory_space<vmem>>)
        tpu.yield
      }) : () -> ()
      %scan3A_255 = arith.constant 0 : i32
      %scan3A_256 = arith.constant 0 : i32
      %scan3A_257 = arith.constant 128 : i32
      %scan3A_258 = arith.addi %scan3A_256, %scan3A_257 : i32
      %scan3A_259 = arith.constant 1 : i32
      scf.for %scan3A_261 = %scan3A_256 to %scan3A_258 step %scan3A_259  : i32 {
        %add3A_262 = arith.addi %mul3A_254, %scan3A_261 : i32
        %get3A_263 = arith.index_cast %scan3A_261 : i32 to index
        %get3A_264 = tpu.vector_load %arg15[%get3A_263] {strides = array<i32>} : memref<144xi32, #tpu.memory_space<vmem>>, vector<16xi32>,
        %get3A_265 = vector.shape_cast %get3A_264 : vector<16xi32> to vector<16xi32>
        %slice3A_266 = vector.extract_strided_slice %get3A_265 {offsets = [0], sizes = [1], strides = [1]} : vector<16xi32> to vector<1xi32>
        %squeeze3A_267 = vector.extract %slice3A_266[0] : i32 from vector<1xi32>
        %sub3A_268 = arith.subi %squeeze3A_267, %add3A_5 : i32
        %ge3A = arith.cmpi sge, %add3A_262, %squeeze3A : i32
        %lt3A_269 = arith.cmpi slt, %add3A_262, %squeeze3A_21 : i32
        %and3A_270 = arith.andi %ge3A, %lt3A_269 : i1
        %convert_element_type3A_271 = arith.extui %and3A_270 : i1 to i32
        %cond3A_272 = arith.constant 0 : i32
        %cond3A_273 = arith.cmpi ne, %convert_element_type3A_271, %cond3A_272 : i32
        scf.if %cond3A_273 {
          %get3A_274 = arith.index_cast %sub3A_268 : i32 to index
          %get3A_275 = arith.constant 0 : index
          %get3A_276 = tpu.vector_load %arg18[%get3A_274, %get3A_275] {strides = array<i32>} : memref<392x64xf32, #tpu.memory_space<vmem>>, vector<1x16xf32>,
          %get3A_277 = vector.shape_cast %get3A_276 : vector<1x16xf32> to vector<16xf32>
          %get3A_278 = arith.index_cast %scan3A_261 : i32 to index
          %get3A_279 = arith.constant 0 : index
          %get3A_280 = tpu.vector_load %arg16[%get3A_278, %get3A_279] {strides = array<i32>} : memref<128x64xf32, #tpu.memory_space<vmem>>, vector<1x16xf32>,
          %get3A_281 = vector.shape_cast %get3A_280 : vector<1x16xf32> to vector<16xf32>
          %add3A_282 = arith.addf %get3A_277, %get3A_281 : vector<16xf32>
          %swap3A = arith.index_cast %sub3A_268 : i32 to index
          %swap3A_283 = arith.constant 0 : index
          %swap3A_284 = tpu.vector_load %arg18[%swap3A, %swap3A_283] {strides = array<i32>} : memref<392x64xf32, #tpu.memory_space<vmem>>, vector<1x16xf32>,
          %swap3A_285 = vector.shape_cast %swap3A_284 : vector<1x16xf32> to vector<16xf32>
          %swap3A_286 = vector.shape_cast %add3A_282 : vector<16xf32> to vector<1x16xf32>
          tpu.vector_store %arg18[%swap3A, %swap3A_283], %swap3A_286 {strides = array<i32>} : memref<392x64xf32, #tpu.memory_space<vmem>>, vector<1x16xf32>,
          %get3A_287 = arith.index_cast %sub3A_268 : i32 to index
          %get3A_288 = arith.constant 16 : index
          %get3A_289 = tpu.vector_load %arg18[%get3A_287, %get3A_288] {strides = array<i32>} : memref<392x64xf32, #tpu.memory_space<vmem>>, vector<1x16xf32>,
          %get3A_290 = vector.shape_cast %get3A_289 : vector<1x16xf32> to vector<16xf32>
          %get3A_291 = arith.index_cast %scan3A_261 : i32 to index
          %get3A_292 = arith.constant 16 : index
          %get3A_293 = tpu.vector_load %arg16[%get3A_291, %get3A_292] {strides = array<i32>} : memref<128x64xf32, #tpu.memory_space<vmem>>, vector<1x16xf32>,
          %get3A_294 = vector.shape_cast %get3A_293 : vector<1x16xf32> to vector<16xf32>
          %add3A_295 = arith.addf %get3A_290, %get3A_294 : vector<16xf32>
          %swap3A_296 = arith.index_cast %sub3A_268 : i32 to index
          %swap3A_297 = arith.constant 16 : index
          %swap3A_298 = tpu.vector_load %arg18[%swap3A_296, %swap3A_297] {strides = array<i32>} : memref<392x64xf32, #tpu.memory_space<vmem>>, vector<1x16xf32>,
          %swap3A_299 = vector.shape_cast %swap3A_298 : vector<1x16xf32> to vector<16xf32>
          %swap3A_300 = vector.shape_cast %add3A_295 : vector<16xf32> to vector<1x16xf32>
          tpu.vector_store %arg18[%swap3A_296, %swap3A_297], %swap3A_300 {strides = array<i32>} : memref<392x64xf32, #tpu.memory_space<vmem>>, vector<1x16xf32>,
          %get3A_301 = arith.index_cast %sub3A_268 : i32 to index
          %get3A_302 = arith.constant 32 : index
          %get3A_303 = tpu.vector_load %arg18[%get3A_301, %get3A_302] {strides = array<i32>} : memref<392x64xf32, #tpu.memory_space<vmem>>, vector<1x16xf32>,
          %get3A_304 = vector.shape_cast %get3A_303 : vector<1x16xf32> to vector<16xf32>
          %get3A_305 = arith.index_cast %scan3A_261 : i32 to index
          %get3A_306 = arith.constant 32 : index
          %get3A_307 = tpu.vector_load %arg16[%get3A_305, %get3A_306] {strides = array<i32>} : memref<128x64xf32, #tpu.memory_space<vmem>>, vector<1x16xf32>,
          %get3A_308 = vector.shape_cast %get3A_307 : vector<1x16xf32> to vector<16xf32>
          %add3A_309 = arith.addf %get3A_304, %get3A_308 : vector<16xf32>
          %swap3A_310 = arith.index_cast %sub3A_268 : i32 to index
          %swap3A_311 = arith.constant 32 : index
          %swap3A_312 = tpu.vector_load %arg18[%swap3A_310, %swap3A_311] {strides = array<i32>} : memref<392x64xf32, #tpu.memory_space<vmem>>, vector<1x16xf32>,
          %swap3A_313 = vector.shape_cast %swap3A_312 : vector<1x16xf32> to vector<16xf32>
          %swap3A_314 = vector.shape_cast %add3A_309 : vector<16xf32> to vector<1x16xf32>
          tpu.vector_store %arg18[%swap3A_310, %swap3A_311], %swap3A_314 {strides = array<i32>} : memref<392x64xf32, #tpu.memory_space<vmem>>, vector<1x16xf32>,
          %get3A_315 = arith.index_cast %sub3A_268 : i32 to index
          %get3A_316 = arith.constant 48 : index
          %get3A_317 = tpu.vector_load %arg18[%get3A_315, %get3A_316] {strides = array<i32>} : memref<392x64xf32, #tpu.memory_space<vmem>>, vector<1x16xf32>,
          %get3A_318 = vector.shape_cast %get3A_317 : vector<1x16xf32> to vector<16xf32>
          %get3A_319 = arith.index_cast %scan3A_261 : i32 to index
          %get3A_320 = arith.constant 48 : index
          %get3A_321 = tpu.vector_load %arg16[%get3A_319, %get3A_320] {strides = array<i32>} : memref<128x64xf32, #tpu.memory_space<vmem>>, vector<1x16xf32>,
          %get3A_322 = vector.shape_cast %get3A_321 : vector<1x16xf32> to vector<16xf32>
          %add3A_323 = arith.addf %get3A_318, %get3A_322 : vector<16xf32>
          %swap3A_324 = arith.index_cast %sub3A_268 : i32 to index
          %swap3A_325 = arith.constant 48 : index
          %swap3A_326 = tpu.vector_load %arg18[%swap3A_324, %swap3A_325] {strides = array<i32>} : memref<392x64xf32, #tpu.memory_space<vmem>>, vector<1x16xf32>,
          %swap3A_327 = vector.shape_cast %swap3A_326 : vector<1x16xf32> to vector<16xf32>
          %swap3A_328 = vector.shape_cast %add3A_323 : vector<16xf32> to vector<1x16xf32>
          tpu.vector_store %arg18[%swap3A_324, %swap3A_325], %swap3A_328 {strides = array<i32>} : memref<392x64xf32, #tpu.memory_space<vmem>>, vector<1x16xf32>,
        } else {
        }
      }
      %scan3A_260 = arith.constant 128 : i32
    }
    %lt3A = arith.constant 31 : i32
    %lt3A_36 = arith.cmpi slt, %add3A, %lt3A : i32
    %convert_element_type3A = arith.extui %lt3A_36 : i1 to i32
    %cond3A = arith.constant 0 : i32
    %cond3A_37 = arith.cmpi ne, %convert_element_type3A, %cond3A : i32
    scf.if %cond3A_37 {
      "tpu.region"() ({
        %run_scoped3A = tpu.sem_alloc : memref<!tpu.dma_semaphore, #tpu.memory_space<semaphore_mem>>
        %dma_start3A = arith.constant 0 : i32
        %dma_start3A_252 = tpu.memref_slice %arg9[%add3A_5, %dma_start3A] : memref<50000x64xf32, #tpu.memory_space<hbm>> -> memref<392x64xf32, #tpu.memory_space<hbm>>
        %dma_start3A_253 = arith.constant 0 : i32
        %dma_start3A_254 = tpu.memref_slice %arg9[%add3A_5, %dma_start3A_253] : memref<50000x64xf32, #tpu.memory_space<hbm>> -> memref<392x64xf32, #tpu.memory_space<hbm>>
        tpu.enqueue_dma source(%arg18 : memref<392x64xf32, #tpu.memory_space<vmem>>) target(%dma_start3A_254 : memref<392x64xf32, #tpu.memory_space<hbm>>) target_semaphore(%run_scoped3A : memref<!tpu.dma_semaphore, #tpu.memory_space<semaphore_mem>>)
        %dma_wait3A = arith.constant 0 : i32
        %dma_wait3A_255 = tpu.memref_slice %arg9[%add3A_5, %dma_wait3A] : memref<50000x64xf32, #tpu.memory_space<hbm>> -> memref<392x64xf32, #tpu.memory_space<hbm>>
        %dma_wait3A_256 = arith.constant 0 : i32
        %dma_wait3A_257 = tpu.memref_slice %arg9[%add3A_5, %dma_wait3A_256] : memref<50000x64xf32, #tpu.memory_space<hbm>> -> memref<392x64xf32, #tpu.memory_space<hbm>>
        tpu.wait_dma2 semaphore(%run_scoped3A : memref<!tpu.dma_semaphore, #tpu.memory_space<semaphore_mem>>) src(%arg18 : memref<392x64xf32, #tpu.memory_space<vmem>>) dst(%dma_wait3A_257 : memref<392x64xf32, #tpu.memory_space<hbm>>)
        tpu.yield
      }) : () -> ()
    } else {
    }
    %eq3A = arith.constant 31 : i32
    %eq3A_38 = arith.cmpi eq, %add3A, %eq3A : i32
    %convert_element_type3A_39 = arith.extui %eq3A_38 : i1 to i32
    %cond3A_40 = arith.constant 0 : i32
    %cond3A_41 = arith.cmpi ne, %convert_element_type3A_39, %cond3A_40 : i32
    scf.if %cond3A_41 {
      "tpu.region"() ({
        %run_scoped3A = tpu.sem_alloc : memref<!tpu.dma_semaphore, #tpu.memory_space<semaphore_mem>>
        %dma_start3A = arith.constant 0 : i32
        %dma_start3A_252 = arith.constant 0 : i32
        %dma_start3A_253 = tpu.memref_slice %arg18[%dma_start3A, %dma_start3A_252] : memref<392x64xf32, #tpu.memory_space<vmem>> -> memref<360x64xf32, #tpu.memory_space<vmem>>
        %dma_start3A_254 = arith.constant 0 : i32
        %dma_start3A_255 = tpu.memref_slice %arg9[%add3A_5, %dma_start3A_254] : memref<50000x64xf32, #tpu.memory_space<hbm>> -> memref<360x64xf32, #tpu.memory_space<hbm>>
        %dma_start3A_256 = arith.constant 0 : i32
        %dma_start3A_257 = tpu.memref_slice %arg9[%add3A_5, %dma_start3A_256] : memref<50000x64xf32, #tpu.memory_space<hbm>> -> memref<360x64xf32, #tpu.memory_space<hbm>>
        %dma_start3A_258 = arith.constant 0 : i32
        %dma_start3A_259 = arith.constant 0 : i32
        %dma_start3A_260 = tpu.memref_slice %arg18[%dma_start3A_258, %dma_start3A_259] : memref<392x64xf32, #tpu.memory_space<vmem>> -> memref<360x64xf32, #tpu.memory_space<vmem>>
        tpu.enqueue_dma source(%dma_start3A_260 : memref<360x64xf32, #tpu.memory_space<vmem>>) target(%dma_start3A_257 : memref<360x64xf32, #tpu.memory_space<hbm>>) target_semaphore(%run_scoped3A : memref<!tpu.dma_semaphore, #tpu.memory_space<semaphore_mem>>)
        %dma_wait3A = arith.constant 0 : i32
        %dma_wait3A_261 = arith.constant 0 : i32
        %dma_wait3A_262 = tpu.memref_slice %arg18[%dma_wait3A, %dma_wait3A_261] : memref<392x64xf32, #tpu.memory_space<vmem>> -> memref<360x64xf32, #tpu.memory_space<vmem>>
        %dma_wait3A_263 = arith.constant 0 : i32
        %dma_wait3A_264 = tpu.memref_slice %arg9[%add3A_5, %dma_wait3A_263] : memref<50000x64xf32, #tpu.memory_space<hbm>> -> memref<360x64xf32, #tpu.memory_space<hbm>>
        %dma_wait3A_265 = arith.constant 0 : i32
        %dma_wait3A_266 = tpu.memref_slice %arg9[%add3A_5, %dma_wait3A_265] : memref<50000x64xf32, #tpu.memory_space<hbm>> -> memref<360x64xf32, #tpu.memory_space<hbm>>
        %dma_wait3A_267 = arith.constant 0 : i32
        %dma_wait3A_268 = arith.constant 0 : i32
        %dma_wait3A_269 = tpu.memref_slice %arg18[%dma_wait3A_267, %dma_wait3A_268] : memref<392x64xf32, #tpu.memory_space<vmem>> -> memref<360x64xf32, #tpu.memory_space<vmem>>
        tpu.wait_dma2 semaphore(%run_scoped3A : memref<!tpu.dma_semaphore, #tpu.memory_space<semaphore_mem>>) src(%dma_wait3A_269 : memref<360x64xf32, #tpu.memory_space<vmem>>) dst(%dma_wait3A_266 : memref<360x64xf32, #tpu.memory_space<hbm>>)
        tpu.yield
      }) : () -> ()
    } else {
    }
    %mul3A_42 = arith.constant 392 : i32
    %mul3A_43 = arith.muli %mul3A_42, %add3A : i32
    %add3A_44 = arith.constant 12512 : i32
    %add3A_45 = arith.addi %add3A_44, %mul3A_43 : i32
    %scan3A_46 = arith.constant 0 : i32
    %scan3A_47 = arith.constant 0 : i32
    %scan3A_48 = arith.constant 392 : i32
    %scan3A_49 = arith.addi %scan3A_47, %scan3A_48 : i32
    %scan3A_50 = arith.constant 1 : i32
    scf.for %scan3A_252 = %scan3A_47 to %scan3A_49 step %scan3A_50  : i32 {
      %swap3A = arith.index_cast %scan3A_252 : i32 to index
      %swap3A_253 = arith.constant 0 : index
      %swap3A_254 = tpu.vector_load %arg18[%swap3A, %swap3A_253] {strides = array<i32>} : memref<392x64xf32, #tpu.memory_space<vmem>>, vector<1x16xf32>,
      %swap3A_255 = vector.shape_cast %swap3A_254 : vector<1x16xf32> to vector<16xf32>
      %swap3A_256 = vector.shape_cast %broadcast_in_dim3A_1 : vector<16xf32> to vector<1x16xf32>
      tpu.vector_store %arg18[%swap3A, %swap3A_253], %swap3A_256 {strides = array<i32>} : memref<392x64xf32, #tpu.memory_space<vmem>>, vector<1x16xf32>,
      %swap3A_257 = arith.index_cast %scan3A_252 : i32 to index
      %swap3A_258 = arith.constant 16 : index
      %swap3A_259 = tpu.vector_load %arg18[%swap3A_257, %swap3A_258] {strides = array<i32>} : memref<392x64xf32, #tpu.memory_space<vmem>>, vector<1x16xf32>,
      %swap3A_260 = vector.shape_cast %swap3A_259 : vector<1x16xf32> to vector<16xf32>
      %swap3A_261 = vector.shape_cast %broadcast_in_dim3A_1 : vector<16xf32> to vector<1x16xf32>
      tpu.vector_store %arg18[%swap3A_257, %swap3A_258], %swap3A_261 {strides = array<i32>} : memref<392x64xf32, #tpu.memory_space<vmem>>, vector<1x16xf32>,
      %swap3A_262 = arith.index_cast %scan3A_252 : i32 to index
      %swap3A_263 = arith.constant 32 : index
      %swap3A_264 = tpu.vector_load %arg18[%swap3A_262, %swap3A_263] {strides = array<i32>} : memref<392x64xf32, #tpu.memory_space<vmem>>, vector<1x16xf32>,
      %swap3A_265 = vector.shape_cast %swap3A_264 : vector<1x16xf32> to vector<16xf32>
      %swap3A_266 = vector.shape_cast %broadcast_in_dim3A_1 : vector<16xf32> to vector<1x16xf32>
      tpu.vector_store %arg18[%swap3A_262, %swap3A_263], %swap3A_266 {strides = array<i32>} : memref<392x64xf32, #tpu.memory_space<vmem>>, vector<1x16xf32>,
      %swap3A_267 = arith.index_cast %scan3A_252 : i32 to index
      %swap3A_268 = arith.constant 48 : index
      %swap3A_269 = tpu.vector_load %arg18[%swap3A_267, %swap3A_268] {strides = array<i32>} : memref<392x64xf32, #tpu.memory_space<vmem>>, vector<1x16xf32>,
      %swap3A_270 = vector.shape_cast %swap3A_269 : vector<1x16xf32> to vector<16xf32>
      %swap3A_271 = vector.shape_cast %broadcast_in_dim3A_1 : vector<16xf32> to vector<1x16xf32>
      tpu.vector_store %arg18[%swap3A_267, %swap3A_268], %swap3A_271 {strides = array<i32>} : memref<392x64xf32, #tpu.memory_space<vmem>>, vector<1x16xf32>,
    }
    %scan3A_51 = arith.constant 392 : i32
    %add3A_52 = arith.constant 32 : i32
    %add3A_53 = arith.addi %add3A_52, %add3A : i32
    %get3A_54 = arith.index_cast %add3A_53 : i32 to index
    %get3A_55 = tpu.vector_load %arg17[%get3A_54] {strides = array<i32>} : memref<144xi32, #tpu.memory_space<vmem>>, vector<16xi32>,
    %get3A_56 = vector.shape_cast %get3A_55 : vector<16xi32> to vector<16xi32>
    %slice3A_57 = vector.extract_strided_slice %get3A_56 {offsets = [0], sizes = [1], strides = [1]} : vector<16xi32> to vector<1xi32>
    %squeeze3A_58 = vector.extract %slice3A_57[0] : i32 from vector<1xi32>
    %add3A_59 = arith.constant 1 : i32
    %add3A_60 = arith.addi %add3A_53, %add3A_59 : i32
    %get3A_61 = arith.index_cast %add3A_60 : i32 to index
    %get3A_62 = tpu.vector_load %arg17[%get3A_61] {strides = array<i32>} : memref<144xi32, #tpu.memory_space<vmem>>, vector<16xi32>,
    %get3A_63 = vector.shape_cast %get3A_62 : vector<16xi32> to vector<16xi32>
    %slice3A_64 = vector.extract_strided_slice %get3A_63 {offsets = [0], sizes = [1], strides = [1]} : vector<16xi32> to vector<1xi32>
    %squeeze3A_65 = vector.extract %slice3A_64[0] : i32 from vector<1xi32>
    %div3A_66 = arith.constant 128 : i32
    %div3A_67 = arith.divsi %squeeze3A_58, %div3A_66 : i32
    %add3A_68 = arith.constant 128 : i32
    %add3A_69 = arith.addi %squeeze3A_65, %add3A_68 : i32
    %sub3A_70 = arith.constant 1 : i32
    %sub3A_71 = arith.subi %add3A_69, %sub3A_70 : i32
    %div3A_72 = arith.constant 128 : i32
    %div3A_73 = arith.divsi %sub3A_71, %div3A_72 : i32
    %while3A_74 = arith.constant 0 : i32
    %while3A_75 = arith.subi %div3A_73, %div3A_67 : i32
    %while3A_76 = arith.addi %div3A_67, %while3A_75 : i32
    %while3A_77 = arith.constant 1 : i32
    %while3A_78 = arith.divsi %while3A_75, %while3A_77 : i32
    %while3A_79 = arith.muli %while3A_78, %while3A_77 : i32
    %while3A_80 = arith.addi %div3A_67, %while3A_79 : i32
    %while3A_81 = arith.constant 1 : i32
    scf.for %while3A_252 = %div3A_67 to %while3A_80 step %while3A_81  : i32 {
      %mul3A_253 = arith.constant 128 : i32
      %mul3A_254 = arith.muli %while3A_252, %mul3A_253 : i32
      "tpu.region"() ({
        %run_scoped3A = tpu.sem_alloc : memref<!tpu.dma_semaphore, #tpu.memory_space<semaphore_mem>>
        %dma_start3A = arith.constant 0 : i32
        %dma_start3A_261 = tpu.memref_slice %arg15[%dma_start3A] : memref<144xi32, #tpu.memory_space<vmem>> -> memref<128xi32, #tpu.memory_space<vmem>>
        %dma_start3A_262 = tpu.memref_slice %arg6[%mul3A_254] : memref<800000xi32, #tpu.memory_space<hbm>> -> memref<128xi32, #tpu.memory_space<hbm>>
        %dma_start3A_263 = arith.constant 0 : i32
        %dma_start3A_264 = tpu.memref_slice %arg15[%dma_start3A_263] : memref<144xi32, #tpu.memory_space<vmem>> -> memref<128xi32, #tpu.memory_space<vmem>>
        %dma_start3A_265 = tpu.memref_slice %arg6[%mul3A_254] : memref<800000xi32, #tpu.memory_space<hbm>> -> memref<128xi32, #tpu.memory_space<hbm>>
        tpu.enqueue_dma source(%dma_start3A_265 : memref<128xi32, #tpu.memory_space<hbm>>) target(%dma_start3A_264 : memref<128xi32, #tpu.memory_space<vmem>>) target_semaphore(%run_scoped3A : memref<!tpu.dma_semaphore, #tpu.memory_space<semaphore_mem>>)
        %dma_wait3A = arith.constant 0 : i32
        %dma_wait3A_266 = tpu.memref_slice %arg15[%dma_wait3A] : memref<144xi32, #tpu.memory_space<vmem>> -> memref<128xi32, #tpu.memory_space<vmem>>
        %dma_wait3A_267 = tpu.memref_slice %arg6[%mul3A_254] : memref<800000xi32, #tpu.memory_space<hbm>> -> memref<128xi32, #tpu.memory_space<hbm>>
        %dma_wait3A_268 = arith.constant 0 : i32
        %dma_wait3A_269 = tpu.memref_slice %arg15[%dma_wait3A_268] : memref<144xi32, #tpu.memory_space<vmem>> -> memref<128xi32, #tpu.memory_space<vmem>>
        %dma_wait3A_270 = tpu.memref_slice %arg6[%mul3A_254] : memref<800000xi32, #tpu.memory_space<hbm>> -> memref<128xi32, #tpu.memory_space<hbm>>
        tpu.wait_dma2 semaphore(%run_scoped3A : memref<!tpu.dma_semaphore, #tpu.memory_space<semaphore_mem>>) src(%dma_wait3A_270 : memref<128xi32, #tpu.memory_space<hbm>>) dst(%dma_wait3A_269 : memref<128xi32, #tpu.memory_space<vmem>>)
        tpu.yield
      }) : () -> ()
      "tpu.region"() ({
        %run_scoped3A = tpu.sem_alloc : memref<!tpu.dma_semaphore, #tpu.memory_space<semaphore_mem>>
        %dma_start3A = arith.constant 0 : i32
        %dma_start3A_261 = tpu.memref_slice %arg5[%mul3A_254, %dma_start3A] : memref<800000x64xf32, #tpu.memory_space<hbm>> -> memref<128x64xf32, #tpu.memory_space<hbm>>
        %dma_start3A_262 = arith.constant 0 : i32
        %dma_start3A_263 = tpu.memref_slice %arg5[%mul3A_254, %dma_start3A_262] : memref<800000x64xf32, #tpu.memory_space<hbm>> -> memref<128x64xf32, #tpu.memory_space<hbm>>
        tpu.enqueue_dma source(%dma_start3A_263 : memref<128x64xf32, #tpu.memory_space<hbm>>) target(%arg16 : memref<128x64xf32, #tpu.memory_space<vmem>>) target_semaphore(%run_scoped3A : memref<!tpu.dma_semaphore, #tpu.memory_space<semaphore_mem>>)
        %dma_wait3A = arith.constant 0 : i32
        %dma_wait3A_264 = tpu.memref_slice %arg5[%mul3A_254, %dma_wait3A] : memref<800000x64xf32, #tpu.memory_space<hbm>> -> memref<128x64xf32, #tpu.memory_space<hbm>>
        %dma_wait3A_265 = arith.constant 0 : i32
        %dma_wait3A_266 = tpu.memref_slice %arg5[%mul3A_254, %dma_wait3A_265] : memref<800000x64xf32, #tpu.memory_space<hbm>> -> memref<128x64xf32, #tpu.memory_space<hbm>>
        tpu.wait_dma2 semaphore(%run_scoped3A : memref<!tpu.dma_semaphore, #tpu.memory_space<semaphore_mem>>) src(%dma_wait3A_266 : memref<128x64xf32, #tpu.memory_space<hbm>>) dst(%arg16 : memref<128x64xf32, #tpu.memory_space<vmem>>)
        tpu.yield
      }) : () -> ()
      %scan3A_255 = arith.constant 0 : i32
      %scan3A_256 = arith.constant 0 : i32
      %scan3A_257 = arith.constant 128 : i32
      %scan3A_258 = arith.addi %scan3A_256, %scan3A_257 : i32
      %scan3A_259 = arith.constant 1 : i32
      scf.for %scan3A_261 = %scan3A_256 to %scan3A_258 step %scan3A_259  : i32 {
        %add3A_262 = arith.addi %mul3A_254, %scan3A_261 : i32
        %get3A_263 = arith.index_cast %scan3A_261 : i32 to index
        %get3A_264 = tpu.vector_load %arg15[%get3A_263] {strides = array<i32>} : memref<144xi32, #tpu.memory_space<vmem>>, vector<16xi32>,
        %get3A_265 = vector.shape_cast %get3A_264 : vector<16xi32> to vector<16xi32>
        %slice3A_266 = vector.extract_strided_slice %get3A_265 {offsets = [0], sizes = [1], strides = [1]} : vector<16xi32> to vector<1xi32>
        %squeeze3A_267 = vector.extract %slice3A_266[0] : i32 from vector<1xi32>
        %sub3A_268 = arith.subi %squeeze3A_267, %add3A_45 : i32
        %ge3A = arith.cmpi sge, %add3A_262, %squeeze3A_58 : i32
        %lt3A_269 = arith.cmpi slt, %add3A_262, %squeeze3A_65 : i32
        %and3A_270 = arith.andi %ge3A, %lt3A_269 : i1
        %convert_element_type3A_271 = arith.extui %and3A_270 : i1 to i32
        %cond3A_272 = arith.constant 0 : i32
        %cond3A_273 = arith.cmpi ne, %convert_element_type3A_271, %cond3A_272 : i32
        scf.if %cond3A_273 {
          %get3A_274 = arith.index_cast %sub3A_268 : i32 to index
          %get3A_275 = arith.constant 0 : index
          %get3A_276 = tpu.vector_load %arg18[%get3A_274, %get3A_275] {strides = array<i32>} : memref<392x64xf32, #tpu.memory_space<vmem>>, vector<1x16xf32>,
          %get3A_277 = vector.shape_cast %get3A_276 : vector<1x16xf32> to vector<16xf32>
          %get3A_278 = arith.index_cast %scan3A_261 : i32 to index
          %get3A_279 = arith.constant 0 : index
          %get3A_280 = tpu.vector_load %arg16[%get3A_278, %get3A_279] {strides = array<i32>} : memref<128x64xf32, #tpu.memory_space<vmem>>, vector<1x16xf32>,
          %get3A_281 = vector.shape_cast %get3A_280 : vector<1x16xf32> to vector<16xf32>
          %add3A_282 = arith.addf %get3A_277, %get3A_281 : vector<16xf32>
          %swap3A = arith.index_cast %sub3A_268 : i32 to index
          %swap3A_283 = arith.constant 0 : index
          %swap3A_284 = tpu.vector_load %arg18[%swap3A, %swap3A_283] {strides = array<i32>} : memref<392x64xf32, #tpu.memory_space<vmem>>, vector<1x16xf32>,
          %swap3A_285 = vector.shape_cast %swap3A_284 : vector<1x16xf32> to vector<16xf32>
          %swap3A_286 = vector.shape_cast %add3A_282 : vector<16xf32> to vector<1x16xf32>
          tpu.vector_store %arg18[%swap3A, %swap3A_283], %swap3A_286 {strides = array<i32>} : memref<392x64xf32, #tpu.memory_space<vmem>>, vector<1x16xf32>,
          %get3A_287 = arith.index_cast %sub3A_268 : i32 to index
          %get3A_288 = arith.constant 16 : index
          %get3A_289 = tpu.vector_load %arg18[%get3A_287, %get3A_288] {strides = array<i32>} : memref<392x64xf32, #tpu.memory_space<vmem>>, vector<1x16xf32>,
          %get3A_290 = vector.shape_cast %get3A_289 : vector<1x16xf32> to vector<16xf32>
          %get3A_291 = arith.index_cast %scan3A_261 : i32 to index
          %get3A_292 = arith.constant 16 : index
          %get3A_293 = tpu.vector_load %arg16[%get3A_291, %get3A_292] {strides = array<i32>} : memref<128x64xf32, #tpu.memory_space<vmem>>, vector<1x16xf32>,
          %get3A_294 = vector.shape_cast %get3A_293 : vector<1x16xf32> to vector<16xf32>
          %add3A_295 = arith.addf %get3A_290, %get3A_294 : vector<16xf32>
          %swap3A_296 = arith.index_cast %sub3A_268 : i32 to index
          %swap3A_297 = arith.constant 16 : index
          %swap3A_298 = tpu.vector_load %arg18[%swap3A_296, %swap3A_297] {strides = array<i32>} : memref<392x64xf32, #tpu.memory_space<vmem>>, vector<1x16xf32>,
          %swap3A_299 = vector.shape_cast %swap3A_298 : vector<1x16xf32> to vector<16xf32>
          %swap3A_300 = vector.shape_cast %add3A_295 : vector<16xf32> to vector<1x16xf32>
          tpu.vector_store %arg18[%swap3A_296, %swap3A_297], %swap3A_300 {strides = array<i32>} : memref<392x64xf32, #tpu.memory_space<vmem>>, vector<1x16xf32>,
          %get3A_301 = arith.index_cast %sub3A_268 : i32 to index
          %get3A_302 = arith.constant 32 : index
          %get3A_303 = tpu.vector_load %arg18[%get3A_301, %get3A_302] {strides = array<i32>} : memref<392x64xf32, #tpu.memory_space<vmem>>, vector<1x16xf32>,
          %get3A_304 = vector.shape_cast %get3A_303 : vector<1x16xf32> to vector<16xf32>
          %get3A_305 = arith.index_cast %scan3A_261 : i32 to index
          %get3A_306 = arith.constant 32 : index
          %get3A_307 = tpu.vector_load %arg16[%get3A_305, %get3A_306] {strides = array<i32>} : memref<128x64xf32, #tpu.memory_space<vmem>>, vector<1x16xf32>,
          %get3A_308 = vector.shape_cast %get3A_307 : vector<1x16xf32> to vector<16xf32>
          %add3A_309 = arith.addf %get3A_304, %get3A_308 : vector<16xf32>
          %swap3A_310 = arith.index_cast %sub3A_268 : i32 to index
          %swap3A_311 = arith.constant 32 : index
          %swap3A_312 = tpu.vector_load %arg18[%swap3A_310, %swap3A_311] {strides = array<i32>} : memref<392x64xf32, #tpu.memory_space<vmem>>, vector<1x16xf32>,
          %swap3A_313 = vector.shape_cast %swap3A_312 : vector<1x16xf32> to vector<16xf32>
          %swap3A_314 = vector.shape_cast %add3A_309 : vector<16xf32> to vector<1x16xf32>
          tpu.vector_store %arg18[%swap3A_310, %swap3A_311], %swap3A_314 {strides = array<i32>} : memref<392x64xf32, #tpu.memory_space<vmem>>, vector<1x16xf32>,
          %get3A_315 = arith.index_cast %sub3A_268 : i32 to index
          %get3A_316 = arith.constant 48 : index
          %get3A_317 = tpu.vector_load %arg18[%get3A_315, %get3A_316] {strides = array<i32>} : memref<392x64xf32, #tpu.memory_space<vmem>>, vector<1x16xf32>,
          %get3A_318 = vector.shape_cast %get3A_317 : vector<1x16xf32> to vector<16xf32>
          %get3A_319 = arith.index_cast %scan3A_261 : i32 to index
          %get3A_320 = arith.constant 48 : index
          %get3A_321 = tpu.vector_load %arg16[%get3A_319, %get3A_320] {strides = array<i32>} : memref<128x64xf32, #tpu.memory_space<vmem>>, vector<1x16xf32>,
          %get3A_322 = vector.shape_cast %get3A_321 : vector<1x16xf32> to vector<16xf32>
          %add3A_323 = arith.addf %get3A_318, %get3A_322 : vector<16xf32>
          %swap3A_324 = arith.index_cast %sub3A_268 : i32 to index
          %swap3A_325 = arith.constant 48 : index
          %swap3A_326 = tpu.vector_load %arg18[%swap3A_324, %swap3A_325] {strides = array<i32>} : memref<392x64xf32, #tpu.memory_space<vmem>>, vector<1x16xf32>,
          %swap3A_327 = vector.shape_cast %swap3A_326 : vector<1x16xf32> to vector<16xf32>
          %swap3A_328 = vector.shape_cast %add3A_323 : vector<16xf32> to vector<1x16xf32>
          tpu.vector_store %arg18[%swap3A_324, %swap3A_325], %swap3A_328 {strides = array<i32>} : memref<392x64xf32, #tpu.memory_space<vmem>>, vector<1x16xf32>,
        } else {
        }
      }
      %scan3A_260 = arith.constant 128 : i32
    }
    %while3A_82 = arith.constant 1 : i32
    scf.for %while3A_252 = %while3A_80 to %while3A_76 step %while3A_82  : i32 {
      %mul3A_253 = arith.constant 128 : i32
      %mul3A_254 = arith.muli %while3A_252, %mul3A_253 : i32
      "tpu.region"() ({
        %run_scoped3A = tpu.sem_alloc : memref<!tpu.dma_semaphore, #tpu.memory_space<semaphore_mem>>
        %dma_start3A = arith.constant 0 : i32
        %dma_start3A_261 = tpu.memref_slice %arg15[%dma_start3A] : memref<144xi32, #tpu.memory_space<vmem>> -> memref<128xi32, #tpu.memory_space<vmem>>
        %dma_start3A_262 = tpu.memref_slice %arg6[%mul3A_254] : memref<800000xi32, #tpu.memory_space<hbm>> -> memref<128xi32, #tpu.memory_space<hbm>>
        %dma_start3A_263 = arith.constant 0 : i32
        %dma_start3A_264 = tpu.memref_slice %arg15[%dma_start3A_263] : memref<144xi32, #tpu.memory_space<vmem>> -> memref<128xi32, #tpu.memory_space<vmem>>
        %dma_start3A_265 = tpu.memref_slice %arg6[%mul3A_254] : memref<800000xi32, #tpu.memory_space<hbm>> -> memref<128xi32, #tpu.memory_space<hbm>>
        tpu.enqueue_dma source(%dma_start3A_265 : memref<128xi32, #tpu.memory_space<hbm>>) target(%dma_start3A_264 : memref<128xi32, #tpu.memory_space<vmem>>) target_semaphore(%run_scoped3A : memref<!tpu.dma_semaphore, #tpu.memory_space<semaphore_mem>>)
        %dma_wait3A = arith.constant 0 : i32
        %dma_wait3A_266 = tpu.memref_slice %arg15[%dma_wait3A] : memref<144xi32, #tpu.memory_space<vmem>> -> memref<128xi32, #tpu.memory_space<vmem>>
        %dma_wait3A_267 = tpu.memref_slice %arg6[%mul3A_254] : memref<800000xi32, #tpu.memory_space<hbm>> -> memref<128xi32, #tpu.memory_space<hbm>>
        %dma_wait3A_268 = arith.constant 0 : i32
        %dma_wait3A_269 = tpu.memref_slice %arg15[%dma_wait3A_268] : memref<144xi32, #tpu.memory_space<vmem>> -> memref<128xi32, #tpu.memory_space<vmem>>
        %dma_wait3A_270 = tpu.memref_slice %arg6[%mul3A_254] : memref<800000xi32, #tpu.memory_space<hbm>> -> memref<128xi32, #tpu.memory_space<hbm>>
        tpu.wait_dma2 semaphore(%run_scoped3A : memref<!tpu.dma_semaphore, #tpu.memory_space<semaphore_mem>>) src(%dma_wait3A_270 : memref<128xi32, #tpu.memory_space<hbm>>) dst(%dma_wait3A_269 : memref<128xi32, #tpu.memory_space<vmem>>)
        tpu.yield
      }) : () -> ()
      "tpu.region"() ({
        %run_scoped3A = tpu.sem_alloc : memref<!tpu.dma_semaphore, #tpu.memory_space<semaphore_mem>>
        %dma_start3A = arith.constant 0 : i32
        %dma_start3A_261 = tpu.memref_slice %arg5[%mul3A_254, %dma_start3A] : memref<800000x64xf32, #tpu.memory_space<hbm>> -> memref<128x64xf32, #tpu.memory_space<hbm>>
        %dma_start3A_262 = arith.constant 0 : i32
        %dma_start3A_263 = tpu.memref_slice %arg5[%mul3A_254, %dma_start3A_262] : memref<800000x64xf32, #tpu.memory_space<hbm>> -> memref<128x64xf32, #tpu.memory_space<hbm>>
        tpu.enqueue_dma source(%dma_start3A_263 : memref<128x64xf32, #tpu.memory_space<hbm>>) target(%arg16 : memref<128x64xf32, #tpu.memory_space<vmem>>) target_semaphore(%run_scoped3A : memref<!tpu.dma_semaphore, #tpu.memory_space<semaphore_mem>>)
        %dma_wait3A = arith.constant 0 : i32
        %dma_wait3A_264 = tpu.memref_slice %arg5[%mul3A_254, %dma_wait3A] : memref<800000x64xf32, #tpu.memory_space<hbm>> -> memref<128x64xf32, #tpu.memory_space<hbm>>
        %dma_wait3A_265 = arith.constant 0 : i32
        %dma_wait3A_266 = tpu.memref_slice %arg5[%mul3A_254, %dma_wait3A_265] : memref<800000x64xf32, #tpu.memory_space<hbm>> -> memref<128x64xf32, #tpu.memory_space<hbm>>
        tpu.wait_dma2 semaphore(%run_scoped3A : memref<!tpu.dma_semaphore, #tpu.memory_space<semaphore_mem>>) src(%dma_wait3A_266 : memref<128x64xf32, #tpu.memory_space<hbm>>) dst(%arg16 : memref<128x64xf32, #tpu.memory_space<vmem>>)
        tpu.yield
      }) : () -> ()
      %scan3A_255 = arith.constant 0 : i32
      %scan3A_256 = arith.constant 0 : i32
      %scan3A_257 = arith.constant 128 : i32
      %scan3A_258 = arith.addi %scan3A_256, %scan3A_257 : i32
      %scan3A_259 = arith.constant 1 : i32
      scf.for %scan3A_261 = %scan3A_256 to %scan3A_258 step %scan3A_259  : i32 {
        %add3A_262 = arith.addi %mul3A_254, %scan3A_261 : i32
        %get3A_263 = arith.index_cast %scan3A_261 : i32 to index
        %get3A_264 = tpu.vector_load %arg15[%get3A_263] {strides = array<i32>} : memref<144xi32, #tpu.memory_space<vmem>>, vector<16xi32>,
        %get3A_265 = vector.shape_cast %get3A_264 : vector<16xi32> to vector<16xi32>
        %slice3A_266 = vector.extract_strided_slice %get3A_265 {offsets = [0], sizes = [1], strides = [1]} : vector<16xi32> to vector<1xi32>
        %squeeze3A_267 = vector.extract %slice3A_266[0] : i32 from vector<1xi32>
        %sub3A_268 = arith.subi %squeeze3A_267, %add3A_45 : i32
        %ge3A = arith.cmpi sge, %add3A_262, %squeeze3A_58 : i32
        %lt3A_269 = arith.cmpi slt, %add3A_262, %squeeze3A_65 : i32
        %and3A_270 = arith.andi %ge3A, %lt3A_269 : i1
        %convert_element_type3A_271 = arith.extui %and3A_270 : i1 to i32
        %cond3A_272 = arith.constant 0 : i32
        %cond3A_273 = arith.cmpi ne, %convert_element_type3A_271, %cond3A_272 : i32
        scf.if %cond3A_273 {
          %get3A_274 = arith.index_cast %sub3A_268 : i32 to index
          %get3A_275 = arith.constant 0 : index
          %get3A_276 = tpu.vector_load %arg18[%get3A_274, %get3A_275] {strides = array<i32>} : memref<392x64xf32, #tpu.memory_space<vmem>>, vector<1x16xf32>,
          %get3A_277 = vector.shape_cast %get3A_276 : vector<1x16xf32> to vector<16xf32>
          %get3A_278 = arith.index_cast %scan3A_261 : i32 to index
          %get3A_279 = arith.constant 0 : index
          %get3A_280 = tpu.vector_load %arg16[%get3A_278, %get3A_279] {strides = array<i32>} : memref<128x64xf32, #tpu.memory_space<vmem>>, vector<1x16xf32>,
          %get3A_281 = vector.shape_cast %get3A_280 : vector<1x16xf32> to vector<16xf32>
          %add3A_282 = arith.addf %get3A_277, %get3A_281 : vector<16xf32>
          %swap3A = arith.index_cast %sub3A_268 : i32 to index
          %swap3A_283 = arith.constant 0 : index
          %swap3A_284 = tpu.vector_load %arg18[%swap3A, %swap3A_283] {strides = array<i32>} : memref<392x64xf32, #tpu.memory_space<vmem>>, vector<1x16xf32>,
          %swap3A_285 = vector.shape_cast %swap3A_284 : vector<1x16xf32> to vector<16xf32>
          %swap3A_286 = vector.shape_cast %add3A_282 : vector<16xf32> to vector<1x16xf32>
          tpu.vector_store %arg18[%swap3A, %swap3A_283], %swap3A_286 {strides = array<i32>} : memref<392x64xf32, #tpu.memory_space<vmem>>, vector<1x16xf32>,
          %get3A_287 = arith.index_cast %sub3A_268 : i32 to index
          %get3A_288 = arith.constant 16 : index
          %get3A_289 = tpu.vector_load %arg18[%get3A_287, %get3A_288] {strides = array<i32>} : memref<392x64xf32, #tpu.memory_space<vmem>>, vector<1x16xf32>,
          %get3A_290 = vector.shape_cast %get3A_289 : vector<1x16xf32> to vector<16xf32>
          %get3A_291 = arith.index_cast %scan3A_261 : i32 to index
          %get3A_292 = arith.constant 16 : index
          %get3A_293 = tpu.vector_load %arg16[%get3A_291, %get3A_292] {strides = array<i32>} : memref<128x64xf32, #tpu.memory_space<vmem>>, vector<1x16xf32>,
          %get3A_294 = vector.shape_cast %get3A_293 : vector<1x16xf32> to vector<16xf32>
          %add3A_295 = arith.addf %get3A_290, %get3A_294 : vector<16xf32>
          %swap3A_296 = arith.index_cast %sub3A_268 : i32 to index
          %swap3A_297 = arith.constant 16 : index
          %swap3A_298 = tpu.vector_load %arg18[%swap3A_296, %swap3A_297] {strides = array<i32>} : memref<392x64xf32, #tpu.memory_space<vmem>>, vector<1x16xf32>,
          %swap3A_299 = vector.shape_cast %swap3A_298 : vector<1x16xf32> to vector<16xf32>
          %swap3A_300 = vector.shape_cast %add3A_295 : vector<16xf32> to vector<1x16xf32>
          tpu.vector_store %arg18[%swap3A_296, %swap3A_297], %swap3A_300 {strides = array<i32>} : memref<392x64xf32, #tpu.memory_space<vmem>>, vector<1x16xf32>,
          %get3A_301 = arith.index_cast %sub3A_268 : i32 to index
          %get3A_302 = arith.constant 32 : index
          %get3A_303 = tpu.vector_load %arg18[%get3A_301, %get3A_302] {strides = array<i32>} : memref<392x64xf32, #tpu.memory_space<vmem>>, vector<1x16xf32>,
          %get3A_304 = vector.shape_cast %get3A_303 : vector<1x16xf32> to vector<16xf32>
          %get3A_305 = arith.index_cast %scan3A_261 : i32 to index
          %get3A_306 = arith.constant 32 : index
          %get3A_307 = tpu.vector_load %arg16[%get3A_305, %get3A_306] {strides = array<i32>} : memref<128x64xf32, #tpu.memory_space<vmem>>, vector<1x16xf32>,
          %get3A_308 = vector.shape_cast %get3A_307 : vector<1x16xf32> to vector<16xf32>
          %add3A_309 = arith.addf %get3A_304, %get3A_308 : vector<16xf32>
          %swap3A_310 = arith.index_cast %sub3A_268 : i32 to index
          %swap3A_311 = arith.constant 32 : index
          %swap3A_312 = tpu.vector_load %arg18[%swap3A_310, %swap3A_311] {strides = array<i32>} : memref<392x64xf32, #tpu.memory_space<vmem>>, vector<1x16xf32>,
          %swap3A_313 = vector.shape_cast %swap3A_312 : vector<1x16xf32> to vector<16xf32>
          %swap3A_314 = vector.shape_cast %add3A_309 : vector<16xf32> to vector<1x16xf32>
          tpu.vector_store %arg18[%swap3A_310, %swap3A_311], %swap3A_314 {strides = array<i32>} : memref<392x64xf32, #tpu.memory_space<vmem>>, vector<1x16xf32>,
          %get3A_315 = arith.index_cast %sub3A_268 : i32 to index
          %get3A_316 = arith.constant 48 : index
          %get3A_317 = tpu.vector_load %arg18[%get3A_315, %get3A_316] {strides = array<i32>} : memref<392x64xf32, #tpu.memory_space<vmem>>, vector<1x16xf32>,
          %get3A_318 = vector.shape_cast %get3A_317 : vector<1x16xf32> to vector<16xf32>
          %get3A_319 = arith.index_cast %scan3A_261 : i32 to index
          %get3A_320 = arith.constant 48 : index
          %get3A_321 = tpu.vector_load %arg16[%get3A_319, %get3A_320] {strides = array<i32>} : memref<128x64xf32, #tpu.memory_space<vmem>>, vector<1x16xf32>,
          %get3A_322 = vector.shape_cast %get3A_321 : vector<1x16xf32> to vector<16xf32>
          %add3A_323 = arith.addf %get3A_318, %get3A_322 : vector<16xf32>
          %swap3A_324 = arith.index_cast %sub3A_268 : i32 to index
          %swap3A_325 = arith.constant 48 : index
          %swap3A_326 = tpu.vector_load %arg18[%swap3A_324, %swap3A_325] {strides = array<i32>} : memref<392x64xf32, #tpu.memory_space<vmem>>, vector<1x16xf32>,
          %swap3A_327 = vector.shape_cast %swap3A_326 : vector<1x16xf32> to vector<16xf32>
          %swap3A_328 = vector.shape_cast %add3A_323 : vector<16xf32> to vector<1x16xf32>
          tpu.vector_store %arg18[%swap3A_324, %swap3A_325], %swap3A_328 {strides = array<i32>} : memref<392x64xf32, #tpu.memory_space<vmem>>, vector<1x16xf32>,
        } else {
        }
      }
      %scan3A_260 = arith.constant 128 : i32
    }
    %lt3A_83 = arith.constant 31 : i32
    %lt3A_84 = arith.cmpi slt, %add3A, %lt3A_83 : i32
    %convert_element_type3A_85 = arith.extui %lt3A_84 : i1 to i32
    %cond3A_86 = arith.constant 0 : i32
    %cond3A_87 = arith.cmpi ne, %convert_element_type3A_85, %cond3A_86 : i32
    scf.if %cond3A_87 {
      "tpu.region"() ({
        %run_scoped3A = tpu.sem_alloc : memref<!tpu.dma_semaphore, #tpu.memory_space<semaphore_mem>>
        %dma_start3A = arith.constant 0 : i32
        %dma_start3A_252 = tpu.memref_slice %arg9[%add3A_45, %dma_start3A] : memref<50000x64xf32, #tpu.memory_space<hbm>> -> memref<392x64xf32, #tpu.memory_space<hbm>>
        %dma_start3A_253 = arith.constant 0 : i32
        %dma_start3A_254 = tpu.memref_slice %arg9[%add3A_45, %dma_start3A_253] : memref<50000x64xf32, #tpu.memory_space<hbm>> -> memref<392x64xf32, #tpu.memory_space<hbm>>
        tpu.enqueue_dma source(%arg18 : memref<392x64xf32, #tpu.memory_space<vmem>>) target(%dma_start3A_254 : memref<392x64xf32, #tpu.memory_space<hbm>>) target_semaphore(%run_scoped3A : memref<!tpu.dma_semaphore, #tpu.memory_space<semaphore_mem>>)
        %dma_wait3A = arith.constant 0 : i32
        %dma_wait3A_255 = tpu.memref_slice %arg9[%add3A_45, %dma_wait3A] : memref<50000x64xf32, #tpu.memory_space<hbm>> -> memref<392x64xf32, #tpu.memory_space<hbm>>
        %dma_wait3A_256 = arith.constant 0 : i32
        %dma_wait3A_257 = tpu.memref_slice %arg9[%add3A_45, %dma_wait3A_256] : memref<50000x64xf32, #tpu.memory_space<hbm>> -> memref<392x64xf32, #tpu.memory_space<hbm>>
        tpu.wait_dma2 semaphore(%run_scoped3A : memref<!tpu.dma_semaphore, #tpu.memory_space<semaphore_mem>>) src(%arg18 : memref<392x64xf32, #tpu.memory_space<vmem>>) dst(%dma_wait3A_257 : memref<392x64xf32, #tpu.memory_space<hbm>>)
        tpu.yield
      }) : () -> ()
    } else {
    }
    %eq3A_88 = arith.constant 31 : i32
    %eq3A_89 = arith.cmpi eq, %add3A, %eq3A_88 : i32
    %convert_element_type3A_90 = arith.extui %eq3A_89 : i1 to i32
    %cond3A_91 = arith.constant 0 : i32
    %cond3A_92 = arith.cmpi ne, %convert_element_type3A_90, %cond3A_91 : i32
    scf.if %cond3A_92 {
      "tpu.region"() ({
        %run_scoped3A = tpu.sem_alloc : memref<!tpu.dma_semaphore, #tpu.memory_space<semaphore_mem>>
        %dma_start3A = arith.constant 0 : i32
        %dma_start3A_252 = arith.constant 0 : i32
        %dma_start3A_253 = tpu.memref_slice %arg18[%dma_start3A, %dma_start3A_252] : memref<392x64xf32, #tpu.memory_space<vmem>> -> memref<360x64xf32, #tpu.memory_space<vmem>>
        %dma_start3A_254 = arith.constant 0 : i32
        %dma_start3A_255 = tpu.memref_slice %arg9[%add3A_45, %dma_start3A_254] : memref<50000x64xf32, #tpu.memory_space<hbm>> -> memref<360x64xf32, #tpu.memory_space<hbm>>
        %dma_start3A_256 = arith.constant 0 : i32
        %dma_start3A_257 = tpu.memref_slice %arg9[%add3A_45, %dma_start3A_256] : memref<50000x64xf32, #tpu.memory_space<hbm>> -> memref<360x64xf32, #tpu.memory_space<hbm>>
        %dma_start3A_258 = arith.constant 0 : i32
        %dma_start3A_259 = arith.constant 0 : i32
        %dma_start3A_260 = tpu.memref_slice %arg18[%dma_start3A_258, %dma_start3A_259] : memref<392x64xf32, #tpu.memory_space<vmem>> -> memref<360x64xf32, #tpu.memory_space<vmem>>
        tpu.enqueue_dma source(%dma_start3A_260 : memref<360x64xf32, #tpu.memory_space<vmem>>) target(%dma_start3A_257 : memref<360x64xf32, #tpu.memory_space<hbm>>) target_semaphore(%run_scoped3A : memref<!tpu.dma_semaphore, #tpu.memory_space<semaphore_mem>>)
        %dma_wait3A = arith.constant 0 : i32
        %dma_wait3A_261 = arith.constant 0 : i32
        %dma_wait3A_262 = tpu.memref_slice %arg18[%dma_wait3A, %dma_wait3A_261] : memref<392x64xf32, #tpu.memory_space<vmem>> -> memref<360x64xf32, #tpu.memory_space<vmem>>
        %dma_wait3A_263 = arith.constant 0 : i32
        %dma_wait3A_264 = tpu.memref_slice %arg9[%add3A_45, %dma_wait3A_263] : memref<50000x64xf32, #tpu.memory_space<hbm>> -> memref<360x64xf32, #tpu.memory_space<hbm>>
        %dma_wait3A_265 = arith.constant 0 : i32
        %dma_wait3A_266 = tpu.memref_slice %arg9[%add3A_45, %dma_wait3A_265] : memref<50000x64xf32, #tpu.memory_space<hbm>> -> memref<360x64xf32, #tpu.memory_space<hbm>>
        %dma_wait3A_267 = arith.constant 0 : i32
        %dma_wait3A_268 = arith.constant 0 : i32
        %dma_wait3A_269 = tpu.memref_slice %arg18[%dma_wait3A_267, %dma_wait3A_268] : memref<392x64xf32, #tpu.memory_space<vmem>> -> memref<360x64xf32, #tpu.memory_space<vmem>>
        tpu.wait_dma2 semaphore(%run_scoped3A : memref<!tpu.dma_semaphore, #tpu.memory_space<semaphore_mem>>) src(%dma_wait3A_269 : memref<360x64xf32, #tpu.memory_space<vmem>>) dst(%dma_wait3A_266 : memref<360x64xf32, #tpu.memory_space<hbm>>)
        tpu.yield
      }) : () -> ()
    } else {
    }
    %mul3A_93 = arith.constant 392 : i32
    %mul3A_94 = arith.muli %mul3A_93, %add3A : i32
    %add3A_95 = arith.constant 25024 : i32
    %add3A_96 = arith.addi %add3A_95, %mul3A_94 : i32
    %scan3A_97 = arith.constant 0 : i32
    %scan3A_98 = arith.constant 0 : i32
    %scan3A_99 = arith.constant 392 : i32
    %scan3A_100 = arith.addi %scan3A_98, %scan3A_99 : i32
    %scan3A_101 = arith.constant 1 : i32
    scf.for %scan3A_252 = %scan3A_98 to %scan3A_100 step %scan3A_101  : i32 {
      %swap3A = arith.index_cast %scan3A_252 : i32 to index
      %swap3A_253 = arith.constant 0 : index
      %swap3A_254 = tpu.vector_load %arg18[%swap3A, %swap3A_253] {strides = array<i32>} : memref<392x64xf32, #tpu.memory_space<vmem>>, vector<1x16xf32>,
      %swap3A_255 = vector.shape_cast %swap3A_254 : vector<1x16xf32> to vector<16xf32>
      %swap3A_256 = vector.shape_cast %broadcast_in_dim3A_1 : vector<16xf32> to vector<1x16xf32>
      tpu.vector_store %arg18[%swap3A, %swap3A_253], %swap3A_256 {strides = array<i32>} : memref<392x64xf32, #tpu.memory_space<vmem>>, vector<1x16xf32>,
      %swap3A_257 = arith.index_cast %scan3A_252 : i32 to index
      %swap3A_258 = arith.constant 16 : index
      %swap3A_259 = tpu.vector_load %arg18[%swap3A_257, %swap3A_258] {strides = array<i32>} : memref<392x64xf32, #tpu.memory_space<vmem>>, vector<1x16xf32>,
      %swap3A_260 = vector.shape_cast %swap3A_259 : vector<1x16xf32> to vector<16xf32>
      %swap3A_261 = vector.shape_cast %broadcast_in_dim3A_1 : vector<16xf32> to vector<1x16xf32>
      tpu.vector_store %arg18[%swap3A_257, %swap3A_258], %swap3A_261 {strides = array<i32>} : memref<392x64xf32, #tpu.memory_space<vmem>>, vector<1x16xf32>,
      %swap3A_262 = arith.index_cast %scan3A_252 : i32 to index
      %swap3A_263 = arith.constant 32 : index
      %swap3A_264 = tpu.vector_load %arg18[%swap3A_262, %swap3A_263] {strides = array<i32>} : memref<392x64xf32, #tpu.memory_space<vmem>>, vector<1x16xf32>,
      %swap3A_265 = vector.shape_cast %swap3A_264 : vector<1x16xf32> to vector<16xf32>
      %swap3A_266 = vector.shape_cast %broadcast_in_dim3A_1 : vector<16xf32> to vector<1x16xf32>
      tpu.vector_store %arg18[%swap3A_262, %swap3A_263], %swap3A_266 {strides = array<i32>} : memref<392x64xf32, #tpu.memory_space<vmem>>, vector<1x16xf32>,
      %swap3A_267 = arith.index_cast %scan3A_252 : i32 to index
      %swap3A_268 = arith.constant 48 : index
      %swap3A_269 = tpu.vector_load %arg18[%swap3A_267, %swap3A_268] {strides = array<i32>} : memref<392x64xf32, #tpu.memory_space<vmem>>, vector<1x16xf32>,
      %swap3A_270 = vector.shape_cast %swap3A_269 : vector<1x16xf32> to vector<16xf32>
      %swap3A_271 = vector.shape_cast %broadcast_in_dim3A_1 : vector<16xf32> to vector<1x16xf32>
      tpu.vector_store %arg18[%swap3A_267, %swap3A_268], %swap3A_271 {strides = array<i32>} : memref<392x64xf32, #tpu.memory_space<vmem>>, vector<1x16xf32>,
    }
    %scan3A_102 = arith.constant 392 : i32
    %add3A_103 = arith.constant 64 : i32
    %add3A_104 = arith.addi %add3A_103, %add3A : i32
    %get3A_105 = arith.index_cast %add3A_104 : i32 to index
    %get3A_106 = tpu.vector_load %arg17[%get3A_105] {strides = array<i32>} : memref<144xi32, #tpu.memory_space<vmem>>, vector<16xi32>,
    %get3A_107 = vector.shape_cast %get3A_106 : vector<16xi32> to vector<16xi32>
    %slice3A_108 = vector.extract_strided_slice %get3A_107 {offsets = [0], sizes = [1], strides = [1]} : vector<16xi32> to vector<1xi32>
    %squeeze3A_109 = vector.extract %slice3A_108[0] : i32 from vector<1xi32>
    %add3A_110 = arith.constant 1 : i32
    %add3A_111 = arith.addi %add3A_104, %add3A_110 : i32
    %get3A_112 = arith.index_cast %add3A_111 : i32 to index
    %get3A_113 = tpu.vector_load %arg17[%get3A_112] {strides = array<i32>} : memref<144xi32, #tpu.memory_space<vmem>>, vector<16xi32>,
    %get3A_114 = vector.shape_cast %get3A_113 : vector<16xi32> to vector<16xi32>
    %slice3A_115 = vector.extract_strided_slice %get3A_114 {offsets = [0], sizes = [1], strides = [1]} : vector<16xi32> to vector<1xi32>
    %squeeze3A_116 = vector.extract %slice3A_115[0] : i32 from vector<1xi32>
    %div3A_117 = arith.constant 128 : i32
    %div3A_118 = arith.divsi %squeeze3A_109, %div3A_117 : i32
    %add3A_119 = arith.constant 128 : i32
    %add3A_120 = arith.addi %squeeze3A_116, %add3A_119 : i32
    %sub3A_121 = arith.constant 1 : i32
    %sub3A_122 = arith.subi %add3A_120, %sub3A_121 : i32
    %div3A_123 = arith.constant 128 : i32
    %div3A_124 = arith.divsi %sub3A_122, %div3A_123 : i32
    %while3A_125 = arith.constant 0 : i32
    %while3A_126 = arith.subi %div3A_124, %div3A_118 : i32
    %while3A_127 = arith.addi %div3A_118, %while3A_126 : i32
    %while3A_128 = arith.constant 1 : i32
    %while3A_129 = arith.divsi %while3A_126, %while3A_128 : i32
    %while3A_130 = arith.muli %while3A_129, %while3A_128 : i32
    %while3A_131 = arith.addi %div3A_118, %while3A_130 : i32
    %while3A_132 = arith.constant 1 : i32
    scf.for %while3A_252 = %div3A_118 to %while3A_131 step %while3A_132  : i32 {
      %mul3A_253 = arith.constant 128 : i32
      %mul3A_254 = arith.muli %while3A_252, %mul3A_253 : i32
      "tpu.region"() ({
        %run_scoped3A = tpu.sem_alloc : memref<!tpu.dma_semaphore, #tpu.memory_space<semaphore_mem>>
        %dma_start3A = arith.constant 0 : i32
        %dma_start3A_261 = tpu.memref_slice %arg15[%dma_start3A] : memref<144xi32, #tpu.memory_space<vmem>> -> memref<128xi32, #tpu.memory_space<vmem>>
        %dma_start3A_262 = tpu.memref_slice %arg6[%mul3A_254] : memref<800000xi32, #tpu.memory_space<hbm>> -> memref<128xi32, #tpu.memory_space<hbm>>
        %dma_start3A_263 = arith.constant 0 : i32
        %dma_start3A_264 = tpu.memref_slice %arg15[%dma_start3A_263] : memref<144xi32, #tpu.memory_space<vmem>> -> memref<128xi32, #tpu.memory_space<vmem>>
        %dma_start3A_265 = tpu.memref_slice %arg6[%mul3A_254] : memref<800000xi32, #tpu.memory_space<hbm>> -> memref<128xi32, #tpu.memory_space<hbm>>
        tpu.enqueue_dma source(%dma_start3A_265 : memref<128xi32, #tpu.memory_space<hbm>>) target(%dma_start3A_264 : memref<128xi32, #tpu.memory_space<vmem>>) target_semaphore(%run_scoped3A : memref<!tpu.dma_semaphore, #tpu.memory_space<semaphore_mem>>)
        %dma_wait3A = arith.constant 0 : i32
        %dma_wait3A_266 = tpu.memref_slice %arg15[%dma_wait3A] : memref<144xi32, #tpu.memory_space<vmem>> -> memref<128xi32, #tpu.memory_space<vmem>>
        %dma_wait3A_267 = tpu.memref_slice %arg6[%mul3A_254] : memref<800000xi32, #tpu.memory_space<hbm>> -> memref<128xi32, #tpu.memory_space<hbm>>
        %dma_wait3A_268 = arith.constant 0 : i32
        %dma_wait3A_269 = tpu.memref_slice %arg15[%dma_wait3A_268] : memref<144xi32, #tpu.memory_space<vmem>> -> memref<128xi32, #tpu.memory_space<vmem>>
        %dma_wait3A_270 = tpu.memref_slice %arg6[%mul3A_254] : memref<800000xi32, #tpu.memory_space<hbm>> -> memref<128xi32, #tpu.memory_space<hbm>>
        tpu.wait_dma2 semaphore(%run_scoped3A : memref<!tpu.dma_semaphore, #tpu.memory_space<semaphore_mem>>) src(%dma_wait3A_270 : memref<128xi32, #tpu.memory_space<hbm>>) dst(%dma_wait3A_269 : memref<128xi32, #tpu.memory_space<vmem>>)
        tpu.yield
      }) : () -> ()
      "tpu.region"() ({
        %run_scoped3A = tpu.sem_alloc : memref<!tpu.dma_semaphore, #tpu.memory_space<semaphore_mem>>
        %dma_start3A = arith.constant 0 : i32
        %dma_start3A_261 = tpu.memref_slice %arg5[%mul3A_254, %dma_start3A] : memref<800000x64xf32, #tpu.memory_space<hbm>> -> memref<128x64xf32, #tpu.memory_space<hbm>>
        %dma_start3A_262 = arith.constant 0 : i32
        %dma_start3A_263 = tpu.memref_slice %arg5[%mul3A_254, %dma_start3A_262] : memref<800000x64xf32, #tpu.memory_space<hbm>> -> memref<128x64xf32, #tpu.memory_space<hbm>>
        tpu.enqueue_dma source(%dma_start3A_263 : memref<128x64xf32, #tpu.memory_space<hbm>>) target(%arg16 : memref<128x64xf32, #tpu.memory_space<vmem>>) target_semaphore(%run_scoped3A : memref<!tpu.dma_semaphore, #tpu.memory_space<semaphore_mem>>)
        %dma_wait3A = arith.constant 0 : i32
        %dma_wait3A_264 = tpu.memref_slice %arg5[%mul3A_254, %dma_wait3A] : memref<800000x64xf32, #tpu.memory_space<hbm>> -> memref<128x64xf32, #tpu.memory_space<hbm>>
        %dma_wait3A_265 = arith.constant 0 : i32
        %dma_wait3A_266 = tpu.memref_slice %arg5[%mul3A_254, %dma_wait3A_265] : memref<800000x64xf32, #tpu.memory_space<hbm>> -> memref<128x64xf32, #tpu.memory_space<hbm>>
        tpu.wait_dma2 semaphore(%run_scoped3A : memref<!tpu.dma_semaphore, #tpu.memory_space<semaphore_mem>>) src(%dma_wait3A_266 : memref<128x64xf32, #tpu.memory_space<hbm>>) dst(%arg16 : memref<128x64xf32, #tpu.memory_space<vmem>>)
        tpu.yield
      }) : () -> ()
      %scan3A_255 = arith.constant 0 : i32
      %scan3A_256 = arith.constant 0 : i32
      %scan3A_257 = arith.constant 128 : i32
      %scan3A_258 = arith.addi %scan3A_256, %scan3A_257 : i32
      %scan3A_259 = arith.constant 1 : i32
      scf.for %scan3A_261 = %scan3A_256 to %scan3A_258 step %scan3A_259  : i32 {
        %add3A_262 = arith.addi %mul3A_254, %scan3A_261 : i32
        %get3A_263 = arith.index_cast %scan3A_261 : i32 to index
        %get3A_264 = tpu.vector_load %arg15[%get3A_263] {strides = array<i32>} : memref<144xi32, #tpu.memory_space<vmem>>, vector<16xi32>,
        %get3A_265 = vector.shape_cast %get3A_264 : vector<16xi32> to vector<16xi32>
        %slice3A_266 = vector.extract_strided_slice %get3A_265 {offsets = [0], sizes = [1], strides = [1]} : vector<16xi32> to vector<1xi32>
        %squeeze3A_267 = vector.extract %slice3A_266[0] : i32 from vector<1xi32>
        %sub3A_268 = arith.subi %squeeze3A_267, %add3A_96 : i32
        %ge3A = arith.cmpi sge, %add3A_262, %squeeze3A_109 : i32
        %lt3A_269 = arith.cmpi slt, %add3A_262, %squeeze3A_116 : i32
        %and3A_270 = arith.andi %ge3A, %lt3A_269 : i1
        %convert_element_type3A_271 = arith.extui %and3A_270 : i1 to i32
        %cond3A_272 = arith.constant 0 : i32
        %cond3A_273 = arith.cmpi ne, %convert_element_type3A_271, %cond3A_272 : i32
        scf.if %cond3A_273 {
          %get3A_274 = arith.index_cast %sub3A_268 : i32 to index
          %get3A_275 = arith.constant 0 : index
          %get3A_276 = tpu.vector_load %arg18[%get3A_274, %get3A_275] {strides = array<i32>} : memref<392x64xf32, #tpu.memory_space<vmem>>, vector<1x16xf32>,
          %get3A_277 = vector.shape_cast %get3A_276 : vector<1x16xf32> to vector<16xf32>
          %get3A_278 = arith.index_cast %scan3A_261 : i32 to index
          %get3A_279 = arith.constant 0 : index
          %get3A_280 = tpu.vector_load %arg16[%get3A_278, %get3A_279] {strides = array<i32>} : memref<128x64xf32, #tpu.memory_space<vmem>>, vector<1x16xf32>,
          %get3A_281 = vector.shape_cast %get3A_280 : vector<1x16xf32> to vector<16xf32>
          %add3A_282 = arith.addf %get3A_277, %get3A_281 : vector<16xf32>
          %swap3A = arith.index_cast %sub3A_268 : i32 to index
          %swap3A_283 = arith.constant 0 : index
          %swap3A_284 = tpu.vector_load %arg18[%swap3A, %swap3A_283] {strides = array<i32>} : memref<392x64xf32, #tpu.memory_space<vmem>>, vector<1x16xf32>,
          %swap3A_285 = vector.shape_cast %swap3A_284 : vector<1x16xf32> to vector<16xf32>
          %swap3A_286 = vector.shape_cast %add3A_282 : vector<16xf32> to vector<1x16xf32>
          tpu.vector_store %arg18[%swap3A, %swap3A_283], %swap3A_286 {strides = array<i32>} : memref<392x64xf32, #tpu.memory_space<vmem>>, vector<1x16xf32>,
          %get3A_287 = arith.index_cast %sub3A_268 : i32 to index
          %get3A_288 = arith.constant 16 : index
          %get3A_289 = tpu.vector_load %arg18[%get3A_287, %get3A_288] {strides = array<i32>} : memref<392x64xf32, #tpu.memory_space<vmem>>, vector<1x16xf32>,
          %get3A_290 = vector.shape_cast %get3A_289 : vector<1x16xf32> to vector<16xf32>
          %get3A_291 = arith.index_cast %scan3A_261 : i32 to index
          %get3A_292 = arith.constant 16 : index
          %get3A_293 = tpu.vector_load %arg16[%get3A_291, %get3A_292] {strides = array<i32>} : memref<128x64xf32, #tpu.memory_space<vmem>>, vector<1x16xf32>,
          %get3A_294 = vector.shape_cast %get3A_293 : vector<1x16xf32> to vector<16xf32>
          %add3A_295 = arith.addf %get3A_290, %get3A_294 : vector<16xf32>
          %swap3A_296 = arith.index_cast %sub3A_268 : i32 to index
          %swap3A_297 = arith.constant 16 : index
          %swap3A_298 = tpu.vector_load %arg18[%swap3A_296, %swap3A_297] {strides = array<i32>} : memref<392x64xf32, #tpu.memory_space<vmem>>, vector<1x16xf32>,
          %swap3A_299 = vector.shape_cast %swap3A_298 : vector<1x16xf32> to vector<16xf32>
          %swap3A_300 = vector.shape_cast %add3A_295 : vector<16xf32> to vector<1x16xf32>
          tpu.vector_store %arg18[%swap3A_296, %swap3A_297], %swap3A_300 {strides = array<i32>} : memref<392x64xf32, #tpu.memory_space<vmem>>, vector<1x16xf32>,
          %get3A_301 = arith.index_cast %sub3A_268 : i32 to index
          %get3A_302 = arith.constant 32 : index
          %get3A_303 = tpu.vector_load %arg18[%get3A_301, %get3A_302] {strides = array<i32>} : memref<392x64xf32, #tpu.memory_space<vmem>>, vector<1x16xf32>,
          %get3A_304 = vector.shape_cast %get3A_303 : vector<1x16xf32> to vector<16xf32>
          %get3A_305 = arith.index_cast %scan3A_261 : i32 to index
          %get3A_306 = arith.constant 32 : index
          %get3A_307 = tpu.vector_load %arg16[%get3A_305, %get3A_306] {strides = array<i32>} : memref<128x64xf32, #tpu.memory_space<vmem>>, vector<1x16xf32>,
          %get3A_308 = vector.shape_cast %get3A_307 : vector<1x16xf32> to vector<16xf32>
          %add3A_309 = arith.addf %get3A_304, %get3A_308 : vector<16xf32>
          %swap3A_310 = arith.index_cast %sub3A_268 : i32 to index
          %swap3A_311 = arith.constant 32 : index
          %swap3A_312 = tpu.vector_load %arg18[%swap3A_310, %swap3A_311] {strides = array<i32>} : memref<392x64xf32, #tpu.memory_space<vmem>>, vector<1x16xf32>,
          %swap3A_313 = vector.shape_cast %swap3A_312 : vector<1x16xf32> to vector<16xf32>
          %swap3A_314 = vector.shape_cast %add3A_309 : vector<16xf32> to vector<1x16xf32>
          tpu.vector_store %arg18[%swap3A_310, %swap3A_311], %swap3A_314 {strides = array<i32>} : memref<392x64xf32, #tpu.memory_space<vmem>>, vector<1x16xf32>,
          %get3A_315 = arith.index_cast %sub3A_268 : i32 to index
          %get3A_316 = arith.constant 48 : index
          %get3A_317 = tpu.vector_load %arg18[%get3A_315, %get3A_316] {strides = array<i32>} : memref<392x64xf32, #tpu.memory_space<vmem>>, vector<1x16xf32>,
          %get3A_318 = vector.shape_cast %get3A_317 : vector<1x16xf32> to vector<16xf32>
          %get3A_319 = arith.index_cast %scan3A_261 : i32 to index
          %get3A_320 = arith.constant 48 : index
          %get3A_321 = tpu.vector_load %arg16[%get3A_319, %get3A_320] {strides = array<i32>} : memref<128x64xf32, #tpu.memory_space<vmem>>, vector<1x16xf32>,
          %get3A_322 = vector.shape_cast %get3A_321 : vector<1x16xf32> to vector<16xf32>
          %add3A_323 = arith.addf %get3A_318, %get3A_322 : vector<16xf32>
          %swap3A_324 = arith.index_cast %sub3A_268 : i32 to index
          %swap3A_325 = arith.constant 48 : index
          %swap3A_326 = tpu.vector_load %arg18[%swap3A_324, %swap3A_325] {strides = array<i32>} : memref<392x64xf32, #tpu.memory_space<vmem>>, vector<1x16xf32>,
          %swap3A_327 = vector.shape_cast %swap3A_326 : vector<1x16xf32> to vector<16xf32>
          %swap3A_328 = vector.shape_cast %add3A_323 : vector<16xf32> to vector<1x16xf32>
          tpu.vector_store %arg18[%swap3A_324, %swap3A_325], %swap3A_328 {strides = array<i32>} : memref<392x64xf32, #tpu.memory_space<vmem>>, vector<1x16xf32>,
        } else {
        }
      }
      %scan3A_260 = arith.constant 128 : i32
    }
    %while3A_133 = arith.constant 1 : i32
    scf.for %while3A_252 = %while3A_131 to %while3A_127 step %while3A_133  : i32 {
      %mul3A_253 = arith.constant 128 : i32
      %mul3A_254 = arith.muli %while3A_252, %mul3A_253 : i32
      "tpu.region"() ({
        %run_scoped3A = tpu.sem_alloc : memref<!tpu.dma_semaphore, #tpu.memory_space<semaphore_mem>>
        %dma_start3A = arith.constant 0 : i32
        %dma_start3A_261 = tpu.memref_slice %arg15[%dma_start3A] : memref<144xi32, #tpu.memory_space<vmem>> -> memref<128xi32, #tpu.memory_space<vmem>>
        %dma_start3A_262 = tpu.memref_slice %arg6[%mul3A_254] : memref<800000xi32, #tpu.memory_space<hbm>> -> memref<128xi32, #tpu.memory_space<hbm>>
        %dma_start3A_263 = arith.constant 0 : i32
        %dma_start3A_264 = tpu.memref_slice %arg15[%dma_start3A_263] : memref<144xi32, #tpu.memory_space<vmem>> -> memref<128xi32, #tpu.memory_space<vmem>>
        %dma_start3A_265 = tpu.memref_slice %arg6[%mul3A_254] : memref<800000xi32, #tpu.memory_space<hbm>> -> memref<128xi32, #tpu.memory_space<hbm>>
        tpu.enqueue_dma source(%dma_start3A_265 : memref<128xi32, #tpu.memory_space<hbm>>) target(%dma_start3A_264 : memref<128xi32, #tpu.memory_space<vmem>>) target_semaphore(%run_scoped3A : memref<!tpu.dma_semaphore, #tpu.memory_space<semaphore_mem>>)
        %dma_wait3A = arith.constant 0 : i32
        %dma_wait3A_266 = tpu.memref_slice %arg15[%dma_wait3A] : memref<144xi32, #tpu.memory_space<vmem>> -> memref<128xi32, #tpu.memory_space<vmem>>
        %dma_wait3A_267 = tpu.memref_slice %arg6[%mul3A_254] : memref<800000xi32, #tpu.memory_space<hbm>> -> memref<128xi32, #tpu.memory_space<hbm>>
        %dma_wait3A_268 = arith.constant 0 : i32
        %dma_wait3A_269 = tpu.memref_slice %arg15[%dma_wait3A_268] : memref<144xi32, #tpu.memory_space<vmem>> -> memref<128xi32, #tpu.memory_space<vmem>>
        %dma_wait3A_270 = tpu.memref_slice %arg6[%mul3A_254] : memref<800000xi32, #tpu.memory_space<hbm>> -> memref<128xi32, #tpu.memory_space<hbm>>
        tpu.wait_dma2 semaphore(%run_scoped3A : memref<!tpu.dma_semaphore, #tpu.memory_space<semaphore_mem>>) src(%dma_wait3A_270 : memref<128xi32, #tpu.memory_space<hbm>>) dst(%dma_wait3A_269 : memref<128xi32, #tpu.memory_space<vmem>>)
        tpu.yield
      }) : () -> ()
      "tpu.region"() ({
        %run_scoped3A = tpu.sem_alloc : memref<!tpu.dma_semaphore, #tpu.memory_space<semaphore_mem>>
        %dma_start3A = arith.constant 0 : i32
        %dma_start3A_261 = tpu.memref_slice %arg5[%mul3A_254, %dma_start3A] : memref<800000x64xf32, #tpu.memory_space<hbm>> -> memref<128x64xf32, #tpu.memory_space<hbm>>
        %dma_start3A_262 = arith.constant 0 : i32
        %dma_start3A_263 = tpu.memref_slice %arg5[%mul3A_254, %dma_start3A_262] : memref<800000x64xf32, #tpu.memory_space<hbm>> -> memref<128x64xf32, #tpu.memory_space<hbm>>
        tpu.enqueue_dma source(%dma_start3A_263 : memref<128x64xf32, #tpu.memory_space<hbm>>) target(%arg16 : memref<128x64xf32, #tpu.memory_space<vmem>>) target_semaphore(%run_scoped3A : memref<!tpu.dma_semaphore, #tpu.memory_space<semaphore_mem>>)
        %dma_wait3A = arith.constant 0 : i32
        %dma_wait3A_264 = tpu.memref_slice %arg5[%mul3A_254, %dma_wait3A] : memref<800000x64xf32, #tpu.memory_space<hbm>> -> memref<128x64xf32, #tpu.memory_space<hbm>>
        %dma_wait3A_265 = arith.constant 0 : i32
        %dma_wait3A_266 = tpu.memref_slice %arg5[%mul3A_254, %dma_wait3A_265] : memref<800000x64xf32, #tpu.memory_space<hbm>> -> memref<128x64xf32, #tpu.memory_space<hbm>>
        tpu.wait_dma2 semaphore(%run_scoped3A : memref<!tpu.dma_semaphore, #tpu.memory_space<semaphore_mem>>) src(%dma_wait3A_266 : memref<128x64xf32, #tpu.memory_space<hbm>>) dst(%arg16 : memref<128x64xf32, #tpu.memory_space<vmem>>)
        tpu.yield
      }) : () -> ()
      %scan3A_255 = arith.constant 0 : i32
      %scan3A_256 = arith.constant 0 : i32
      %scan3A_257 = arith.constant 128 : i32
      %scan3A_258 = arith.addi %scan3A_256, %scan3A_257 : i32
      %scan3A_259 = arith.constant 1 : i32
      scf.for %scan3A_261 = %scan3A_256 to %scan3A_258 step %scan3A_259  : i32 {
        %add3A_262 = arith.addi %mul3A_254, %scan3A_261 : i32
        %get3A_263 = arith.index_cast %scan3A_261 : i32 to index
        %get3A_264 = tpu.vector_load %arg15[%get3A_263] {strides = array<i32>} : memref<144xi32, #tpu.memory_space<vmem>>, vector<16xi32>,
        %get3A_265 = vector.shape_cast %get3A_264 : vector<16xi32> to vector<16xi32>
        %slice3A_266 = vector.extract_strided_slice %get3A_265 {offsets = [0], sizes = [1], strides = [1]} : vector<16xi32> to vector<1xi32>
        %squeeze3A_267 = vector.extract %slice3A_266[0] : i32 from vector<1xi32>
        %sub3A_268 = arith.subi %squeeze3A_267, %add3A_96 : i32
        %ge3A = arith.cmpi sge, %add3A_262, %squeeze3A_109 : i32
        %lt3A_269 = arith.cmpi slt, %add3A_262, %squeeze3A_116 : i32
        %and3A_270 = arith.andi %ge3A, %lt3A_269 : i1
        %convert_element_type3A_271 = arith.extui %and3A_270 : i1 to i32
        %cond3A_272 = arith.constant 0 : i32
        %cond3A_273 = arith.cmpi ne, %convert_element_type3A_271, %cond3A_272 : i32
        scf.if %cond3A_273 {
          %get3A_274 = arith.index_cast %sub3A_268 : i32 to index
          %get3A_275 = arith.constant 0 : index
          %get3A_276 = tpu.vector_load %arg18[%get3A_274, %get3A_275] {strides = array<i32>} : memref<392x64xf32, #tpu.memory_space<vmem>>, vector<1x16xf32>,
          %get3A_277 = vector.shape_cast %get3A_276 : vector<1x16xf32> to vector<16xf32>
          %get3A_278 = arith.index_cast %scan3A_261 : i32 to index
          %get3A_279 = arith.constant 0 : index
          %get3A_280 = tpu.vector_load %arg16[%get3A_278, %get3A_279] {strides = array<i32>} : memref<128x64xf32, #tpu.memory_space<vmem>>, vector<1x16xf32>,
          %get3A_281 = vector.shape_cast %get3A_280 : vector<1x16xf32> to vector<16xf32>
          %add3A_282 = arith.addf %get3A_277, %get3A_281 : vector<16xf32>
          %swap3A = arith.index_cast %sub3A_268 : i32 to index
          %swap3A_283 = arith.constant 0 : index
          %swap3A_284 = tpu.vector_load %arg18[%swap3A, %swap3A_283] {strides = array<i32>} : memref<392x64xf32, #tpu.memory_space<vmem>>, vector<1x16xf32>,
          %swap3A_285 = vector.shape_cast %swap3A_284 : vector<1x16xf32> to vector<16xf32>
          %swap3A_286 = vector.shape_cast %add3A_282 : vector<16xf32> to vector<1x16xf32>
          tpu.vector_store %arg18[%swap3A, %swap3A_283], %swap3A_286 {strides = array<i32>} : memref<392x64xf32, #tpu.memory_space<vmem>>, vector<1x16xf32>,
          %get3A_287 = arith.index_cast %sub3A_268 : i32 to index
          %get3A_288 = arith.constant 16 : index
          %get3A_289 = tpu.vector_load %arg18[%get3A_287, %get3A_288] {strides = array<i32>} : memref<392x64xf32, #tpu.memory_space<vmem>>, vector<1x16xf32>,
          %get3A_290 = vector.shape_cast %get3A_289 : vector<1x16xf32> to vector<16xf32>
          %get3A_291 = arith.index_cast %scan3A_261 : i32 to index
          %get3A_292 = arith.constant 16 : index
          %get3A_293 = tpu.vector_load %arg16[%get3A_291, %get3A_292] {strides = array<i32>} : memref<128x64xf32, #tpu.memory_space<vmem>>, vector<1x16xf32>,
          %get3A_294 = vector.shape_cast %get3A_293 : vector<1x16xf32> to vector<16xf32>
          %add3A_295 = arith.addf %get3A_290, %get3A_294 : vector<16xf32>
          %swap3A_296 = arith.index_cast %sub3A_268 : i32 to index
          %swap3A_297 = arith.constant 16 : index
          %swap3A_298 = tpu.vector_load %arg18[%swap3A_296, %swap3A_297] {strides = array<i32>} : memref<392x64xf32, #tpu.memory_space<vmem>>, vector<1x16xf32>,
          %swap3A_299 = vector.shape_cast %swap3A_298 : vector<1x16xf32> to vector<16xf32>
          %swap3A_300 = vector.shape_cast %add3A_295 : vector<16xf32> to vector<1x16xf32>
          tpu.vector_store %arg18[%swap3A_296, %swap3A_297], %swap3A_300 {strides = array<i32>} : memref<392x64xf32, #tpu.memory_space<vmem>>, vector<1x16xf32>,
          %get3A_301 = arith.index_cast %sub3A_268 : i32 to index
          %get3A_302 = arith.constant 32 : index
          %get3A_303 = tpu.vector_load %arg18[%get3A_301, %get3A_302] {strides = array<i32>} : memref<392x64xf32, #tpu.memory_space<vmem>>, vector<1x16xf32>,
          %get3A_304 = vector.shape_cast %get3A_303 : vector<1x16xf32> to vector<16xf32>
          %get3A_305 = arith.index_cast %scan3A_261 : i32 to index
          %get3A_306 = arith.constant 32 : index
          %get3A_307 = tpu.vector_load %arg16[%get3A_305, %get3A_306] {strides = array<i32>} : memref<128x64xf32, #tpu.memory_space<vmem>>, vector<1x16xf32>,
          %get3A_308 = vector.shape_cast %get3A_307 : vector<1x16xf32> to vector<16xf32>
          %add3A_309 = arith.addf %get3A_304, %get3A_308 : vector<16xf32>
          %swap3A_310 = arith.index_cast %sub3A_268 : i32 to index
          %swap3A_311 = arith.constant 32 : index
          %swap3A_312 = tpu.vector_load %arg18[%swap3A_310, %swap3A_311] {strides = array<i32>} : memref<392x64xf32, #tpu.memory_space<vmem>>, vector<1x16xf32>,
          %swap3A_313 = vector.shape_cast %swap3A_312 : vector<1x16xf32> to vector<16xf32>
          %swap3A_314 = vector.shape_cast %add3A_309 : vector<16xf32> to vector<1x16xf32>
          tpu.vector_store %arg18[%swap3A_310, %swap3A_311], %swap3A_314 {strides = array<i32>} : memref<392x64xf32, #tpu.memory_space<vmem>>, vector<1x16xf32>,
          %get3A_315 = arith.index_cast %sub3A_268 : i32 to index
          %get3A_316 = arith.constant 48 : index
          %get3A_317 = tpu.vector_load %arg18[%get3A_315, %get3A_316] {strides = array<i32>} : memref<392x64xf32, #tpu.memory_space<vmem>>, vector<1x16xf32>,
          %get3A_318 = vector.shape_cast %get3A_317 : vector<1x16xf32> to vector<16xf32>
          %get3A_319 = arith.index_cast %scan3A_261 : i32 to index
          %get3A_320 = arith.constant 48 : index
          %get3A_321 = tpu.vector_load %arg16[%get3A_319, %get3A_320] {strides = array<i32>} : memref<128x64xf32, #tpu.memory_space<vmem>>, vector<1x16xf32>,
          %get3A_322 = vector.shape_cast %get3A_321 : vector<1x16xf32> to vector<16xf32>
          %add3A_323 = arith.addf %get3A_318, %get3A_322 : vector<16xf32>
          %swap3A_324 = arith.index_cast %sub3A_268 : i32 to index
          %swap3A_325 = arith.constant 48 : index
          %swap3A_326 = tpu.vector_load %arg18[%swap3A_324, %swap3A_325] {strides = array<i32>} : memref<392x64xf32, #tpu.memory_space<vmem>>, vector<1x16xf32>,
          %swap3A_327 = vector.shape_cast %swap3A_326 : vector<1x16xf32> to vector<16xf32>
          %swap3A_328 = vector.shape_cast %add3A_323 : vector<16xf32> to vector<1x16xf32>
          tpu.vector_store %arg18[%swap3A_324, %swap3A_325], %swap3A_328 {strides = array<i32>} : memref<392x64xf32, #tpu.memory_space<vmem>>, vector<1x16xf32>,
        } else {
        }
      }
      %scan3A_260 = arith.constant 128 : i32
    }
    %lt3A_134 = arith.constant 31 : i32
    %lt3A_135 = arith.cmpi slt, %add3A, %lt3A_134 : i32
    %convert_element_type3A_136 = arith.extui %lt3A_135 : i1 to i32
    %cond3A_137 = arith.constant 0 : i32
    %cond3A_138 = arith.cmpi ne, %convert_element_type3A_136, %cond3A_137 : i32
    scf.if %cond3A_138 {
      "tpu.region"() ({
        %run_scoped3A = tpu.sem_alloc : memref<!tpu.dma_semaphore, #tpu.memory_space<semaphore_mem>>
        %dma_start3A = arith.constant 0 : i32
        %dma_start3A_252 = tpu.memref_slice %arg9[%add3A_96, %dma_start3A] : memref<50000x64xf32, #tpu.memory_space<hbm>> -> memref<392x64xf32, #tpu.memory_space<hbm>>
        %dma_start3A_253 = arith.constant 0 : i32
        %dma_start3A_254 = tpu.memref_slice %arg9[%add3A_96, %dma_start3A_253] : memref<50000x64xf32, #tpu.memory_space<hbm>> -> memref<392x64xf32, #tpu.memory_space<hbm>>
        tpu.enqueue_dma source(%arg18 : memref<392x64xf32, #tpu.memory_space<vmem>>) target(%dma_start3A_254 : memref<392x64xf32, #tpu.memory_space<hbm>>) target_semaphore(%run_scoped3A : memref<!tpu.dma_semaphore, #tpu.memory_space<semaphore_mem>>)
        %dma_wait3A = arith.constant 0 : i32
        %dma_wait3A_255 = tpu.memref_slice %arg9[%add3A_96, %dma_wait3A] : memref<50000x64xf32, #tpu.memory_space<hbm>> -> memref<392x64xf32, #tpu.memory_space<hbm>>
        %dma_wait3A_256 = arith.constant 0 : i32
        %dma_wait3A_257 = tpu.memref_slice %arg9[%add3A_96, %dma_wait3A_256] : memref<50000x64xf32, #tpu.memory_space<hbm>> -> memref<392x64xf32, #tpu.memory_space<hbm>>
        tpu.wait_dma2 semaphore(%run_scoped3A : memref<!tpu.dma_semaphore, #tpu.memory_space<semaphore_mem>>) src(%arg18 : memref<392x64xf32, #tpu.memory_space<vmem>>) dst(%dma_wait3A_257 : memref<392x64xf32, #tpu.memory_space<hbm>>)
        tpu.yield
      }) : () -> ()
    } else {
    }
    %eq3A_139 = arith.constant 31 : i32
    %eq3A_140 = arith.cmpi eq, %add3A, %eq3A_139 : i32
    %convert_element_type3A_141 = arith.extui %eq3A_140 : i1 to i32
    %cond3A_142 = arith.constant 0 : i32
    %cond3A_143 = arith.cmpi ne, %convert_element_type3A_141, %cond3A_142 : i32
    scf.if %cond3A_143 {
      "tpu.region"() ({
        %run_scoped3A = tpu.sem_alloc : memref<!tpu.dma_semaphore, #tpu.memory_space<semaphore_mem>>
        %dma_start3A = arith.constant 0 : i32
        %dma_start3A_252 = arith.constant 0 : i32
        %dma_start3A_253 = tpu.memref_slice %arg18[%dma_start3A, %dma_start3A_252] : memref<392x64xf32, #tpu.memory_space<vmem>> -> memref<360x64xf32, #tpu.memory_space<vmem>>
        %dma_start3A_254 = arith.constant 0 : i32
        %dma_start3A_255 = tpu.memref_slice %arg9[%add3A_96, %dma_start3A_254] : memref<50000x64xf32, #tpu.memory_space<hbm>> -> memref<360x64xf32, #tpu.memory_space<hbm>>
        %dma_start3A_256 = arith.constant 0 : i32
        %dma_start3A_257 = tpu.memref_slice %arg9[%add3A_96, %dma_start3A_256] : memref<50000x64xf32, #tpu.memory_space<hbm>> -> memref<360x64xf32, #tpu.memory_space<hbm>>
        %dma_start3A_258 = arith.constant 0 : i32
        %dma_start3A_259 = arith.constant 0 : i32
        %dma_start3A_260 = tpu.memref_slice %arg18[%dma_start3A_258, %dma_start3A_259] : memref<392x64xf32, #tpu.memory_space<vmem>> -> memref<360x64xf32, #tpu.memory_space<vmem>>
        tpu.enqueue_dma source(%dma_start3A_260 : memref<360x64xf32, #tpu.memory_space<vmem>>) target(%dma_start3A_257 : memref<360x64xf32, #tpu.memory_space<hbm>>) target_semaphore(%run_scoped3A : memref<!tpu.dma_semaphore, #tpu.memory_space<semaphore_mem>>)
        %dma_wait3A = arith.constant 0 : i32
        %dma_wait3A_261 = arith.constant 0 : i32
        %dma_wait3A_262 = tpu.memref_slice %arg18[%dma_wait3A, %dma_wait3A_261] : memref<392x64xf32, #tpu.memory_space<vmem>> -> memref<360x64xf32, #tpu.memory_space<vmem>>
        %dma_wait3A_263 = arith.constant 0 : i32
        %dma_wait3A_264 = tpu.memref_slice %arg9[%add3A_96, %dma_wait3A_263] : memref<50000x64xf32, #tpu.memory_space<hbm>> -> memref<360x64xf32, #tpu.memory_space<hbm>>
        %dma_wait3A_265 = arith.constant 0 : i32
        %dma_wait3A_266 = tpu.memref_slice %arg9[%add3A_96, %dma_wait3A_265] : memref<50000x64xf32, #tpu.memory_space<hbm>> -> memref<360x64xf32, #tpu.memory_space<hbm>>
        %dma_wait3A_267 = arith.constant 0 : i32
        %dma_wait3A_268 = arith.constant 0 : i32
        %dma_wait3A_269 = tpu.memref_slice %arg18[%dma_wait3A_267, %dma_wait3A_268] : memref<392x64xf32, #tpu.memory_space<vmem>> -> memref<360x64xf32, #tpu.memory_space<vmem>>
        tpu.wait_dma2 semaphore(%run_scoped3A : memref<!tpu.dma_semaphore, #tpu.memory_space<semaphore_mem>>) src(%dma_wait3A_269 : memref<360x64xf32, #tpu.memory_space<vmem>>) dst(%dma_wait3A_266 : memref<360x64xf32, #tpu.memory_space<hbm>>)
        tpu.yield
      }) : () -> ()
    } else {
    }
    %mul3A_144 = arith.constant 392 : i32
    %mul3A_145 = arith.muli %mul3A_144, %add3A : i32
    %add3A_146 = arith.constant 37536 : i32
    %add3A_147 = arith.addi %add3A_146, %mul3A_145 : i32
    %scan3A_148 = arith.constant 0 : i32
    %scan3A_149 = arith.constant 0 : i32
    %scan3A_150 = arith.constant 392 : i32
    %scan3A_151 = arith.addi %scan3A_149, %scan3A_150 : i32
    %scan3A_152 = arith.constant 1 : i32
    scf.for %scan3A_252 = %scan3A_149 to %scan3A_151 step %scan3A_152  : i32 {
      %swap3A = arith.index_cast %scan3A_252 : i32 to index
      %swap3A_253 = arith.constant 0 : index
      %swap3A_254 = tpu.vector_load %arg18[%swap3A, %swap3A_253] {strides = array<i32>} : memref<392x64xf32, #tpu.memory_space<vmem>>, vector<1x16xf32>,
      %swap3A_255 = vector.shape_cast %swap3A_254 : vector<1x16xf32> to vector<16xf32>
      %swap3A_256 = vector.shape_cast %broadcast_in_dim3A_1 : vector<16xf32> to vector<1x16xf32>
      tpu.vector_store %arg18[%swap3A, %swap3A_253], %swap3A_256 {strides = array<i32>} : memref<392x64xf32, #tpu.memory_space<vmem>>, vector<1x16xf32>,
      %swap3A_257 = arith.index_cast %scan3A_252 : i32 to index
      %swap3A_258 = arith.constant 16 : index
      %swap3A_259 = tpu.vector_load %arg18[%swap3A_257, %swap3A_258] {strides = array<i32>} : memref<392x64xf32, #tpu.memory_space<vmem>>, vector<1x16xf32>,
      %swap3A_260 = vector.shape_cast %swap3A_259 : vector<1x16xf32> to vector<16xf32>
      %swap3A_261 = vector.shape_cast %broadcast_in_dim3A_1 : vector<16xf32> to vector<1x16xf32>
      tpu.vector_store %arg18[%swap3A_257, %swap3A_258], %swap3A_261 {strides = array<i32>} : memref<392x64xf32, #tpu.memory_space<vmem>>, vector<1x16xf32>,
      %swap3A_262 = arith.index_cast %scan3A_252 : i32 to index
      %swap3A_263 = arith.constant 32 : index
      %swap3A_264 = tpu.vector_load %arg18[%swap3A_262, %swap3A_263] {strides = array<i32>} : memref<392x64xf32, #tpu.memory_space<vmem>>, vector<1x16xf32>,
      %swap3A_265 = vector.shape_cast %swap3A_264 : vector<1x16xf32> to vector<16xf32>
      %swap3A_266 = vector.shape_cast %broadcast_in_dim3A_1 : vector<16xf32> to vector<1x16xf32>
      tpu.vector_store %arg18[%swap3A_262, %swap3A_263], %swap3A_266 {strides = array<i32>} : memref<392x64xf32, #tpu.memory_space<vmem>>, vector<1x16xf32>,
      %swap3A_267 = arith.index_cast %scan3A_252 : i32 to index
      %swap3A_268 = arith.constant 48 : index
      %swap3A_269 = tpu.vector_load %arg18[%swap3A_267, %swap3A_268] {strides = array<i32>} : memref<392x64xf32, #tpu.memory_space<vmem>>, vector<1x16xf32>,
      %swap3A_270 = vector.shape_cast %swap3A_269 : vector<1x16xf32> to vector<16xf32>
      %swap3A_271 = vector.shape_cast %broadcast_in_dim3A_1 : vector<16xf32> to vector<1x16xf32>
      tpu.vector_store %arg18[%swap3A_267, %swap3A_268], %swap3A_271 {strides = array<i32>} : memref<392x64xf32, #tpu.memory_space<vmem>>, vector<1x16xf32>,
    }
    %scan3A_153 = arith.constant 392 : i32
    %add3A_154 = arith.constant 96 : i32
    %add3A_155 = arith.addi %add3A_154, %add3A : i32
    %get3A_156 = arith.index_cast %add3A_155 : i32 to index
    %get3A_157 = tpu.vector_load %arg17[%get3A_156] {strides = array<i32>} : memref<144xi32, #tpu.memory_space<vmem>>, vector<16xi32>,
    %get3A_158 = vector.shape_cast %get3A_157 : vector<16xi32> to vector<16xi32>
    %slice3A_159 = vector.extract_strided_slice %get3A_158 {offsets = [0], sizes = [1], strides = [1]} : vector<16xi32> to vector<1xi32>
    %squeeze3A_160 = vector.extract %slice3A_159[0] : i32 from vector<1xi32>
    %add3A_161 = arith.constant 1 : i32
    %add3A_162 = arith.addi %add3A_155, %add3A_161 : i32
    %get3A_163 = arith.index_cast %add3A_162 : i32 to index
    %get3A_164 = tpu.vector_load %arg17[%get3A_163] {strides = array<i32>} : memref<144xi32, #tpu.memory_space<vmem>>, vector<16xi32>,
    %get3A_165 = vector.shape_cast %get3A_164 : vector<16xi32> to vector<16xi32>
    %slice3A_166 = vector.extract_strided_slice %get3A_165 {offsets = [0], sizes = [1], strides = [1]} : vector<16xi32> to vector<1xi32>
    %squeeze3A_167 = vector.extract %slice3A_166[0] : i32 from vector<1xi32>
    %div3A_168 = arith.constant 128 : i32
    %div3A_169 = arith.divsi %squeeze3A_160, %div3A_168 : i32
    %add3A_170 = arith.constant 128 : i32
    %add3A_171 = arith.addi %squeeze3A_167, %add3A_170 : i32
    %sub3A_172 = arith.constant 1 : i32
    %sub3A_173 = arith.subi %add3A_171, %sub3A_172 : i32
    %div3A_174 = arith.constant 128 : i32
    %div3A_175 = arith.divsi %sub3A_173, %div3A_174 : i32
    %while3A_176 = arith.constant 0 : i32
    %while3A_177 = arith.subi %div3A_175, %div3A_169 : i32
    %while3A_178 = arith.addi %div3A_169, %while3A_177 : i32
    %while3A_179 = arith.constant 1 : i32
    %while3A_180 = arith.divsi %while3A_177, %while3A_179 : i32
    %while3A_181 = arith.muli %while3A_180, %while3A_179 : i32
    %while3A_182 = arith.addi %div3A_169, %while3A_181 : i32
    %while3A_183 = arith.constant 1 : i32
    scf.for %while3A_252 = %div3A_169 to %while3A_182 step %while3A_183  : i32 {
      %mul3A_253 = arith.constant 128 : i32
      %mul3A_254 = arith.muli %while3A_252, %mul3A_253 : i32
      "tpu.region"() ({
        %run_scoped3A = tpu.sem_alloc : memref<!tpu.dma_semaphore, #tpu.memory_space<semaphore_mem>>
        %dma_start3A = arith.constant 0 : i32
        %dma_start3A_261 = tpu.memref_slice %arg15[%dma_start3A] : memref<144xi32, #tpu.memory_space<vmem>> -> memref<128xi32, #tpu.memory_space<vmem>>
        %dma_start3A_262 = tpu.memref_slice %arg6[%mul3A_254] : memref<800000xi32, #tpu.memory_space<hbm>> -> memref<128xi32, #tpu.memory_space<hbm>>
        %dma_start3A_263 = arith.constant 0 : i32
        %dma_start3A_264 = tpu.memref_slice %arg15[%dma_start3A_263] : memref<144xi32, #tpu.memory_space<vmem>> -> memref<128xi32, #tpu.memory_space<vmem>>
        %dma_start3A_265 = tpu.memref_slice %arg6[%mul3A_254] : memref<800000xi32, #tpu.memory_space<hbm>> -> memref<128xi32, #tpu.memory_space<hbm>>
        tpu.enqueue_dma source(%dma_start3A_265 : memref<128xi32, #tpu.memory_space<hbm>>) target(%dma_start3A_264 : memref<128xi32, #tpu.memory_space<vmem>>) target_semaphore(%run_scoped3A : memref<!tpu.dma_semaphore, #tpu.memory_space<semaphore_mem>>)
        %dma_wait3A = arith.constant 0 : i32
        %dma_wait3A_266 = tpu.memref_slice %arg15[%dma_wait3A] : memref<144xi32, #tpu.memory_space<vmem>> -> memref<128xi32, #tpu.memory_space<vmem>>
        %dma_wait3A_267 = tpu.memref_slice %arg6[%mul3A_254] : memref<800000xi32, #tpu.memory_space<hbm>> -> memref<128xi32, #tpu.memory_space<hbm>>
        %dma_wait3A_268 = arith.constant 0 : i32
        %dma_wait3A_269 = tpu.memref_slice %arg15[%dma_wait3A_268] : memref<144xi32, #tpu.memory_space<vmem>> -> memref<128xi32, #tpu.memory_space<vmem>>
        %dma_wait3A_270 = tpu.memref_slice %arg6[%mul3A_254] : memref<800000xi32, #tpu.memory_space<hbm>> -> memref<128xi32, #tpu.memory_space<hbm>>
        tpu.wait_dma2 semaphore(%run_scoped3A : memref<!tpu.dma_semaphore, #tpu.memory_space<semaphore_mem>>) src(%dma_wait3A_270 : memref<128xi32, #tpu.memory_space<hbm>>) dst(%dma_wait3A_269 : memref<128xi32, #tpu.memory_space<vmem>>)
        tpu.yield
      }) : () -> ()
      "tpu.region"() ({
        %run_scoped3A = tpu.sem_alloc : memref<!tpu.dma_semaphore, #tpu.memory_space<semaphore_mem>>
        %dma_start3A = arith.constant 0 : i32
        %dma_start3A_261 = tpu.memref_slice %arg5[%mul3A_254, %dma_start3A] : memref<800000x64xf32, #tpu.memory_space<hbm>> -> memref<128x64xf32, #tpu.memory_space<hbm>>
        %dma_start3A_262 = arith.constant 0 : i32
        %dma_start3A_263 = tpu.memref_slice %arg5[%mul3A_254, %dma_start3A_262] : memref<800000x64xf32, #tpu.memory_space<hbm>> -> memref<128x64xf32, #tpu.memory_space<hbm>>
        tpu.enqueue_dma source(%dma_start3A_263 : memref<128x64xf32, #tpu.memory_space<hbm>>) target(%arg16 : memref<128x64xf32, #tpu.memory_space<vmem>>) target_semaphore(%run_scoped3A : memref<!tpu.dma_semaphore, #tpu.memory_space<semaphore_mem>>)
        %dma_wait3A = arith.constant 0 : i32
        %dma_wait3A_264 = tpu.memref_slice %arg5[%mul3A_254, %dma_wait3A] : memref<800000x64xf32, #tpu.memory_space<hbm>> -> memref<128x64xf32, #tpu.memory_space<hbm>>
        %dma_wait3A_265 = arith.constant 0 : i32
        %dma_wait3A_266 = tpu.memref_slice %arg5[%mul3A_254, %dma_wait3A_265] : memref<800000x64xf32, #tpu.memory_space<hbm>> -> memref<128x64xf32, #tpu.memory_space<hbm>>
        tpu.wait_dma2 semaphore(%run_scoped3A : memref<!tpu.dma_semaphore, #tpu.memory_space<semaphore_mem>>) src(%dma_wait3A_266 : memref<128x64xf32, #tpu.memory_space<hbm>>) dst(%arg16 : memref<128x64xf32, #tpu.memory_space<vmem>>)
        tpu.yield
      }) : () -> ()
      %scan3A_255 = arith.constant 0 : i32
      %scan3A_256 = arith.constant 0 : i32
      %scan3A_257 = arith.constant 128 : i32
      %scan3A_258 = arith.addi %scan3A_256, %scan3A_257 : i32
      %scan3A_259 = arith.constant 1 : i32
      scf.for %scan3A_261 = %scan3A_256 to %scan3A_258 step %scan3A_259  : i32 {
        %add3A_262 = arith.addi %mul3A_254, %scan3A_261 : i32
        %get3A_263 = arith.index_cast %scan3A_261 : i32 to index
        %get3A_264 = tpu.vector_load %arg15[%get3A_263] {strides = array<i32>} : memref<144xi32, #tpu.memory_space<vmem>>, vector<16xi32>,
        %get3A_265 = vector.shape_cast %get3A_264 : vector<16xi32> to vector<16xi32>
        %slice3A_266 = vector.extract_strided_slice %get3A_265 {offsets = [0], sizes = [1], strides = [1]} : vector<16xi32> to vector<1xi32>
        %squeeze3A_267 = vector.extract %slice3A_266[0] : i32 from vector<1xi32>
        %sub3A_268 = arith.subi %squeeze3A_267, %add3A_147 : i32
        %ge3A = arith.cmpi sge, %add3A_262, %squeeze3A_160 : i32
        %lt3A_269 = arith.cmpi slt, %add3A_262, %squeeze3A_167 : i32
        %and3A_270 = arith.andi %ge3A, %lt3A_269 : i1
        %convert_element_type3A_271 = arith.extui %and3A_270 : i1 to i32
        %cond3A_272 = arith.constant 0 : i32
        %cond3A_273 = arith.cmpi ne, %convert_element_type3A_271, %cond3A_272 : i32
        scf.if %cond3A_273 {
          %get3A_274 = arith.index_cast %sub3A_268 : i32 to index
          %get3A_275 = arith.constant 0 : index
          %get3A_276 = tpu.vector_load %arg18[%get3A_274, %get3A_275] {strides = array<i32>} : memref<392x64xf32, #tpu.memory_space<vmem>>, vector<1x16xf32>,
          %get3A_277 = vector.shape_cast %get3A_276 : vector<1x16xf32> to vector<16xf32>
          %get3A_278 = arith.index_cast %scan3A_261 : i32 to index
          %get3A_279 = arith.constant 0 : index
          %get3A_280 = tpu.vector_load %arg16[%get3A_278, %get3A_279] {strides = array<i32>} : memref<128x64xf32, #tpu.memory_space<vmem>>, vector<1x16xf32>,
          %get3A_281 = vector.shape_cast %get3A_280 : vector<1x16xf32> to vector<16xf32>
          %add3A_282 = arith.addf %get3A_277, %get3A_281 : vector<16xf32>
          %swap3A = arith.index_cast %sub3A_268 : i32 to index
          %swap3A_283 = arith.constant 0 : index
          %swap3A_284 = tpu.vector_load %arg18[%swap3A, %swap3A_283] {strides = array<i32>} : memref<392x64xf32, #tpu.memory_space<vmem>>, vector<1x16xf32>,
          %swap3A_285 = vector.shape_cast %swap3A_284 : vector<1x16xf32> to vector<16xf32>
          %swap3A_286 = vector.shape_cast %add3A_282 : vector<16xf32> to vector<1x16xf32>
          tpu.vector_store %arg18[%swap3A, %swap3A_283], %swap3A_286 {strides = array<i32>} : memref<392x64xf32, #tpu.memory_space<vmem>>, vector<1x16xf32>,
          %get3A_287 = arith.index_cast %sub3A_268 : i32 to index
          %get3A_288 = arith.constant 16 : index
          %get3A_289 = tpu.vector_load %arg18[%get3A_287, %get3A_288] {strides = array<i32>} : memref<392x64xf32, #tpu.memory_space<vmem>>, vector<1x16xf32>,
          %get3A_290 = vector.shape_cast %get3A_289 : vector<1x16xf32> to vector<16xf32>
          %get3A_291 = arith.index_cast %scan3A_261 : i32 to index
          %get3A_292 = arith.constant 16 : index
          %get3A_293 = tpu.vector_load %arg16[%get3A_291, %get3A_292] {strides = array<i32>} : memref<128x64xf32, #tpu.memory_space<vmem>>, vector<1x16xf32>,
          %get3A_294 = vector.shape_cast %get3A_293 : vector<1x16xf32> to vector<16xf32>
          %add3A_295 = arith.addf %get3A_290, %get3A_294 : vector<16xf32>
          %swap3A_296 = arith.index_cast %sub3A_268 : i32 to index
          %swap3A_297 = arith.constant 16 : index
          %swap3A_298 = tpu.vector_load %arg18[%swap3A_296, %swap3A_297] {strides = array<i32>} : memref<392x64xf32, #tpu.memory_space<vmem>>, vector<1x16xf32>,
          %swap3A_299 = vector.shape_cast %swap3A_298 : vector<1x16xf32> to vector<16xf32>
          %swap3A_300 = vector.shape_cast %add3A_295 : vector<16xf32> to vector<1x16xf32>
          tpu.vector_store %arg18[%swap3A_296, %swap3A_297], %swap3A_300 {strides = array<i32>} : memref<392x64xf32, #tpu.memory_space<vmem>>, vector<1x16xf32>,
          %get3A_301 = arith.index_cast %sub3A_268 : i32 to index
          %get3A_302 = arith.constant 32 : index
          %get3A_303 = tpu.vector_load %arg18[%get3A_301, %get3A_302] {strides = array<i32>} : memref<392x64xf32, #tpu.memory_space<vmem>>, vector<1x16xf32>,
          %get3A_304 = vector.shape_cast %get3A_303 : vector<1x16xf32> to vector<16xf32>
          %get3A_305 = arith.index_cast %scan3A_261 : i32 to index
          %get3A_306 = arith.constant 32 : index
          %get3A_307 = tpu.vector_load %arg16[%get3A_305, %get3A_306] {strides = array<i32>} : memref<128x64xf32, #tpu.memory_space<vmem>>, vector<1x16xf32>,
          %get3A_308 = vector.shape_cast %get3A_307 : vector<1x16xf32> to vector<16xf32>
          %add3A_309 = arith.addf %get3A_304, %get3A_308 : vector<16xf32>
          %swap3A_310 = arith.index_cast %sub3A_268 : i32 to index
          %swap3A_311 = arith.constant 32 : index
          %swap3A_312 = tpu.vector_load %arg18[%swap3A_310, %swap3A_311] {strides = array<i32>} : memref<392x64xf32, #tpu.memory_space<vmem>>, vector<1x16xf32>,
          %swap3A_313 = vector.shape_cast %swap3A_312 : vector<1x16xf32> to vector<16xf32>
          %swap3A_314 = vector.shape_cast %add3A_309 : vector<16xf32> to vector<1x16xf32>
          tpu.vector_store %arg18[%swap3A_310, %swap3A_311], %swap3A_314 {strides = array<i32>} : memref<392x64xf32, #tpu.memory_space<vmem>>, vector<1x16xf32>,
          %get3A_315 = arith.index_cast %sub3A_268 : i32 to index
          %get3A_316 = arith.constant 48 : index
          %get3A_317 = tpu.vector_load %arg18[%get3A_315, %get3A_316] {strides = array<i32>} : memref<392x64xf32, #tpu.memory_space<vmem>>, vector<1x16xf32>,
          %get3A_318 = vector.shape_cast %get3A_317 : vector<1x16xf32> to vector<16xf32>
          %get3A_319 = arith.index_cast %scan3A_261 : i32 to index
          %get3A_320 = arith.constant 48 : index
          %get3A_321 = tpu.vector_load %arg16[%get3A_319, %get3A_320] {strides = array<i32>} : memref<128x64xf32, #tpu.memory_space<vmem>>, vector<1x16xf32>,
          %get3A_322 = vector.shape_cast %get3A_321 : vector<1x16xf32> to vector<16xf32>
          %add3A_323 = arith.addf %get3A_318, %get3A_322 : vector<16xf32>
          %swap3A_324 = arith.index_cast %sub3A_268 : i32 to index
          %swap3A_325 = arith.constant 48 : index
          %swap3A_326 = tpu.vector_load %arg18[%swap3A_324, %swap3A_325] {strides = array<i32>} : memref<392x64xf32, #tpu.memory_space<vmem>>, vector<1x16xf32>,
          %swap3A_327 = vector.shape_cast %swap3A_326 : vector<1x16xf32> to vector<16xf32>
          %swap3A_328 = vector.shape_cast %add3A_323 : vector<16xf32> to vector<1x16xf32>
          tpu.vector_store %arg18[%swap3A_324, %swap3A_325], %swap3A_328 {strides = array<i32>} : memref<392x64xf32, #tpu.memory_space<vmem>>, vector<1x16xf32>,
        } else {
        }
      }
      %scan3A_260 = arith.constant 128 : i32
    }
    %while3A_184 = arith.constant 1 : i32
    scf.for %while3A_252 = %while3A_182 to %while3A_178 step %while3A_184  : i32 {
      %mul3A_253 = arith.constant 128 : i32
      %mul3A_254 = arith.muli %while3A_252, %mul3A_253 : i32
      "tpu.region"() ({
        %run_scoped3A = tpu.sem_alloc : memref<!tpu.dma_semaphore, #tpu.memory_space<semaphore_mem>>
        %dma_start3A = arith.constant 0 : i32
        %dma_start3A_261 = tpu.memref_slice %arg15[%dma_start3A] : memref<144xi32, #tpu.memory_space<vmem>> -> memref<128xi32, #tpu.memory_space<vmem>>
        %dma_start3A_262 = tpu.memref_slice %arg6[%mul3A_254] : memref<800000xi32, #tpu.memory_space<hbm>> -> memref<128xi32, #tpu.memory_space<hbm>>
        %dma_start3A_263 = arith.constant 0 : i32
        %dma_start3A_264 = tpu.memref_slice %arg15[%dma_start3A_263] : memref<144xi32, #tpu.memory_space<vmem>> -> memref<128xi32, #tpu.memory_space<vmem>>
        %dma_start3A_265 = tpu.memref_slice %arg6[%mul3A_254] : memref<800000xi32, #tpu.memory_space<hbm>> -> memref<128xi32, #tpu.memory_space<hbm>>
        tpu.enqueue_dma source(%dma_start3A_265 : memref<128xi32, #tpu.memory_space<hbm>>) target(%dma_start3A_264 : memref<128xi32, #tpu.memory_space<vmem>>) target_semaphore(%run_scoped3A : memref<!tpu.dma_semaphore, #tpu.memory_space<semaphore_mem>>)
        %dma_wait3A = arith.constant 0 : i32
        %dma_wait3A_266 = tpu.memref_slice %arg15[%dma_wait3A] : memref<144xi32, #tpu.memory_space<vmem>> -> memref<128xi32, #tpu.memory_space<vmem>>
        %dma_wait3A_267 = tpu.memref_slice %arg6[%mul3A_254] : memref<800000xi32, #tpu.memory_space<hbm>> -> memref<128xi32, #tpu.memory_space<hbm>>
        %dma_wait3A_268 = arith.constant 0 : i32
        %dma_wait3A_269 = tpu.memref_slice %arg15[%dma_wait3A_268] : memref<144xi32, #tpu.memory_space<vmem>> -> memref<128xi32, #tpu.memory_space<vmem>>
        %dma_wait3A_270 = tpu.memref_slice %arg6[%mul3A_254] : memref<800000xi32, #tpu.memory_space<hbm>> -> memref<128xi32, #tpu.memory_space<hbm>>
        tpu.wait_dma2 semaphore(%run_scoped3A : memref<!tpu.dma_semaphore, #tpu.memory_space<semaphore_mem>>) src(%dma_wait3A_270 : memref<128xi32, #tpu.memory_space<hbm>>) dst(%dma_wait3A_269 : memref<128xi32, #tpu.memory_space<vmem>>)
        tpu.yield
      }) : () -> ()
      "tpu.region"() ({
        %run_scoped3A = tpu.sem_alloc : memref<!tpu.dma_semaphore, #tpu.memory_space<semaphore_mem>>
        %dma_start3A = arith.constant 0 : i32
        %dma_start3A_261 = tpu.memref_slice %arg5[%mul3A_254, %dma_start3A] : memref<800000x64xf32, #tpu.memory_space<hbm>> -> memref<128x64xf32, #tpu.memory_space<hbm>>
        %dma_start3A_262 = arith.constant 0 : i32
        %dma_start3A_263 = tpu.memref_slice %arg5[%mul3A_254, %dma_start3A_262] : memref<800000x64xf32, #tpu.memory_space<hbm>> -> memref<128x64xf32, #tpu.memory_space<hbm>>
        tpu.enqueue_dma source(%dma_start3A_263 : memref<128x64xf32, #tpu.memory_space<hbm>>) target(%arg16 : memref<128x64xf32, #tpu.memory_space<vmem>>) target_semaphore(%run_scoped3A : memref<!tpu.dma_semaphore, #tpu.memory_space<semaphore_mem>>)
        %dma_wait3A = arith.constant 0 : i32
        %dma_wait3A_264 = tpu.memref_slice %arg5[%mul3A_254, %dma_wait3A] : memref<800000x64xf32, #tpu.memory_space<hbm>> -> memref<128x64xf32, #tpu.memory_space<hbm>>
        %dma_wait3A_265 = arith.constant 0 : i32
        %dma_wait3A_266 = tpu.memref_slice %arg5[%mul3A_254, %dma_wait3A_265] : memref<800000x64xf32, #tpu.memory_space<hbm>> -> memref<128x64xf32, #tpu.memory_space<hbm>>
        tpu.wait_dma2 semaphore(%run_scoped3A : memref<!tpu.dma_semaphore, #tpu.memory_space<semaphore_mem>>) src(%dma_wait3A_266 : memref<128x64xf32, #tpu.memory_space<hbm>>) dst(%arg16 : memref<128x64xf32, #tpu.memory_space<vmem>>)
        tpu.yield
      }) : () -> ()
      %scan3A_255 = arith.constant 0 : i32
      %scan3A_256 = arith.constant 0 : i32
      %scan3A_257 = arith.constant 128 : i32
      %scan3A_258 = arith.addi %scan3A_256, %scan3A_257 : i32
      %scan3A_259 = arith.constant 1 : i32
      scf.for %scan3A_261 = %scan3A_256 to %scan3A_258 step %scan3A_259  : i32 {
        %add3A_262 = arith.addi %mul3A_254, %scan3A_261 : i32
        %get3A_263 = arith.index_cast %scan3A_261 : i32 to index
        %get3A_264 = tpu.vector_load %arg15[%get3A_263] {strides = array<i32>} : memref<144xi32, #tpu.memory_space<vmem>>, vector<16xi32>,
        %get3A_265 = vector.shape_cast %get3A_264 : vector<16xi32> to vector<16xi32>
        %slice3A_266 = vector.extract_strided_slice %get3A_265 {offsets = [0], sizes = [1], strides = [1]} : vector<16xi32> to vector<1xi32>
        %squeeze3A_267 = vector.extract %slice3A_266[0] : i32 from vector<1xi32>
        %sub3A_268 = arith.subi %squeeze3A_267, %add3A_147 : i32
        %ge3A = arith.cmpi sge, %add3A_262, %squeeze3A_160 : i32
        %lt3A_269 = arith.cmpi slt, %add3A_262, %squeeze3A_167 : i32
        %and3A_270 = arith.andi %ge3A, %lt3A_269 : i1
        %convert_element_type3A_271 = arith.extui %and3A_270 : i1 to i32
        %cond3A_272 = arith.constant 0 : i32
        %cond3A_273 = arith.cmpi ne, %convert_element_type3A_271, %cond3A_272 : i32
        scf.if %cond3A_273 {
          %get3A_274 = arith.index_cast %sub3A_268 : i32 to index
          %get3A_275 = arith.constant 0 : index
          %get3A_276 = tpu.vector_load %arg18[%get3A_274, %get3A_275] {strides = array<i32>} : memref<392x64xf32, #tpu.memory_space<vmem>>, vector<1x16xf32>,
          %get3A_277 = vector.shape_cast %get3A_276 : vector<1x16xf32> to vector<16xf32>
          %get3A_278 = arith.index_cast %scan3A_261 : i32 to index
          %get3A_279 = arith.constant 0 : index
          %get3A_280 = tpu.vector_load %arg16[%get3A_278, %get3A_279] {strides = array<i32>} : memref<128x64xf32, #tpu.memory_space<vmem>>, vector<1x16xf32>,
          %get3A_281 = vector.shape_cast %get3A_280 : vector<1x16xf32> to vector<16xf32>
          %add3A_282 = arith.addf %get3A_277, %get3A_281 : vector<16xf32>
          %swap3A = arith.index_cast %sub3A_268 : i32 to index
          %swap3A_283 = arith.constant 0 : index
          %swap3A_284 = tpu.vector_load %arg18[%swap3A, %swap3A_283] {strides = array<i32>} : memref<392x64xf32, #tpu.memory_space<vmem>>, vector<1x16xf32>,
          %swap3A_285 = vector.shape_cast %swap3A_284 : vector<1x16xf32> to vector<16xf32>
          %swap3A_286 = vector.shape_cast %add3A_282 : vector<16xf32> to vector<1x16xf32>
          tpu.vector_store %arg18[%swap3A, %swap3A_283], %swap3A_286 {strides = array<i32>} : memref<392x64xf32, #tpu.memory_space<vmem>>, vector<1x16xf32>,
          %get3A_287 = arith.index_cast %sub3A_268 : i32 to index
          %get3A_288 = arith.constant 16 : index
          %get3A_289 = tpu.vector_load %arg18[%get3A_287, %get3A_288] {strides = array<i32>} : memref<392x64xf32, #tpu.memory_space<vmem>>, vector<1x16xf32>,
          %get3A_290 = vector.shape_cast %get3A_289 : vector<1x16xf32> to vector<16xf32>
          %get3A_291 = arith.index_cast %scan3A_261 : i32 to index
          %get3A_292 = arith.constant 16 : index
          %get3A_293 = tpu.vector_load %arg16[%get3A_291, %get3A_292] {strides = array<i32>} : memref<128x64xf32, #tpu.memory_space<vmem>>, vector<1x16xf32>,
          %get3A_294 = vector.shape_cast %get3A_293 : vector<1x16xf32> to vector<16xf32>
          %add3A_295 = arith.addf %get3A_290, %get3A_294 : vector<16xf32>
          %swap3A_296 = arith.index_cast %sub3A_268 : i32 to index
          %swap3A_297 = arith.constant 16 : index
          %swap3A_298 = tpu.vector_load %arg18[%swap3A_296, %swap3A_297] {strides = array<i32>} : memref<392x64xf32, #tpu.memory_space<vmem>>, vector<1x16xf32>,
          %swap3A_299 = vector.shape_cast %swap3A_298 : vector<1x16xf32> to vector<16xf32>
          %swap3A_300 = vector.shape_cast %add3A_295 : vector<16xf32> to vector<1x16xf32>
          tpu.vector_store %arg18[%swap3A_296, %swap3A_297], %swap3A_300 {strides = array<i32>} : memref<392x64xf32, #tpu.memory_space<vmem>>, vector<1x16xf32>,
          %get3A_301 = arith.index_cast %sub3A_268 : i32 to index
          %get3A_302 = arith.constant 32 : index
          %get3A_303 = tpu.vector_load %arg18[%get3A_301, %get3A_302] {strides = array<i32>} : memref<392x64xf32, #tpu.memory_space<vmem>>, vector<1x16xf32>,
          %get3A_304 = vector.shape_cast %get3A_303 : vector<1x16xf32> to vector<16xf32>
          %get3A_305 = arith.index_cast %scan3A_261 : i32 to index
          %get3A_306 = arith.constant 32 : index
          %get3A_307 = tpu.vector_load %arg16[%get3A_305, %get3A_306] {strides = array<i32>} : memref<128x64xf32, #tpu.memory_space<vmem>>, vector<1x16xf32>,
          %get3A_308 = vector.shape_cast %get3A_307 : vector<1x16xf32> to vector<16xf32>
          %add3A_309 = arith.addf %get3A_304, %get3A_308 : vector<16xf32>
          %swap3A_310 = arith.index_cast %sub3A_268 : i32 to index
          %swap3A_311 = arith.constant 32 : index
          %swap3A_312 = tpu.vector_load %arg18[%swap3A_310, %swap3A_311] {strides = array<i32>} : memref<392x64xf32, #tpu.memory_space<vmem>>, vector<1x16xf32>,
          %swap3A_313 = vector.shape_cast %swap3A_312 : vector<1x16xf32> to vector<16xf32>
          %swap3A_314 = vector.shape_cast %add3A_309 : vector<16xf32> to vector<1x16xf32>
          tpu.vector_store %arg18[%swap3A_310, %swap3A_311], %swap3A_314 {strides = array<i32>} : memref<392x64xf32, #tpu.memory_space<vmem>>, vector<1x16xf32>,
          %get3A_315 = arith.index_cast %sub3A_268 : i32 to index
          %get3A_316 = arith.constant 48 : index
          %get3A_317 = tpu.vector_load %arg18[%get3A_315, %get3A_316] {strides = array<i32>} : memref<392x64xf32, #tpu.memory_space<vmem>>, vector<1x16xf32>,
          %get3A_318 = vector.shape_cast %get3A_317 : vector<1x16xf32> to vector<16xf32>
          %get3A_319 = arith.index_cast %scan3A_261 : i32 to index
          %get3A_320 = arith.constant 48 : index
          %get3A_321 = tpu.vector_load %arg16[%get3A_319, %get3A_320] {strides = array<i32>} : memref<128x64xf32, #tpu.memory_space<vmem>>, vector<1x16xf32>,
          %get3A_322 = vector.shape_cast %get3A_321 : vector<1x16xf32> to vector<16xf32>
          %add3A_323 = arith.addf %get3A_318, %get3A_322 : vector<16xf32>
          %swap3A_324 = arith.index_cast %sub3A_268 : i32 to index
          %swap3A_325 = arith.constant 48 : index
          %swap3A_326 = tpu.vector_load %arg18[%swap3A_324, %swap3A_325] {strides = array<i32>} : memref<392x64xf32, #tpu.memory_space<vmem>>, vector<1x16xf32>,
          %swap3A_327 = vector.shape_cast %swap3A_326 : vector<1x16xf32> to vector<16xf32>
          %swap3A_328 = vector.shape_cast %add3A_323 : vector<16xf32> to vector<1x16xf32>
          tpu.vector_store %arg18[%swap3A_324, %swap3A_325], %swap3A_328 {strides = array<i32>} : memref<392x64xf32, #tpu.memory_space<vmem>>, vector<1x16xf32>,
        } else {
        }
      }
      %scan3A_260 = arith.constant 128 : i32
    }
    %lt3A_185 = arith.constant 31 : i32
    %lt3A_186 = arith.cmpi slt, %add3A, %lt3A_185 : i32
    %convert_element_type3A_187 = arith.extui %lt3A_186 : i1 to i32
    %cond3A_188 = arith.constant 0 : i32
    %cond3A_189 = arith.cmpi ne, %convert_element_type3A_187, %cond3A_188 : i32
    scf.if %cond3A_189 {
      "tpu.region"() ({
        %run_scoped3A = tpu.sem_alloc : memref<!tpu.dma_semaphore, #tpu.memory_space<semaphore_mem>>
        %dma_start3A = arith.constant 0 : i32
        %dma_start3A_252 = tpu.memref_slice %arg9[%add3A_147, %dma_start3A] : memref<50000x64xf32, #tpu.memory_space<hbm>> -> memref<392x64xf32, #tpu.memory_space<hbm>>
        %dma_start3A_253 = arith.constant 0 : i32
        %dma_start3A_254 = tpu.memref_slice %arg9[%add3A_147, %dma_start3A_253] : memref<50000x64xf32, #tpu.memory_space<hbm>> -> memref<392x64xf32, #tpu.memory_space<hbm>>
        tpu.enqueue_dma source(%arg18 : memref<392x64xf32, #tpu.memory_space<vmem>>) target(%dma_start3A_254 : memref<392x64xf32, #tpu.memory_space<hbm>>) target_semaphore(%run_scoped3A : memref<!tpu.dma_semaphore, #tpu.memory_space<semaphore_mem>>)
        %dma_wait3A = arith.constant 0 : i32
        %dma_wait3A_255 = tpu.memref_slice %arg9[%add3A_147, %dma_wait3A] : memref<50000x64xf32, #tpu.memory_space<hbm>> -> memref<392x64xf32, #tpu.memory_space<hbm>>
        %dma_wait3A_256 = arith.constant 0 : i32
        %dma_wait3A_257 = tpu.memref_slice %arg9[%add3A_147, %dma_wait3A_256] : memref<50000x64xf32, #tpu.memory_space<hbm>> -> memref<392x64xf32, #tpu.memory_space<hbm>>
        tpu.wait_dma2 semaphore(%run_scoped3A : memref<!tpu.dma_semaphore, #tpu.memory_space<semaphore_mem>>) src(%arg18 : memref<392x64xf32, #tpu.memory_space<vmem>>) dst(%dma_wait3A_257 : memref<392x64xf32, #tpu.memory_space<hbm>>)
        tpu.yield
      }) : () -> ()
    } else {
    }
    %eq3A_190 = arith.constant 31 : i32
    %eq3A_191 = arith.cmpi eq, %add3A, %eq3A_190 : i32
    %convert_element_type3A_192 = arith.extui %eq3A_191 : i1 to i32
    %cond3A_193 = arith.constant 0 : i32
    %cond3A_194 = arith.cmpi ne, %convert_element_type3A_192, %cond3A_193 : i32
    scf.if %cond3A_194 {
      "tpu.region"() ({
        %run_scoped3A = tpu.sem_alloc : memref<!tpu.dma_semaphore, #tpu.memory_space<semaphore_mem>>
        %dma_start3A = arith.constant 0 : i32
        %dma_start3A_252 = arith.constant 0 : i32
        %dma_start3A_253 = tpu.memref_slice %arg18[%dma_start3A, %dma_start3A_252] : memref<392x64xf32, #tpu.memory_space<vmem>> -> memref<312x64xf32, #tpu.memory_space<vmem>>
        %dma_start3A_254 = arith.constant 0 : i32
        %dma_start3A_255 = tpu.memref_slice %arg9[%add3A_147, %dma_start3A_254] : memref<50000x64xf32, #tpu.memory_space<hbm>> -> memref<312x64xf32, #tpu.memory_space<hbm>>
        %dma_start3A_256 = arith.constant 0 : i32
        %dma_start3A_257 = tpu.memref_slice %arg9[%add3A_147, %dma_start3A_256] : memref<50000x64xf32, #tpu.memory_space<hbm>> -> memref<312x64xf32, #tpu.memory_space<hbm>>
        %dma_start3A_258 = arith.constant 0 : i32
        %dma_start3A_259 = arith.constant 0 : i32
        %dma_start3A_260 = tpu.memref_slice %arg18[%dma_start3A_258, %dma_start3A_259] : memref<392x64xf32, #tpu.memory_space<vmem>> -> memref<312x64xf32, #tpu.memory_space<vmem>>
        tpu.enqueue_dma source(%dma_start3A_260 : memref<312x64xf32, #tpu.memory_space<vmem>>) target(%dma_start3A_257 : memref<312x64xf32, #tpu.memory_space<hbm>>) target_semaphore(%run_scoped3A : memref<!tpu.dma_semaphore, #tpu.memory_space<semaphore_mem>>)
        %dma_wait3A = arith.constant 0 : i32
        %dma_wait3A_261 = arith.constant 0 : i32
        %dma_wait3A_262 = tpu.memref_slice %arg18[%dma_wait3A, %dma_wait3A_261] : memref<392x64xf32, #tpu.memory_space<vmem>> -> memref<312x64xf32, #tpu.memory_space<vmem>>
        %dma_wait3A_263 = arith.constant 0 : i32
        %dma_wait3A_264 = tpu.memref_slice %arg9[%add3A_147, %dma_wait3A_263] : memref<50000x64xf32, #tpu.memory_space<hbm>> -> memref<312x64xf32, #tpu.memory_space<hbm>>
        %dma_wait3A_265 = arith.constant 0 : i32
        %dma_wait3A_266 = tpu.memref_slice %arg9[%add3A_147, %dma_wait3A_265] : memref<50000x64xf32, #tpu.memory_space<hbm>> -> memref<312x64xf32, #tpu.memory_space<hbm>>
        %dma_wait3A_267 = arith.constant 0 : i32
        %dma_wait3A_268 = arith.constant 0 : i32
        %dma_wait3A_269 = tpu.memref_slice %arg18[%dma_wait3A_267, %dma_wait3A_268] : memref<392x64xf32, #tpu.memory_space<vmem>> -> memref<312x64xf32, #tpu.memory_space<vmem>>
        tpu.wait_dma2 semaphore(%run_scoped3A : memref<!tpu.dma_semaphore, #tpu.memory_space<semaphore_mem>>) src(%dma_wait3A_269 : memref<312x64xf32, #tpu.memory_space<vmem>>) dst(%dma_wait3A_266 : memref<312x64xf32, #tpu.memory_space<hbm>>)
        tpu.yield
      }) : () -> ()
    } else {
    }
    %mul3A_195 = arith.constant 12500 : i32
    %mul3A_196 = arith.muli %add3A, %mul3A_195 : i32
    %jit3A = arith.constant 32 : i32
    %div3A_197 = arith.divsi %mul3A_196, %jit3A : i32
    %sign3A = arith.constant 0 : i32
    %sign3A_198 = arith.cmpi sgt, %mul3A_196, %sign3A : i32
    %sign3A_199 = arith.extui %sign3A_198 : i1 to i32
    %sign3A_200 = arith.constant 0 : i32
    %sign3A_201 = arith.cmpi slt, %mul3A_196, %sign3A_200 : i32
    %sign3A_202 = arith.extui %sign3A_201 : i1 to i32
    %sign3A_203 = arith.subi %sign3A_199, %sign3A_202 : i32
    %sign3A_204 = arith.constant 0 : i32
    %sign3A_205 = arith.cmpi sgt, %jit3A, %sign3A_204 : i32
    %sign3A_206 = arith.extui %sign3A_205 : i1 to i32
    %sign3A_207 = arith.constant 0 : i32
    %sign3A_208 = arith.cmpi slt, %jit3A, %sign3A_207 : i32
    %sign3A_209 = arith.extui %sign3A_208 : i1 to i32
    %sign3A_210 = arith.subi %sign3A_206, %sign3A_209 : i32
    %ne3A = arith.cmpi ne, %sign3A_203, %sign3A_210 : i32
    %rem3A = arith.remsi %mul3A_196, %jit3A : i32
    %ne3A_211 = arith.constant 0 : i32
    %ne3A_212 = arith.cmpi ne, %rem3A, %ne3A_211 : i32
    %and3A = arith.andi %ne3A, %ne3A_212 : i1
    %sub3A_213 = arith.constant 1 : i32
    %sub3A_214 = arith.subi %div3A_197, %sub3A_213 : i32
    %select_n3A = arith.select %and3A, %sub3A_214, %div3A_197 : i32
    %add3A_215 = arith.constant 1 : i32
    %add3A_216 = arith.addi %add3A, %add3A_215 : i32
    %mul3A_217 = arith.constant 12500 : i32
    %mul3A_218 = arith.muli %add3A_216, %mul3A_217 : i32
    %jit3A_219 = arith.constant 32 : i32
    %div3A_220 = arith.divsi %mul3A_218, %jit3A_219 : i32
    %sign3A_221 = arith.constant 0 : i32
    %sign3A_222 = arith.cmpi sgt, %mul3A_218, %sign3A_221 : i32
    %sign3A_223 = arith.extui %sign3A_222 : i1 to i32
    %sign3A_224 = arith.constant 0 : i32
    %sign3A_225 = arith.cmpi slt, %mul3A_218, %sign3A_224 : i32
    %sign3A_226 = arith.extui %sign3A_225 : i1 to i32
    %sign3A_227 = arith.subi %sign3A_223, %sign3A_226 : i32
    %sign3A_228 = arith.constant 0 : i32
    %sign3A_229 = arith.cmpi sgt, %jit3A_219, %sign3A_228 : i32
    %sign3A_230 = arith.extui %sign3A_229 : i1 to i32
    %sign3A_231 = arith.constant 0 : i32
    %sign3A_232 = arith.cmpi slt, %jit3A_219, %sign3A_231 : i32
    %sign3A_233 = arith.extui %sign3A_232 : i1 to i32
    %sign3A_234 = arith.subi %sign3A_230, %sign3A_233 : i32
    %ne3A_235 = arith.cmpi ne, %sign3A_227, %sign3A_234 : i32
    %rem3A_236 = arith.remsi %mul3A_218, %jit3A_219 : i32
    %ne3A_237 = arith.constant 0 : i32
    %ne3A_238 = arith.cmpi ne, %rem3A_236, %ne3A_237 : i32
    %and3A_239 = arith.andi %ne3A_235, %ne3A_238 : i1
    %sub3A_240 = arith.constant 1 : i32
    %sub3A_241 = arith.subi %div3A_220, %sub3A_240 : i32
    %select_n3A_242 = arith.select %and3A_239, %sub3A_241, %div3A_220 : i32
    %while3A_243 = arith.constant 0 : i32
    %while3A_244 = arith.subi %select_n3A_242, %select_n3A : i32
    %while3A_245 = arith.addi %select_n3A, %while3A_244 : i32
    %while3A_246 = arith.constant 1 : i32
    %while3A_247 = arith.divsi %while3A_244, %while3A_246 : i32
    %while3A_248 = arith.muli %while3A_247, %while3A_246 : i32
    %while3A_249 = arith.addi %select_n3A, %while3A_248 : i32
    %while3A_250 = arith.constant 1 : i32
    scf.for %while3A_252 = %select_n3A to %while3A_249 step %while3A_250  : i32 {
      %mul3A_253 = arith.constant 64 : i32
      %mul3A_254 = arith.muli %while3A_252, %mul3A_253 : i32
      "tpu.region"() ({
        %run_scoped3A = tpu.sem_alloc : memref<!tpu.dma_semaphore, #tpu.memory_space<semaphore_mem>>
        %dma_start3A_271 = tpu.memref_slice %arg3[%mul3A_254] : memref<800000xi32, #tpu.memory_space<hbm>> -> memref<64xi32, #tpu.memory_space<hbm>>
        %dma_start3A_272 = tpu.memref_slice %arg3[%mul3A_254] : memref<800000xi32, #tpu.memory_space<hbm>> -> memref<64xi32, #tpu.memory_space<hbm>>
        tpu.enqueue_dma source(%dma_start3A_272 : memref<64xi32, #tpu.memory_space<hbm>>) target(%arg10 : memref<64xi32, #tpu.memory_space<vmem>>) target_semaphore(%run_scoped3A : memref<!tpu.dma_semaphore, #tpu.memory_space<semaphore_mem>>)
        %dma_wait3A_273 = tpu.memref_slice %arg3[%mul3A_254] : memref<800000xi32, #tpu.memory_space<hbm>> -> memref<64xi32, #tpu.memory_space<hbm>>
        %dma_wait3A_274 = tpu.memref_slice %arg3[%mul3A_254] : memref<800000xi32, #tpu.memory_space<hbm>> -> memref<64xi32, #tpu.memory_space<hbm>>
        tpu.wait_dma2 semaphore(%run_scoped3A : memref<!tpu.dma_semaphore, #tpu.memory_space<semaphore_mem>>) src(%dma_wait3A_274 : memref<64xi32, #tpu.memory_space<hbm>>) dst(%arg10 : memref<64xi32, #tpu.memory_space<vmem>>)
        tpu.yield
      }) : () -> ()
      "tpu.region"() ({
        %run_scoped3A = tpu.sem_alloc : memref<!tpu.dma_semaphore, #tpu.memory_space<semaphore_mem>>
        %dma_start3A_271 = tpu.memref_slice %arg4[%mul3A_254] : memref<800000xi32, #tpu.memory_space<hbm>> -> memref<64xi32, #tpu.memory_space<hbm>>
        %dma_start3A_272 = tpu.memref_slice %arg4[%mul3A_254] : memref<800000xi32, #tpu.memory_space<hbm>> -> memref<64xi32, #tpu.memory_space<hbm>>
        tpu.enqueue_dma source(%dma_start3A_272 : memref<64xi32, #tpu.memory_space<hbm>>) target(%arg11 : memref<64xi32, #tpu.memory_space<vmem>>) target_semaphore(%run_scoped3A : memref<!tpu.dma_semaphore, #tpu.memory_space<semaphore_mem>>)
        %dma_wait3A_273 = tpu.memref_slice %arg4[%mul3A_254] : memref<800000xi32, #tpu.memory_space<hbm>> -> memref<64xi32, #tpu.memory_space<hbm>>
        %dma_wait3A_274 = tpu.memref_slice %arg4[%mul3A_254] : memref<800000xi32, #tpu.memory_space<hbm>> -> memref<64xi32, #tpu.memory_space<hbm>>
        tpu.wait_dma2 semaphore(%run_scoped3A : memref<!tpu.dma_semaphore, #tpu.memory_space<semaphore_mem>>) src(%dma_wait3A_274 : memref<64xi32, #tpu.memory_space<hbm>>) dst(%arg11 : memref<64xi32, #tpu.memory_space<vmem>>)
        tpu.yield
      }) : () -> ()
      %dma_start3A = arith.constant 0 : i32
      %dma_start3A_255 = arith.constant 0 : i32
      %dma_start3A_256 = tpu.memref_slice %arg2[%dma_start3A, %dma_start3A_255] : memref<50000x128xf32, #tpu.memory_space<hbm>> -> memref<50000x128xf32, #tpu.memory_space<hbm>>
      tpu.enqueue_indirect_dma source(%dma_start3A_256 : memref<50000x128xf32, #tpu.memory_space<hbm>>) target(%arg12 : memref<64x128xf32, #tpu.memory_space<vmem>>) offsets(%arg10 : memref<64xi32, #tpu.memory_space<vmem>>) semaphore(%arg19 : memref<!tpu.dma_semaphore, #tpu.memory_space<semaphore_mem>>)
      %dma_start3A_257 = arith.constant 0 : i32
      %dma_start3A_258 = arith.constant 0 : i32
      %dma_start3A_259 = tpu.memref_slice %arg2[%dma_start3A_257, %dma_start3A_258] : memref<50000x128xf32, #tpu.memory_space<hbm>> -> memref<50000x128xf32, #tpu.memory_space<hbm>>
      tpu.enqueue_indirect_dma source(%dma_start3A_259 : memref<50000x128xf32, #tpu.memory_space<hbm>>) target(%arg13 : memref<64x128xf32, #tpu.memory_space<vmem>>) offsets(%arg11 : memref<64xi32, #tpu.memory_space<vmem>>) semaphore(%arg20 : memref<!tpu.dma_semaphore, #tpu.memory_space<semaphore_mem>>)
      %dma_wait3A = arith.constant 0 : i32
      %dma_wait3A_260 = arith.constant 0 : i32
      %dma_wait3A_261 = tpu.memref_slice %arg2[%dma_wait3A, %dma_wait3A_260] : memref<50000x128xf32, #tpu.memory_space<hbm>> -> memref<50000x128xf32, #tpu.memory_space<hbm>>
      tpu.wait_indirect_dma semaphore(%arg19 : memref<!tpu.dma_semaphore, #tpu.memory_space<semaphore_mem>>) src(%dma_wait3A_261 : memref<50000x128xf32, #tpu.memory_space<hbm>>) dst(%arg12 : memref<64x128xf32, #tpu.memory_space<vmem>>)
      %dma_wait3A_262 = arith.constant 0 : i32
      %dma_wait3A_263 = arith.constant 0 : i32
      %dma_wait3A_264 = tpu.memref_slice %arg2[%dma_wait3A_262, %dma_wait3A_263] : memref<50000x128xf32, #tpu.memory_space<hbm>> -> memref<50000x128xf32, #tpu.memory_space<hbm>>
      tpu.wait_indirect_dma semaphore(%arg20 : memref<!tpu.dma_semaphore, #tpu.memory_space<semaphore_mem>>) src(%dma_wait3A_264 : memref<50000x128xf32, #tpu.memory_space<hbm>>) dst(%arg13 : memref<64x128xf32, #tpu.memory_space<vmem>>)
      %scan3A_265 = arith.constant 0 : i32
      %scan3A_266 = arith.constant 0 : i32
      %scan3A_267 = arith.constant 64 : i32
      %scan3A_268 = arith.addi %scan3A_266, %scan3A_267 : i32
      %scan3A_269 = arith.constant 1 : i32
      scf.for %scan3A_271 = %scan3A_266 to %scan3A_268 step %scan3A_269  : i32 {
        %get3A_272 = arith.index_cast %scan3A_271 : i32 to index
        %get3A_273 = arith.constant 0 : index
        %get3A_274 = tpu.vector_load %arg12[%get3A_272, %get3A_273] {strides = array<i32>} : memref<64x128xf32, #tpu.memory_space<vmem>>, vector<1x16xf32>,
        %get3A_275 = vector.shape_cast %get3A_274 : vector<1x16xf32> to vector<16xf32>
        %get3A_276 = arith.index_cast %scan3A_271 : i32 to index
        %get3A_277 = arith.constant 64 : index
        %get3A_278 = tpu.vector_load %arg12[%get3A_276, %get3A_277] {strides = array<i32>} : memref<64x128xf32, #tpu.memory_space<vmem>>, vector<1x16xf32>,
        %get3A_279 = vector.shape_cast %get3A_278 : vector<1x16xf32> to vector<16xf32>
        %get3A_280 = arith.index_cast %scan3A_271 : i32 to index
        %get3A_281 = arith.constant 0 : index
        %get3A_282 = tpu.vector_load %arg13[%get3A_280, %get3A_281] {strides = array<i32>} : memref<64x128xf32, #tpu.memory_space<vmem>>, vector<1x16xf32>,
        %get3A_283 = vector.shape_cast %get3A_282 : vector<1x16xf32> to vector<16xf32>
        %get3A_284 = arith.index_cast %scan3A_271 : i32 to index
        %get3A_285 = arith.constant 64 : index
        %get3A_286 = tpu.vector_load %arg13[%get3A_284, %get3A_285] {strides = array<i32>} : memref<64x128xf32, #tpu.memory_space<vmem>>, vector<1x16xf32>,
        %get3A_287 = vector.shape_cast %get3A_286 : vector<1x16xf32> to vector<16xf32>
        %add3A_288 = arith.addf %get3A_275, %get3A_287 : vector<16xf32>
        %max3A = arith.constant 0.000000e+00 : f32
        %max3A_289 = vector.broadcast %max3A : f32 to vector<16xf32>
        %max3A_290 = arith.maximumf %add3A_288, %max3A_289 : vector<16xf32>
        %add3A_291 = arith.addf %get3A_283, %get3A_279 : vector<16xf32>
        %max3A_292 = arith.constant 0.000000e+00 : f32
        %max3A_293 = vector.broadcast %max3A_292 : f32 to vector<16xf32>
        %max3A_294 = arith.maximumf %add3A_291, %max3A_293 : vector<16xf32>
        %add3A_295 = arith.addf %max3A_290, %max3A_294 : vector<16xf32>
        %swap3A = arith.index_cast %scan3A_271 : i32 to index
        %swap3A_296 = arith.constant 0 : index
        %swap3A_297 = tpu.vector_load %arg14[%swap3A, %swap3A_296] {strides = array<i32>} : memref<64x64xf32, #tpu.memory_space<vmem>>, vector<1x16xf32>,
        %swap3A_298 = vector.shape_cast %swap3A_297 : vector<1x16xf32> to vector<16xf32>
        %swap3A_299 = vector.shape_cast %add3A_295 : vector<16xf32> to vector<1x16xf32>
        tpu.vector_store %arg14[%swap3A, %swap3A_296], %swap3A_299 {strides = array<i32>} : memref<64x64xf32, #tpu.memory_space<vmem>>, vector<1x16xf32>,
        %get3A_300 = arith.index_cast %scan3A_271 : i32 to index
        %get3A_301 = arith.constant 16 : index
        %get3A_302 = tpu.vector_load %arg12[%get3A_300, %get3A_301] {strides = array<i32>} : memref<64x128xf32, #tpu.memory_space<vmem>>, vector<1x16xf32>,
        %get3A_303 = vector.shape_cast %get3A_302 : vector<1x16xf32> to vector<16xf32>
        %get3A_304 = arith.index_cast %scan3A_271 : i32 to index
        %get3A_305 = arith.constant 80 : index
        %get3A_306 = tpu.vector_load %arg12[%get3A_304, %get3A_305] {strides = array<i32>} : memref<64x128xf32, #tpu.memory_space<vmem>>, vector<1x16xf32>,
        %get3A_307 = vector.shape_cast %get3A_306 : vector<1x16xf32> to vector<16xf32>
        %get3A_308 = arith.index_cast %scan3A_271 : i32 to index
        %get3A_309 = arith.constant 16 : index
        %get3A_310 = tpu.vector_load %arg13[%get3A_308, %get3A_309] {strides = array<i32>} : memref<64x128xf32, #tpu.memory_space<vmem>>, vector<1x16xf32>,
        %get3A_311 = vector.shape_cast %get3A_310 : vector<1x16xf32> to vector<16xf32>
        %get3A_312 = arith.index_cast %scan3A_271 : i32 to index
        %get3A_313 = arith.constant 80 : index
        %get3A_314 = tpu.vector_load %arg13[%get3A_312, %get3A_313] {strides = array<i32>} : memref<64x128xf32, #tpu.memory_space<vmem>>, vector<1x16xf32>,
        %get3A_315 = vector.shape_cast %get3A_314 : vector<1x16xf32> to vector<16xf32>
        %add3A_316 = arith.addf %get3A_303, %get3A_315 : vector<16xf32>
        %max3A_317 = arith.constant 0.000000e+00 : f32
        %max3A_318 = vector.broadcast %max3A_317 : f32 to vector<16xf32>
        %max3A_319 = arith.maximumf %add3A_316, %max3A_318 : vector<16xf32>
        %add3A_320 = arith.addf %get3A_311, %get3A_307 : vector<16xf32>
        %max3A_321 = arith.constant 0.000000e+00 : f32
        %max3A_322 = vector.broadcast %max3A_321 : f32 to vector<16xf32>
        %max3A_323 = arith.maximumf %add3A_320, %max3A_322 : vector<16xf32>
        %add3A_324 = arith.addf %max3A_319, %max3A_323 : vector<16xf32>
        %swap3A_325 = arith.index_cast %scan3A_271 : i32 to index
        %swap3A_326 = arith.constant 16 : index
        %swap3A_327 = tpu.vector_load %arg14[%swap3A_325, %swap3A_326] {strides = array<i32>} : memref<64x64xf32, #tpu.memory_space<vmem>>, vector<1x16xf32>,
        %swap3A_328 = vector.shape_cast %swap3A_327 : vector<1x16xf32> to vector<16xf32>
        %swap3A_329 = vector.shape_cast %add3A_324 : vector<16xf32> to vector<1x16xf32>
        tpu.vector_store %arg14[%swap3A_325, %swap3A_326], %swap3A_329 {strides = array<i32>} : memref<64x64xf32, #tpu.memory_space<vmem>>, vector<1x16xf32>,
        %get3A_330 = arith.index_cast %scan3A_271 : i32 to index
        %get3A_331 = arith.constant 32 : index
        %get3A_332 = tpu.vector_load %arg12[%get3A_330, %get3A_331] {strides = array<i32>} : memref<64x128xf32, #tpu.memory_space<vmem>>, vector<1x16xf32>,
        %get3A_333 = vector.shape_cast %get3A_332 : vector<1x16xf32> to vector<16xf32>
        %get3A_334 = arith.index_cast %scan3A_271 : i32 to index
        %get3A_335 = arith.constant 96 : index
        %get3A_336 = tpu.vector_load %arg12[%get3A_334, %get3A_335] {strides = array<i32>} : memref<64x128xf32, #tpu.memory_space<vmem>>, vector<1x16xf32>,
        %get3A_337 = vector.shape_cast %get3A_336 : vector<1x16xf32> to vector<16xf32>
        %get3A_338 = arith.index_cast %scan3A_271 : i32 to index
        %get3A_339 = arith.constant 32 : index
        %get3A_340 = tpu.vector_load %arg13[%get3A_338, %get3A_339] {strides = array<i32>} : memref<64x128xf32, #tpu.memory_space<vmem>>, vector<1x16xf32>,
        %get3A_341 = vector.shape_cast %get3A_340 : vector<1x16xf32> to vector<16xf32>
        %get3A_342 = arith.index_cast %scan3A_271 : i32 to index
        %get3A_343 = arith.constant 96 : index
        %get3A_344 = tpu.vector_load %arg13[%get3A_342, %get3A_343] {strides = array<i32>} : memref<64x128xf32, #tpu.memory_space<vmem>>, vector<1x16xf32>,
        %get3A_345 = vector.shape_cast %get3A_344 : vector<1x16xf32> to vector<16xf32>
        %add3A_346 = arith.addf %get3A_333, %get3A_345 : vector<16xf32>
        %max3A_347 = arith.constant 0.000000e+00 : f32
        %max3A_348 = vector.broadcast %max3A_347 : f32 to vector<16xf32>
        %max3A_349 = arith.maximumf %add3A_346, %max3A_348 : vector<16xf32>
        %add3A_350 = arith.addf %get3A_341, %get3A_337 : vector<16xf32>
        %max3A_351 = arith.constant 0.000000e+00 : f32
        %max3A_352 = vector.broadcast %max3A_351 : f32 to vector<16xf32>
        %max3A_353 = arith.maximumf %add3A_350, %max3A_352 : vector<16xf32>
        %add3A_354 = arith.addf %max3A_349, %max3A_353 : vector<16xf32>
        %swap3A_355 = arith.index_cast %scan3A_271 : i32 to index
        %swap3A_356 = arith.constant 32 : index
        %swap3A_357 = tpu.vector_load %arg14[%swap3A_355, %swap3A_356] {strides = array<i32>} : memref<64x64xf32, #tpu.memory_space<vmem>>, vector<1x16xf32>,
        %swap3A_358 = vector.shape_cast %swap3A_357 : vector<1x16xf32> to vector<16xf32>
        %swap3A_359 = vector.shape_cast %add3A_354 : vector<16xf32> to vector<1x16xf32>
        tpu.vector_store %arg14[%swap3A_355, %swap3A_356], %swap3A_359 {strides = array<i32>} : memref<64x64xf32, #tpu.memory_space<vmem>>, vector<1x16xf32>,
        %get3A_360 = arith.index_cast %scan3A_271 : i32 to index
        %get3A_361 = arith.constant 48 : index
        %get3A_362 = tpu.vector_load %arg12[%get3A_360, %get3A_361] {strides = array<i32>} : memref<64x128xf32, #tpu.memory_space<vmem>>, vector<1x16xf32>,
        %get3A_363 = vector.shape_cast %get3A_362 : vector<1x16xf32> to vector<16xf32>
        %get3A_364 = arith.index_cast %scan3A_271 : i32 to index
        %get3A_365 = arith.constant 112 : index
        %get3A_366 = tpu.vector_load %arg12[%get3A_364, %get3A_365] {strides = array<i32>} : memref<64x128xf32, #tpu.memory_space<vmem>>, vector<1x16xf32>,
        %get3A_367 = vector.shape_cast %get3A_366 : vector<1x16xf32> to vector<16xf32>
        %get3A_368 = arith.index_cast %scan3A_271 : i32 to index
        %get3A_369 = arith.constant 48 : index
        %get3A_370 = tpu.vector_load %arg13[%get3A_368, %get3A_369] {strides = array<i32>} : memref<64x128xf32, #tpu.memory_space<vmem>>, vector<1x16xf32>,
        %get3A_371 = vector.shape_cast %get3A_370 : vector<1x16xf32> to vector<16xf32>
        %get3A_372 = arith.index_cast %scan3A_271 : i32 to index
        %get3A_373 = arith.constant 112 : index
        %get3A_374 = tpu.vector_load %arg13[%get3A_372, %get3A_373] {strides = array<i32>} : memref<64x128xf32, #tpu.memory_space<vmem>>, vector<1x16xf32>,
        %get3A_375 = vector.shape_cast %get3A_374 : vector<1x16xf32> to vector<16xf32>
        %add3A_376 = arith.addf %get3A_363, %get3A_375 : vector<16xf32>
        %max3A_377 = arith.constant 0.000000e+00 : f32
        %max3A_378 = vector.broadcast %max3A_377 : f32 to vector<16xf32>
        %max3A_379 = arith.maximumf %add3A_376, %max3A_378 : vector<16xf32>
        %add3A_380 = arith.addf %get3A_371, %get3A_367 : vector<16xf32>
        %max3A_381 = arith.constant 0.000000e+00 : f32
        %max3A_382 = vector.broadcast %max3A_381 : f32 to vector<16xf32>
        %max3A_383 = arith.maximumf %add3A_380, %max3A_382 : vector<16xf32>
        %add3A_384 = arith.addf %max3A_379, %max3A_383 : vector<16xf32>
        %swap3A_385 = arith.index_cast %scan3A_271 : i32 to index
        %swap3A_386 = arith.constant 48 : index
        %swap3A_387 = tpu.vector_load %arg14[%swap3A_385, %swap3A_386] {strides = array<i32>} : memref<64x64xf32, #tpu.memory_space<vmem>>, vector<1x16xf32>,
        %swap3A_388 = vector.shape_cast %swap3A_387 : vector<1x16xf32> to vector<16xf32>
        %swap3A_389 = vector.shape_cast %add3A_384 : vector<16xf32> to vector<1x16xf32>
        tpu.vector_store %arg14[%swap3A_385, %swap3A_386], %swap3A_389 {strides = array<i32>} : memref<64x64xf32, #tpu.memory_space<vmem>>, vector<1x16xf32>,
      }
      %scan3A_270 = arith.constant 64 : i32
      "tpu.region"() ({
        %run_scoped3A = tpu.sem_alloc : memref<!tpu.dma_semaphore, #tpu.memory_space<semaphore_mem>>
        %dma_start3A_271 = arith.constant 0 : i32
        %dma_start3A_272 = tpu.memref_slice %arg8[%mul3A_254, %dma_start3A_271] : memref<800000x64xf32, #tpu.memory_space<hbm>> -> memref<64x64xf32, #tpu.memory_space<hbm>>
        %dma_start3A_273 = arith.constant 0 : i32
        %dma_start3A_274 = tpu.memref_slice %arg8[%mul3A_254, %dma_start3A_273] : memref<800000x64xf32, #tpu.memory_space<hbm>> -> memref<64x64xf32, #tpu.memory_space<hbm>>
        tpu.enqueue_dma source(%arg14 : memref<64x64xf32, #tpu.memory_space<vmem>>) target(%dma_start3A_274 : memref<64x64xf32, #tpu.memory_space<hbm>>) target_semaphore(%run_scoped3A : memref<!tpu.dma_semaphore, #tpu.memory_space<semaphore_mem>>)
        %dma_wait3A_275 = arith.constant 0 : i32
        %dma_wait3A_276 = tpu.memref_slice %arg8[%mul3A_254, %dma_wait3A_275] : memref<800000x64xf32, #tpu.memory_space<hbm>> -> memref<64x64xf32, #tpu.memory_space<hbm>>
        %dma_wait3A_277 = arith.constant 0 : i32
        %dma_wait3A_278 = tpu.memref_slice %arg8[%mul3A_254, %dma_wait3A_277] : memref<800000x64xf32, #tpu.memory_space<hbm>> -> memref<64x64xf32, #tpu.memory_space<hbm>>
        tpu.wait_dma2 semaphore(%run_scoped3A : memref<!tpu.dma_semaphore, #tpu.memory_space<semaphore_mem>>) src(%arg14 : memref<64x64xf32, #tpu.memory_space<vmem>>) dst(%dma_wait3A_278 : memref<64x64xf32, #tpu.memory_space<hbm>>)
        tpu.yield
      }) : () -> ()
    }
    %while3A_251 = arith.constant 1 : i32
    scf.for %while3A_252 = %while3A_249 to %while3A_245 step %while3A_251  : i32 {
      %mul3A_253 = arith.constant 64 : i32
      %mul3A_254 = arith.muli %while3A_252, %mul3A_253 : i32
      "tpu.region"() ({
        %run_scoped3A = tpu.sem_alloc : memref<!tpu.dma_semaphore, #tpu.memory_space<semaphore_mem>>
        %dma_start3A_271 = tpu.memref_slice %arg3[%mul3A_254] : memref<800000xi32, #tpu.memory_space<hbm>> -> memref<64xi32, #tpu.memory_space<hbm>>
        %dma_start3A_272 = tpu.memref_slice %arg3[%mul3A_254] : memref<800000xi32, #tpu.memory_space<hbm>> -> memref<64xi32, #tpu.memory_space<hbm>>
        tpu.enqueue_dma source(%dma_start3A_272 : memref<64xi32, #tpu.memory_space<hbm>>) target(%arg10 : memref<64xi32, #tpu.memory_space<vmem>>) target_semaphore(%run_scoped3A : memref<!tpu.dma_semaphore, #tpu.memory_space<semaphore_mem>>)
        %dma_wait3A_273 = tpu.memref_slice %arg3[%mul3A_254] : memref<800000xi32, #tpu.memory_space<hbm>> -> memref<64xi32, #tpu.memory_space<hbm>>
        %dma_wait3A_274 = tpu.memref_slice %arg3[%mul3A_254] : memref<800000xi32, #tpu.memory_space<hbm>> -> memref<64xi32, #tpu.memory_space<hbm>>
        tpu.wait_dma2 semaphore(%run_scoped3A : memref<!tpu.dma_semaphore, #tpu.memory_space<semaphore_mem>>) src(%dma_wait3A_274 : memref<64xi32, #tpu.memory_space<hbm>>) dst(%arg10 : memref<64xi32, #tpu.memory_space<vmem>>)
        tpu.yield
      }) : () -> ()
      "tpu.region"() ({
        %run_scoped3A = tpu.sem_alloc : memref<!tpu.dma_semaphore, #tpu.memory_space<semaphore_mem>>
        %dma_start3A_271 = tpu.memref_slice %arg4[%mul3A_254] : memref<800000xi32, #tpu.memory_space<hbm>> -> memref<64xi32, #tpu.memory_space<hbm>>
        %dma_start3A_272 = tpu.memref_slice %arg4[%mul3A_254] : memref<800000xi32, #tpu.memory_space<hbm>> -> memref<64xi32, #tpu.memory_space<hbm>>
        tpu.enqueue_dma source(%dma_start3A_272 : memref<64xi32, #tpu.memory_space<hbm>>) target(%arg11 : memref<64xi32, #tpu.memory_space<vmem>>) target_semaphore(%run_scoped3A : memref<!tpu.dma_semaphore, #tpu.memory_space<semaphore_mem>>)
        %dma_wait3A_273 = tpu.memref_slice %arg4[%mul3A_254] : memref<800000xi32, #tpu.memory_space<hbm>> -> memref<64xi32, #tpu.memory_space<hbm>>
        %dma_wait3A_274 = tpu.memref_slice %arg4[%mul3A_254] : memref<800000xi32, #tpu.memory_space<hbm>> -> memref<64xi32, #tpu.memory_space<hbm>>
        tpu.wait_dma2 semaphore(%run_scoped3A : memref<!tpu.dma_semaphore, #tpu.memory_space<semaphore_mem>>) src(%dma_wait3A_274 : memref<64xi32, #tpu.memory_space<hbm>>) dst(%arg11 : memref<64xi32, #tpu.memory_space<vmem>>)
        tpu.yield
      }) : () -> ()
      %dma_start3A = arith.constant 0 : i32
      %dma_start3A_255 = arith.constant 0 : i32
      %dma_start3A_256 = tpu.memref_slice %arg2[%dma_start3A, %dma_start3A_255] : memref<50000x128xf32, #tpu.memory_space<hbm>> -> memref<50000x128xf32, #tpu.memory_space<hbm>>
      tpu.enqueue_indirect_dma source(%dma_start3A_256 : memref<50000x128xf32, #tpu.memory_space<hbm>>) target(%arg12 : memref<64x128xf32, #tpu.memory_space<vmem>>) offsets(%arg10 : memref<64xi32, #tpu.memory_space<vmem>>) semaphore(%arg19 : memref<!tpu.dma_semaphore, #tpu.memory_space<semaphore_mem>>)
      %dma_start3A_257 = arith.constant 0 : i32
      %dma_start3A_258 = arith.constant 0 : i32
      %dma_start3A_259 = tpu.memref_slice %arg2[%dma_start3A_257, %dma_start3A_258] : memref<50000x128xf32, #tpu.memory_space<hbm>> -> memref<50000x128xf32, #tpu.memory_space<hbm>>
      tpu.enqueue_indirect_dma source(%dma_start3A_259 : memref<50000x128xf32, #tpu.memory_space<hbm>>) target(%arg13 : memref<64x128xf32, #tpu.memory_space<vmem>>) offsets(%arg11 : memref<64xi32, #tpu.memory_space<vmem>>) semaphore(%arg20 : memref<!tpu.dma_semaphore, #tpu.memory_space<semaphore_mem>>)
      %dma_wait3A = arith.constant 0 : i32
      %dma_wait3A_260 = arith.constant 0 : i32
      %dma_wait3A_261 = tpu.memref_slice %arg2[%dma_wait3A, %dma_wait3A_260] : memref<50000x128xf32, #tpu.memory_space<hbm>> -> memref<50000x128xf32, #tpu.memory_space<hbm>>
      tpu.wait_indirect_dma semaphore(%arg19 : memref<!tpu.dma_semaphore, #tpu.memory_space<semaphore_mem>>) src(%dma_wait3A_261 : memref<50000x128xf32, #tpu.memory_space<hbm>>) dst(%arg12 : memref<64x128xf32, #tpu.memory_space<vmem>>)
      %dma_wait3A_262 = arith.constant 0 : i32
      %dma_wait3A_263 = arith.constant 0 : i32
      %dma_wait3A_264 = tpu.memref_slice %arg2[%dma_wait3A_262, %dma_wait3A_263] : memref<50000x128xf32, #tpu.memory_space<hbm>> -> memref<50000x128xf32, #tpu.memory_space<hbm>>
      tpu.wait_indirect_dma semaphore(%arg20 : memref<!tpu.dma_semaphore, #tpu.memory_space<semaphore_mem>>) src(%dma_wait3A_264 : memref<50000x128xf32, #tpu.memory_space<hbm>>) dst(%arg13 : memref<64x128xf32, #tpu.memory_space<vmem>>)
      %scan3A_265 = arith.constant 0 : i32
      %scan3A_266 = arith.constant 0 : i32
      %scan3A_267 = arith.constant 64 : i32
      %scan3A_268 = arith.addi %scan3A_266, %scan3A_267 : i32
      %scan3A_269 = arith.constant 1 : i32
      scf.for %scan3A_271 = %scan3A_266 to %scan3A_268 step %scan3A_269  : i32 {
        %get3A_272 = arith.index_cast %scan3A_271 : i32 to index
        %get3A_273 = arith.constant 0 : index
        %get3A_274 = tpu.vector_load %arg12[%get3A_272, %get3A_273] {strides = array<i32>} : memref<64x128xf32, #tpu.memory_space<vmem>>, vector<1x16xf32>,
        %get3A_275 = vector.shape_cast %get3A_274 : vector<1x16xf32> to vector<16xf32>
        %get3A_276 = arith.index_cast %scan3A_271 : i32 to index
        %get3A_277 = arith.constant 64 : index
        %get3A_278 = tpu.vector_load %arg12[%get3A_276, %get3A_277] {strides = array<i32>} : memref<64x128xf32, #tpu.memory_space<vmem>>, vector<1x16xf32>,
        %get3A_279 = vector.shape_cast %get3A_278 : vector<1x16xf32> to vector<16xf32>
        %get3A_280 = arith.index_cast %scan3A_271 : i32 to index
        %get3A_281 = arith.constant 0 : index
        %get3A_282 = tpu.vector_load %arg13[%get3A_280, %get3A_281] {strides = array<i32>} : memref<64x128xf32, #tpu.memory_space<vmem>>, vector<1x16xf32>,
        %get3A_283 = vector.shape_cast %get3A_282 : vector<1x16xf32> to vector<16xf32>
        %get3A_284 = arith.index_cast %scan3A_271 : i32 to index
        %get3A_285 = arith.constant 64 : index
        %get3A_286 = tpu.vector_load %arg13[%get3A_284, %get3A_285] {strides = array<i32>} : memref<64x128xf32, #tpu.memory_space<vmem>>, vector<1x16xf32>,
        %get3A_287 = vector.shape_cast %get3A_286 : vector<1x16xf32> to vector<16xf32>
        %add3A_288 = arith.addf %get3A_275, %get3A_287 : vector<16xf32>
        %max3A = arith.constant 0.000000e+00 : f32
        %max3A_289 = vector.broadcast %max3A : f32 to vector<16xf32>
        %max3A_290 = arith.maximumf %add3A_288, %max3A_289 : vector<16xf32>
        %add3A_291 = arith.addf %get3A_283, %get3A_279 : vector<16xf32>
        %max3A_292 = arith.constant 0.000000e+00 : f32
        %max3A_293 = vector.broadcast %max3A_292 : f32 to vector<16xf32>
        %max3A_294 = arith.maximumf %add3A_291, %max3A_293 : vector<16xf32>
        %add3A_295 = arith.addf %max3A_290, %max3A_294 : vector<16xf32>
        %swap3A = arith.index_cast %scan3A_271 : i32 to index
        %swap3A_296 = arith.constant 0 : index
        %swap3A_297 = tpu.vector_load %arg14[%swap3A, %swap3A_296] {strides = array<i32>} : memref<64x64xf32, #tpu.memory_space<vmem>>, vector<1x16xf32>,
        %swap3A_298 = vector.shape_cast %swap3A_297 : vector<1x16xf32> to vector<16xf32>
        %swap3A_299 = vector.shape_cast %add3A_295 : vector<16xf32> to vector<1x16xf32>
        tpu.vector_store %arg14[%swap3A, %swap3A_296], %swap3A_299 {strides = array<i32>} : memref<64x64xf32, #tpu.memory_space<vmem>>, vector<1x16xf32>,
        %get3A_300 = arith.index_cast %scan3A_271 : i32 to index
        %get3A_301 = arith.constant 16 : index
        %get3A_302 = tpu.vector_load %arg12[%get3A_300, %get3A_301] {strides = array<i32>} : memref<64x128xf32, #tpu.memory_space<vmem>>, vector<1x16xf32>,
        %get3A_303 = vector.shape_cast %get3A_302 : vector<1x16xf32> to vector<16xf32>
        %get3A_304 = arith.index_cast %scan3A_271 : i32 to index
        %get3A_305 = arith.constant 80 : index
        %get3A_306 = tpu.vector_load %arg12[%get3A_304, %get3A_305] {strides = array<i32>} : memref<64x128xf32, #tpu.memory_space<vmem>>, vector<1x16xf32>,
        %get3A_307 = vector.shape_cast %get3A_306 : vector<1x16xf32> to vector<16xf32>
        %get3A_308 = arith.index_cast %scan3A_271 : i32 to index
        %get3A_309 = arith.constant 16 : index
        %get3A_310 = tpu.vector_load %arg13[%get3A_308, %get3A_309] {strides = array<i32>} : memref<64x128xf32, #tpu.memory_space<vmem>>, vector<1x16xf32>,
        %get3A_311 = vector.shape_cast %get3A_310 : vector<1x16xf32> to vector<16xf32>
        %get3A_312 = arith.index_cast %scan3A_271 : i32 to index
        %get3A_313 = arith.constant 80 : index
        %get3A_314 = tpu.vector_load %arg13[%get3A_312, %get3A_313] {strides = array<i32>} : memref<64x128xf32, #tpu.memory_space<vmem>>, vector<1x16xf32>,
        %get3A_315 = vector.shape_cast %get3A_314 : vector<1x16xf32> to vector<16xf32>
        %add3A_316 = arith.addf %get3A_303, %get3A_315 : vector<16xf32>
        %max3A_317 = arith.constant 0.000000e+00 : f32
        %max3A_318 = vector.broadcast %max3A_317 : f32 to vector<16xf32>
        %max3A_319 = arith.maximumf %add3A_316, %max3A_318 : vector<16xf32>
        %add3A_320 = arith.addf %get3A_311, %get3A_307 : vector<16xf32>
        %max3A_321 = arith.constant 0.000000e+00 : f32
        %max3A_322 = vector.broadcast %max3A_321 : f32 to vector<16xf32>
        %max3A_323 = arith.maximumf %add3A_320, %max3A_322 : vector<16xf32>
        %add3A_324 = arith.addf %max3A_319, %max3A_323 : vector<16xf32>
        %swap3A_325 = arith.index_cast %scan3A_271 : i32 to index
        %swap3A_326 = arith.constant 16 : index
        %swap3A_327 = tpu.vector_load %arg14[%swap3A_325, %swap3A_326] {strides = array<i32>} : memref<64x64xf32, #tpu.memory_space<vmem>>, vector<1x16xf32>,
        %swap3A_328 = vector.shape_cast %swap3A_327 : vector<1x16xf32> to vector<16xf32>
        %swap3A_329 = vector.shape_cast %add3A_324 : vector<16xf32> to vector<1x16xf32>
        tpu.vector_store %arg14[%swap3A_325, %swap3A_326], %swap3A_329 {strides = array<i32>} : memref<64x64xf32, #tpu.memory_space<vmem>>, vector<1x16xf32>,
        %get3A_330 = arith.index_cast %scan3A_271 : i32 to index
        %get3A_331 = arith.constant 32 : index
        %get3A_332 = tpu.vector_load %arg12[%get3A_330, %get3A_331] {strides = array<i32>} : memref<64x128xf32, #tpu.memory_space<vmem>>, vector<1x16xf32>,
        %get3A_333 = vector.shape_cast %get3A_332 : vector<1x16xf32> to vector<16xf32>
        %get3A_334 = arith.index_cast %scan3A_271 : i32 to index
        %get3A_335 = arith.constant 96 : index
        %get3A_336 = tpu.vector_load %arg12[%get3A_334, %get3A_335] {strides = array<i32>} : memref<64x128xf32, #tpu.memory_space<vmem>>, vector<1x16xf32>,
        %get3A_337 = vector.shape_cast %get3A_336 : vector<1x16xf32> to vector<16xf32>
        %get3A_338 = arith.index_cast %scan3A_271 : i32 to index
        %get3A_339 = arith.constant 32 : index
        %get3A_340 = tpu.vector_load %arg13[%get3A_338, %get3A_339] {strides = array<i32>} : memref<64x128xf32, #tpu.memory_space<vmem>>, vector<1x16xf32>,
        %get3A_341 = vector.shape_cast %get3A_340 : vector<1x16xf32> to vector<16xf32>
        %get3A_342 = arith.index_cast %scan3A_271 : i32 to index
        %get3A_343 = arith.constant 96 : index
        %get3A_344 = tpu.vector_load %arg13[%get3A_342, %get3A_343] {strides = array<i32>} : memref<64x128xf32, #tpu.memory_space<vmem>>, vector<1x16xf32>,
        %get3A_345 = vector.shape_cast %get3A_344 : vector<1x16xf32> to vector<16xf32>
        %add3A_346 = arith.addf %get3A_333, %get3A_345 : vector<16xf32>
        %max3A_347 = arith.constant 0.000000e+00 : f32
        %max3A_348 = vector.broadcast %max3A_347 : f32 to vector<16xf32>
        %max3A_349 = arith.maximumf %add3A_346, %max3A_348 : vector<16xf32>
        %add3A_350 = arith.addf %get3A_341, %get3A_337 : vector<16xf32>
        %max3A_351 = arith.constant 0.000000e+00 : f32
        %max3A_352 = vector.broadcast %max3A_351 : f32 to vector<16xf32>
        %max3A_353 = arith.maximumf %add3A_350, %max3A_352 : vector<16xf32>
        %add3A_354 = arith.addf %max3A_349, %max3A_353 : vector<16xf32>
        %swap3A_355 = arith.index_cast %scan3A_271 : i32 to index
        %swap3A_356 = arith.constant 32 : index
        %swap3A_357 = tpu.vector_load %arg14[%swap3A_355, %swap3A_356] {strides = array<i32>} : memref<64x64xf32, #tpu.memory_space<vmem>>, vector<1x16xf32>,
        %swap3A_358 = vector.shape_cast %swap3A_357 : vector<1x16xf32> to vector<16xf32>
        %swap3A_359 = vector.shape_cast %add3A_354 : vector<16xf32> to vector<1x16xf32>
        tpu.vector_store %arg14[%swap3A_355, %swap3A_356], %swap3A_359 {strides = array<i32>} : memref<64x64xf32, #tpu.memory_space<vmem>>, vector<1x16xf32>,
        %get3A_360 = arith.index_cast %scan3A_271 : i32 to index
        %get3A_361 = arith.constant 48 : index
        %get3A_362 = tpu.vector_load %arg12[%get3A_360, %get3A_361] {strides = array<i32>} : memref<64x128xf32, #tpu.memory_space<vmem>>, vector<1x16xf32>,
        %get3A_363 = vector.shape_cast %get3A_362 : vector<1x16xf32> to vector<16xf32>
        %get3A_364 = arith.index_cast %scan3A_271 : i32 to index
        %get3A_365 = arith.constant 112 : index
        %get3A_366 = tpu.vector_load %arg12[%get3A_364, %get3A_365] {strides = array<i32>} : memref<64x128xf32, #tpu.memory_space<vmem>>, vector<1x16xf32>,
        %get3A_367 = vector.shape_cast %get3A_366 : vector<1x16xf32> to vector<16xf32>
        %get3A_368 = arith.index_cast %scan3A_271 : i32 to index
        %get3A_369 = arith.constant 48 : index
        %get3A_370 = tpu.vector_load %arg13[%get3A_368, %get3A_369] {strides = array<i32>} : memref<64x128xf32, #tpu.memory_space<vmem>>, vector<1x16xf32>,
        %get3A_371 = vector.shape_cast %get3A_370 : vector<1x16xf32> to vector<16xf32>
        %get3A_372 = arith.index_cast %scan3A_271 : i32 to index
        %get3A_373 = arith.constant 112 : index
        %get3A_374 = tpu.vector_load %arg13[%get3A_372, %get3A_373] {strides = array<i32>} : memref<64x128xf32, #tpu.memory_space<vmem>>, vector<1x16xf32>,
        %get3A_375 = vector.shape_cast %get3A_374 : vector<1x16xf32> to vector<16xf32>
        %add3A_376 = arith.addf %get3A_363, %get3A_375 : vector<16xf32>
        %max3A_377 = arith.constant 0.000000e+00 : f32
        %max3A_378 = vector.broadcast %max3A_377 : f32 to vector<16xf32>
        %max3A_379 = arith.maximumf %add3A_376, %max3A_378 : vector<16xf32>
        %add3A_380 = arith.addf %get3A_371, %get3A_367 : vector<16xf32>
        %max3A_381 = arith.constant 0.000000e+00 : f32
        %max3A_382 = vector.broadcast %max3A_381 : f32 to vector<16xf32>
        %max3A_383 = arith.maximumf %add3A_380, %max3A_382 : vector<16xf32>
        %add3A_384 = arith.addf %max3A_379, %max3A_383 : vector<16xf32>
        %swap3A_385 = arith.index_cast %scan3A_271 : i32 to index
        %swap3A_386 = arith.constant 48 : index
        %swap3A_387 = tpu.vector_load %arg14[%swap3A_385, %swap3A_386] {strides = array<i32>} : memref<64x64xf32, #tpu.memory_space<vmem>>, vector<1x16xf32>,
        %swap3A_388 = vector.shape_cast %swap3A_387 : vector<1x16xf32> to vector<16xf32>
        %swap3A_389 = vector.shape_cast %add3A_384 : vector<16xf32> to vector<1x16xf32>
        tpu.vector_store %arg14[%swap3A_385, %swap3A_386], %swap3A_389 {strides = array<i32>} : memref<64x64xf32, #tpu.memory_space<vmem>>, vector<1x16xf32>,
      }
      %scan3A_270 = arith.constant 64 : i32
      "tpu.region"() ({
        %run_scoped3A = tpu.sem_alloc : memref<!tpu.dma_semaphore, #tpu.memory_space<semaphore_mem>>
        %dma_start3A_271 = arith.constant 0 : i32
        %dma_start3A_272 = tpu.memref_slice %arg8[%mul3A_254, %dma_start3A_271] : memref<800000x64xf32, #tpu.memory_space<hbm>> -> memref<64x64xf32, #tpu.memory_space<hbm>>
        %dma_start3A_273 = arith.constant 0 : i32
        %dma_start3A_274 = tpu.memref_slice %arg8[%mul3A_254, %dma_start3A_273] : memref<800000x64xf32, #tpu.memory_space<hbm>> -> memref<64x64xf32, #tpu.memory_space<hbm>>
        tpu.enqueue_dma source(%arg14 : memref<64x64xf32, #tpu.memory_space<vmem>>) target(%dma_start3A_274 : memref<64x64xf32, #tpu.memory_space<hbm>>) target_semaphore(%run_scoped3A : memref<!tpu.dma_semaphore, #tpu.memory_space<semaphore_mem>>)
        %dma_wait3A_275 = arith.constant 0 : i32
        %dma_wait3A_276 = tpu.memref_slice %arg8[%mul3A_254, %dma_wait3A_275] : memref<800000x64xf32, #tpu.memory_space<hbm>> -> memref<64x64xf32, #tpu.memory_space<hbm>>
        %dma_wait3A_277 = arith.constant 0 : i32
        %dma_wait3A_278 = tpu.memref_slice %arg8[%mul3A_254, %dma_wait3A_277] : memref<800000x64xf32, #tpu.memory_space<hbm>> -> memref<64x64xf32, #tpu.memory_space<hbm>>
        tpu.wait_dma2 semaphore(%run_scoped3A : memref<!tpu.dma_semaphore, #tpu.memory_space<semaphore_mem>>) src(%arg14 : memref<64x64xf32, #tpu.memory_space<vmem>>) dst(%dma_wait3A_278 : memref<64x64xf32, #tpu.memory_space<hbm>>)
        tpu.yield
      }) : () -> ()
    }
    return
  }
}

module attributes {stable_mosaic.version = 14 : i64} {
  func.func @_pa_body(%arg0: i32, %arg1: memref<8000x14xf32, #tpu.memory_space<vmem>>, %arg2: memref<14x64xf32, #tpu.memory_space<vmem>>, %arg3: memref<1x64xf32, #tpu.memory_space<vmem>>, %arg4: memref<8000x64xf32, #tpu.memory_space<vmem>>) attributes {dimension_semantics = [#tpu.dimension_semantics<arbitrary>], iteration_bounds = array<i64: 100>, scalar_prefetch = 0 : i64, scratch_operands = 0 : i64, tpu.core_type = #tpu.core_type<tc>, window_params = [{transform_indices = @transform_0, window_bounds = array<i64: 8000, 14>}, {pipeline_mode = #tpu.pipeline_mode<synchronous>, transform_indices = @transform_1, window_bounds = array<i64: 14, 64>}, {pipeline_mode = #tpu.pipeline_mode<synchronous>, transform_indices = @transform_2, window_bounds = array<i64: 1, 64>}, {transform_indices = @transform_3, window_bounds = array<i64: 8000, 64>}]} {
    %get3A = arith.constant 0 : index
    %get3A_0 = arith.constant 0 : index
    %get3A_1 = vector.load %arg1[%get3A, %get3A_0] : memref<8000x14xf32, #tpu.memory_space<vmem>>, vector<8000x14xf32>
    %get3A_2 = arith.constant 0 : index
    %get3A_3 = arith.constant 0 : index
    %get3A_4 = vector.load %arg2[%get3A_2, %get3A_3] : memref<14x64xf32, #tpu.memory_space<vmem>>, vector<14x64xf32>
    %dot_general3A = arith.constant dense<0.000000e+00> : vector<8000x64xf32>
    %dot_general3A_5 = tpu.matmul %get3A_1, %get3A_4, %dot_general3A {dimension_numbers = #tpu.dot_dimension_numbers<[1], [0], [0], [1], [0, 0, 1, 1], [], []>, transpose_lhs_hint = false} : vector<8000x14xf32>, vector<14x64xf32>, vector<8000x64xf32> -> vector<8000x64xf32>
    %get3A_6 = arith.constant 0 : index
    %get3A_7 = arith.constant 0 : index
    %get3A_8 = vector.load %arg3[%get3A_6, %get3A_7] : memref<1x64xf32, #tpu.memory_space<vmem>>, vector<1x64xf32>
    %add3A = vector.broadcast %get3A_8 : vector<1x64xf32> to vector<8000x64xf32>
    %add3A_9 = arith.addf %dot_general3A_5, %add3A : vector<8000x64xf32>
    %max3A = arith.constant 0.000000e+00 : f32
    %max3A_10 = vector.broadcast %max3A : f32 to vector<8000x64xf32>
    %max3A_11 = arith.maximumf %add3A_9, %max3A_10 : vector<8000x64xf32>
    %swap3A = arith.constant 0 : index
    %swap3A_12 = arith.constant 0 : index
    %swap3A_13 = vector.load %arg4[%swap3A, %swap3A_12] : memref<8000x64xf32, #tpu.memory_space<vmem>>, vector<8000x64xf32>
    tpu.vector_store %arg4[%swap3A, %swap3A_12], %max3A_11 {strides = array<i32>} : memref<8000x64xf32, #tpu.memory_space<vmem>>, vector<8000x64xf32>,
    return
  }
  func.func @transform_0(%arg0: i32) -> (i32, i32) {
    %c0_i32 = arith.constant 0 : i32
    %c0_i32_0 = arith.constant 0 : i32
    return %arg0, %c0_i32 : i32, i32
  }
  func.func @transform_1(%arg0: i32) -> (i32, i32) {
    %c0_i32 = arith.constant 0 : i32
    %c0_i32_0 = arith.constant 0 : i32
    %c0_i32_1 = arith.constant 0 : i32
    return %c0_i32, %c0_i32_0 : i32, i32
  }
  func.func @transform_2(%arg0: i32) -> (i32, i32) {
    %c0_i32 = arith.constant 0 : i32
    %c0_i32_0 = arith.constant 0 : i32
    %c0_i32_1 = arith.constant 0 : i32
    return %c0_i32, %c0_i32_0 : i32, i32
  }
  func.func @transform_3(%arg0: i32) -> (i32, i32) {
    %c0_i32 = arith.constant 0 : i32
    %c0_i32_0 = arith.constant 0 : i32
    return %arg0, %c0_i32 : i32, i32
  }
}

module attributes {stable_mosaic.version = 14 : i64} {
  func.func @_atoms_body(%arg0: i32, %arg1: memref<2000x75xf32, #tpu.memory_space<vmem>>, %arg2: memref<75x128xf32, #tpu.memory_space<vmem>>, %arg3: memref<1x128xf32, #tpu.memory_space<vmem>>, %arg4: memref<75x50xf32, #tpu.memory_space<vmem>>, %arg5: memref<1x50xf32, #tpu.memory_space<vmem>>, %arg6: memref<2000x128xf32, #tpu.memory_space<vmem>>, %arg7: memref<2000x50xf32, #tpu.memory_space<vmem>>) attributes {dimension_semantics = [#tpu.dimension_semantics<arbitrary>], iteration_bounds = array<i64: 25>, scalar_prefetch = 0 : i64, scratch_operands = 0 : i64, tpu.core_type = #tpu.core_type<tc>, window_params = [{transform_indices = @transform_0, window_bounds = array<i64: 2000, 75>}, {pipeline_mode = #tpu.pipeline_mode<synchronous>, transform_indices = @transform_1, window_bounds = array<i64: 75, 128>}, {pipeline_mode = #tpu.pipeline_mode<synchronous>, transform_indices = @transform_2, window_bounds = array<i64: 1, 128>}, {pipeline_mode = #tpu.pipeline_mode<synchronous>, transform_indices = @transform_3, window_bounds = array<i64: 75, 50>}, {pipeline_mode = #tpu.pipeline_mode<synchronous>, transform_indices = @transform_4, window_bounds = array<i64: 1, 50>}, {transform_indices = @transform_5, window_bounds = array<i64: 2000, 128>}, {transform_indices = @transform_6, window_bounds = array<i64: 2000, 50>}]} {
    %get3A = arith.constant 0 : index
    %get3A_0 = arith.constant 0 : index
    %get3A_1 = vector.load %arg1[%get3A, %get3A_0] : memref<2000x75xf32, #tpu.memory_space<vmem>>, vector<2000x75xf32>
    %get3A_2 = arith.constant 0 : index
    %get3A_3 = arith.constant 0 : index
    %get3A_4 = vector.load %arg2[%get3A_2, %get3A_3] : memref<75x128xf32, #tpu.memory_space<vmem>>, vector<75x128xf32>
    %dot_general3A = arith.constant dense<0.000000e+00> : vector<2000x128xf32>
    %dot_general3A_5 = tpu.matmul %get3A_1, %get3A_4, %dot_general3A {dimension_numbers = #tpu.dot_dimension_numbers<[1], [0], [0], [1], [0, 0, 1, 1], [], []>, transpose_lhs_hint = false} : vector<2000x75xf32>, vector<75x128xf32>, vector<2000x128xf32> -> vector<2000x128xf32>
    %get3A_6 = arith.constant 0 : index
    %get3A_7 = arith.constant 0 : index
    %get3A_8 = vector.load %arg3[%get3A_6, %get3A_7] : memref<1x128xf32, #tpu.memory_space<vmem>>, vector<1x128xf32>
    %add3A = vector.broadcast %get3A_8 : vector<1x128xf32> to vector<2000x128xf32>
    %add3A_9 = arith.addf %dot_general3A_5, %add3A : vector<2000x128xf32>
    %swap3A = arith.constant 0 : index
    %swap3A_10 = arith.constant 0 : index
    %swap3A_11 = vector.load %arg6[%swap3A, %swap3A_10] : memref<2000x128xf32, #tpu.memory_space<vmem>>, vector<2000x128xf32>
    tpu.vector_store %arg6[%swap3A, %swap3A_10], %add3A_9 {strides = array<i32>} : memref<2000x128xf32, #tpu.memory_space<vmem>>, vector<2000x128xf32>,
    %get3A_12 = arith.constant 0 : index
    %get3A_13 = arith.constant 0 : index
    %get3A_14 = vector.load %arg4[%get3A_12, %get3A_13] : memref<75x50xf32, #tpu.memory_space<vmem>>, vector<75x50xf32>
    %dot_general3A_15 = arith.constant dense<0.000000e+00> : vector<2000x50xf32>
    %dot_general3A_16 = tpu.matmul %get3A_1, %get3A_14, %dot_general3A_15 {dimension_numbers = #tpu.dot_dimension_numbers<[1], [0], [0], [1], [0, 0, 1, 1], [], []>, transpose_lhs_hint = false} : vector<2000x75xf32>, vector<75x50xf32>, vector<2000x50xf32> -> vector<2000x50xf32>
    %get3A_17 = arith.constant 0 : index
    %get3A_18 = arith.constant 0 : index
    %get3A_19 = vector.load %arg5[%get3A_17, %get3A_18] : memref<1x50xf32, #tpu.memory_space<vmem>>, vector<1x50xf32>
    %add3A_20 = vector.broadcast %get3A_19 : vector<1x50xf32> to vector<2000x50xf32>
    %add3A_21 = arith.addf %dot_general3A_16, %add3A_20 : vector<2000x50xf32>
    %max3A = arith.constant 0.000000e+00 : f32
    %max3A_22 = vector.broadcast %max3A : f32 to vector<2000x50xf32>
    %max3A_23 = arith.maximumf %add3A_21, %max3A_22 : vector<2000x50xf32>
    %swap3A_24 = arith.constant 0 : index
    %swap3A_25 = arith.constant 0 : index
    %swap3A_26 = vector.load %arg7[%swap3A_24, %swap3A_25] : memref<2000x50xf32, #tpu.memory_space<vmem>>, vector<2000x50xf32>
    tpu.vector_store %arg7[%swap3A_24, %swap3A_25], %max3A_23 {strides = array<i32>} : memref<2000x50xf32, #tpu.memory_space<vmem>>, vector<2000x50xf32>,
    return
  }
  func.func @transform_0(%arg0: i32) -> (i32, i32) {
    %c0_i32 = arith.constant 0 : i32
    %c0_i32_0 = arith.constant 0 : i32
    return %arg0, %c0_i32 : i32, i32
  }
  func.func @transform_1(%arg0: i32) -> (i32, i32) {
    %c0_i32 = arith.constant 0 : i32
    %c0_i32_0 = arith.constant 0 : i32
    %c0_i32_1 = arith.constant 0 : i32
    return %c0_i32, %c0_i32_0 : i32, i32
  }
  func.func @transform_2(%arg0: i32) -> (i32, i32) {
    %c0_i32 = arith.constant 0 : i32
    %c0_i32_0 = arith.constant 0 : i32
    %c0_i32_1 = arith.constant 0 : i32
    return %c0_i32, %c0_i32_0 : i32, i32
  }
  func.func @transform_3(%arg0: i32) -> (i32, i32) {
    %c0_i32 = arith.constant 0 : i32
    %c0_i32_0 = arith.constant 0 : i32
    %c0_i32_1 = arith.constant 0 : i32
    return %c0_i32, %c0_i32_0 : i32, i32
  }
  func.func @transform_4(%arg0: i32) -> (i32, i32) {
    %c0_i32 = arith.constant 0 : i32
    %c0_i32_0 = arith.constant 0 : i32
    %c0_i32_1 = arith.constant 0 : i32
    return %c0_i32, %c0_i32_0 : i32, i32
  }
  func.func @transform_5(%arg0: i32) -> (i32, i32) {
    %c0_i32 = arith.constant 0 : i32
    %c0_i32_0 = arith.constant 0 : i32
    return %arg0, %c0_i32 : i32, i32
  }
  func.func @transform_6(%arg0: i32) -> (i32, i32) {
    %c0_i32 = arith.constant 0 : i32
    %c0_i32_0 = arith.constant 0 : i32
    return %arg0, %c0_i32 : i32, i32
  }
}

module attributes {stable_mosaic.version = 14 : i64} {
  func.func @_a_body(%arg0: i32, %arg1: memref<2000x50xf32, #tpu.memory_space<vmem>>, %arg2: memref<2000x64xf32, #tpu.memory_space<vmem>>, %arg3: memref<50x50xf32, #tpu.memory_space<vmem>>, %arg4: memref<64x50xf32, #tpu.memory_space<vmem>>, %arg5: memref<1x50xf32, #tpu.memory_space<vmem>>, %arg6: memref<2000x50xf32, #tpu.memory_space<vmem>>) attributes {dimension_semantics = [#tpu.dimension_semantics<arbitrary>], iteration_bounds = array<i64: 25>, scalar_prefetch = 0 : i64, scratch_operands = 0 : i64, tpu.core_type = #tpu.core_type<tc>, window_params = [{transform_indices = @transform_0, window_bounds = array<i64: 2000, 50>}, {transform_indices = @transform_1, window_bounds = array<i64: 2000, 64>}, {pipeline_mode = #tpu.pipeline_mode<synchronous>, transform_indices = @transform_2, window_bounds = array<i64: 50, 50>}, {pipeline_mode = #tpu.pipeline_mode<synchronous>, transform_indices = @transform_3, window_bounds = array<i64: 64, 50>}, {pipeline_mode = #tpu.pipeline_mode<synchronous>, transform_indices = @transform_4, window_bounds = array<i64: 1, 50>}, {transform_indices = @transform_5, window_bounds = array<i64: 2000, 50>}]} {
    %get3A = arith.constant 0 : index
    %get3A_0 = arith.constant 0 : index
    %get3A_1 = vector.load %arg1[%get3A, %get3A_0] : memref<2000x50xf32, #tpu.memory_space<vmem>>, vector<2000x50xf32>
    %get3A_2 = arith.constant 0 : index
    %get3A_3 = arith.constant 0 : index
    %get3A_4 = vector.load %arg3[%get3A_2, %get3A_3] : memref<50x50xf32, #tpu.memory_space<vmem>>, vector<50x50xf32>
    %dot_general3A = arith.constant dense<0.000000e+00> : vector<2000x50xf32>
    %dot_general3A_5 = tpu.matmul %get3A_1, %get3A_4, %dot_general3A {dimension_numbers = #tpu.dot_dimension_numbers<[1], [0], [0], [1], [0, 0, 1, 1], [], []>, transpose_lhs_hint = false} : vector<2000x50xf32>, vector<50x50xf32>, vector<2000x50xf32> -> vector<2000x50xf32>
    %get3A_6 = arith.constant 0 : index
    %get3A_7 = arith.constant 0 : index
    %get3A_8 = vector.load %arg2[%get3A_6, %get3A_7] : memref<2000x64xf32, #tpu.memory_space<vmem>>, vector<2000x64xf32>
    %get3A_9 = arith.constant 0 : index
    %get3A_10 = arith.constant 0 : index
    %get3A_11 = vector.load %arg4[%get3A_9, %get3A_10] : memref<64x50xf32, #tpu.memory_space<vmem>>, vector<64x50xf32>
    %dot_general3A_12 = arith.constant dense<0.000000e+00> : vector<2000x50xf32>
    %dot_general3A_13 = tpu.matmul %get3A_8, %get3A_11, %dot_general3A_12 {dimension_numbers = #tpu.dot_dimension_numbers<[1], [0], [0], [1], [0, 0, 1, 1], [], []>, transpose_lhs_hint = false} : vector<2000x64xf32>, vector<64x50xf32>, vector<2000x50xf32> -> vector<2000x50xf32>
    %add3A = arith.addf %dot_general3A_5, %dot_general3A_13 : vector<2000x50xf32>
    %get3A_14 = arith.constant 0 : index
    %get3A_15 = arith.constant 0 : index
    %get3A_16 = vector.load %arg5[%get3A_14, %get3A_15] : memref<1x50xf32, #tpu.memory_space<vmem>>, vector<1x50xf32>
    %add3A_17 = vector.broadcast %get3A_16 : vector<1x50xf32> to vector<2000x50xf32>
    %add3A_18 = arith.addf %add3A, %add3A_17 : vector<2000x50xf32>
    %max3A = arith.constant 0.000000e+00 : f32
    %max3A_19 = vector.broadcast %max3A : f32 to vector<2000x50xf32>
    %max3A_20 = arith.maximumf %add3A_18, %max3A_19 : vector<2000x50xf32>
    %swap3A = arith.constant 0 : index
    %swap3A_21 = arith.constant 0 : index
    %swap3A_22 = vector.load %arg6[%swap3A, %swap3A_21] : memref<2000x50xf32, #tpu.memory_space<vmem>>, vector<2000x50xf32>
    tpu.vector_store %arg6[%swap3A, %swap3A_21], %max3A_20 {strides = array<i32>} : memref<2000x50xf32, #tpu.memory_space<vmem>>, vector<2000x50xf32>,
    return
  }
  func.func @transform_0(%arg0: i32) -> (i32, i32) {
    %c0_i32 = arith.constant 0 : i32
    %c0_i32_0 = arith.constant 0 : i32
    return %arg0, %c0_i32 : i32, i32
  }
  func.func @transform_1(%arg0: i32) -> (i32, i32) {
    %c0_i32 = arith.constant 0 : i32
    %c0_i32_0 = arith.constant 0 : i32
    return %arg0, %c0_i32 : i32, i32
  }
  func.func @transform_2(%arg0: i32) -> (i32, i32) {
    %c0_i32 = arith.constant 0 : i32
    %c0_i32_0 = arith.constant 0 : i32
    %c0_i32_1 = arith.constant 0 : i32
    return %c0_i32, %c0_i32_0 : i32, i32
  }
  func.func @transform_3(%arg0: i32) -> (i32, i32) {
    %c0_i32 = arith.constant 0 : i32
    %c0_i32_0 = arith.constant 0 : i32
    %c0_i32_1 = arith.constant 0 : i32
    return %c0_i32, %c0_i32_0 : i32, i32
  }
  func.func @transform_4(%arg0: i32) -> (i32, i32) {
    %c0_i32 = arith.constant 0 : i32
    %c0_i32_0 = arith.constant 0 : i32
    %c0_i32_1 = arith.constant 0 : i32
    return %c0_i32, %c0_i32_0 : i32, i32
  }
  func.func @transform_5(%arg0: i32) -> (i32, i32) {
    %c0_i32 = arith.constant 0 : i32
    %c0_i32_0 = arith.constant 0 : i32
    return %arg0, %c0_i32 : i32, i32
  }
}

module attributes {stable_mosaic.version = 14 : i64} {
  func.func @_p_body(%arg0: i32, %arg1: memref<8000x64xf32, #tpu.memory_space<vmem>>, %arg2: memref<8000x14xf32, #tpu.memory_space<vmem>>, %arg3: memref<64x50xf32, #tpu.memory_space<vmem>>, %arg4: memref<14x50xf32, #tpu.memory_space<vmem>>, %arg5: memref<1x50xf32, #tpu.memory_space<vmem>>, %arg6: memref<50x50xf32, #tpu.memory_space<vmem>>, %arg7: memref<1x50xf32, #tpu.memory_space<vmem>>, %arg8: memref<8000x50xf32, #tpu.memory_space<vmem>>) attributes {dimension_semantics = [#tpu.dimension_semantics<arbitrary>], iteration_bounds = array<i64: 100>, scalar_prefetch = 0 : i64, scratch_operands = 0 : i64, tpu.core_type = #tpu.core_type<tc>, window_params = [{transform_indices = @transform_0, window_bounds = array<i64: 8000, 64>}, {transform_indices = @transform_1, window_bounds = array<i64: 8000, 14>}, {pipeline_mode = #tpu.pipeline_mode<synchronous>, transform_indices = @transform_2, window_bounds = array<i64: 64, 50>}, {pipeline_mode = #tpu.pipeline_mode<synchronous>, transform_indices = @transform_3, window_bounds = array<i64: 14, 50>}, {pipeline_mode = #tpu.pipeline_mode<synchronous>, transform_indices = @transform_4, window_bounds = array<i64: 1, 50>}, {pipeline_mode = #tpu.pipeline_mode<synchronous>, transform_indices = @transform_5, window_bounds = array<i64: 50, 50>}, {pipeline_mode = #tpu.pipeline_mode<synchronous>, transform_indices = @transform_6, window_bounds = array<i64: 1, 50>}, {transform_indices = @transform_7, window_bounds = array<i64: 8000, 50>}]} {
    %get3A = arith.constant 0 : index
    %get3A_0 = arith.constant 0 : index
    %get3A_1 = vector.load %arg2[%get3A, %get3A_0] : memref<8000x14xf32, #tpu.memory_space<vmem>>, vector<8000x14xf32>
    %get3A_2 = arith.constant 0 : index
    %get3A_3 = arith.constant 0 : index
    %get3A_4 = vector.load %arg4[%get3A_2, %get3A_3] : memref<14x50xf32, #tpu.memory_space<vmem>>, vector<14x50xf32>
    %dot_general3A = arith.constant dense<0.000000e+00> : vector<8000x50xf32>
    %dot_general3A_5 = tpu.matmul %get3A_1, %get3A_4, %dot_general3A {dimension_numbers = #tpu.dot_dimension_numbers<[1], [0], [0], [1], [0, 0, 1, 1], [], []>, transpose_lhs_hint = false} : vector<8000x14xf32>, vector<14x50xf32>, vector<8000x50xf32> -> vector<8000x50xf32>
    %get3A_6 = arith.constant 0 : index
    %get3A_7 = arith.constant 0 : index
    %get3A_8 = vector.load %arg5[%get3A_6, %get3A_7] : memref<1x50xf32, #tpu.memory_space<vmem>>, vector<1x50xf32>
    %add3A = vector.broadcast %get3A_8 : vector<1x50xf32> to vector<8000x50xf32>
    %add3A_9 = arith.addf %dot_general3A_5, %add3A : vector<8000x50xf32>
    %max3A = arith.constant 0.000000e+00 : f32
    %max3A_10 = vector.broadcast %max3A : f32 to vector<8000x50xf32>
    %max3A_11 = arith.maximumf %add3A_9, %max3A_10 : vector<8000x50xf32>
    %get3A_12 = arith.constant 0 : index
    %get3A_13 = arith.constant 0 : index
    %get3A_14 = vector.load %arg1[%get3A_12, %get3A_13] : memref<8000x64xf32, #tpu.memory_space<vmem>>, vector<8000x64xf32>
    %get3A_15 = arith.constant 0 : index
    %get3A_16 = arith.constant 0 : index
    %get3A_17 = vector.load %arg3[%get3A_15, %get3A_16] : memref<64x50xf32, #tpu.memory_space<vmem>>, vector<64x50xf32>
    %dot_general3A_18 = arith.constant dense<0.000000e+00> : vector<8000x50xf32>
    %dot_general3A_19 = tpu.matmul %get3A_14, %get3A_17, %dot_general3A_18 {dimension_numbers = #tpu.dot_dimension_numbers<[1], [0], [0], [1], [0, 0, 1, 1], [], []>, transpose_lhs_hint = false} : vector<8000x64xf32>, vector<64x50xf32>, vector<8000x50xf32> -> vector<8000x50xf32>
    %get3A_20 = arith.constant 0 : index
    %get3A_21 = arith.constant 0 : index
    %get3A_22 = vector.load %arg6[%get3A_20, %get3A_21] : memref<50x50xf32, #tpu.memory_space<vmem>>, vector<50x50xf32>
    %dot_general3A_23 = arith.constant dense<0.000000e+00> : vector<8000x50xf32>
    %dot_general3A_24 = tpu.matmul %max3A_11, %get3A_22, %dot_general3A_23 {dimension_numbers = #tpu.dot_dimension_numbers<[1], [0], [0], [1], [0, 0, 1, 1], [], []>, transpose_lhs_hint = false} : vector<8000x50xf32>, vector<50x50xf32>, vector<8000x50xf32> -> vector<8000x50xf32>
    %add3A_25 = arith.addf %dot_general3A_19, %dot_general3A_24 : vector<8000x50xf32>
    %get3A_26 = arith.constant 0 : index
    %get3A_27 = arith.constant 0 : index
    %get3A_28 = vector.load %arg7[%get3A_26, %get3A_27] : memref<1x50xf32, #tpu.memory_space<vmem>>, vector<1x50xf32>
    %add3A_29 = vector.broadcast %get3A_28 : vector<1x50xf32> to vector<8000x50xf32>
    %add3A_30 = arith.addf %add3A_25, %add3A_29 : vector<8000x50xf32>
    %max3A_31 = arith.constant 0.000000e+00 : f32
    %max3A_32 = vector.broadcast %max3A_31 : f32 to vector<8000x50xf32>
    %max3A_33 = arith.maximumf %add3A_30, %max3A_32 : vector<8000x50xf32>
    %swap3A = arith.constant 0 : index
    %swap3A_34 = arith.constant 0 : index
    %swap3A_35 = vector.load %arg8[%swap3A, %swap3A_34] : memref<8000x50xf32, #tpu.memory_space<vmem>>, vector<8000x50xf32>
    tpu.vector_store %arg8[%swap3A, %swap3A_34], %max3A_33 {strides = array<i32>} : memref<8000x50xf32, #tpu.memory_space<vmem>>, vector<8000x50xf32>,
    return
  }
  func.func @transform_0(%arg0: i32) -> (i32, i32) {
    %c0_i32 = arith.constant 0 : i32
    %c0_i32_0 = arith.constant 0 : i32
    return %arg0, %c0_i32 : i32, i32
  }
  func.func @transform_1(%arg0: i32) -> (i32, i32) {
    %c0_i32 = arith.constant 0 : i32
    %c0_i32_0 = arith.constant 0 : i32
    return %arg0, %c0_i32 : i32, i32
  }
  func.func @transform_2(%arg0: i32) -> (i32, i32) {
    %c0_i32 = arith.constant 0 : i32
    %c0_i32_0 = arith.constant 0 : i32
    %c0_i32_1 = arith.constant 0 : i32
    return %c0_i32, %c0_i32_0 : i32, i32
  }
  func.func @transform_3(%arg0: i32) -> (i32, i32) {
    %c0_i32 = arith.constant 0 : i32
    %c0_i32_0 = arith.constant 0 : i32
    %c0_i32_1 = arith.constant 0 : i32
    return %c0_i32, %c0_i32_0 : i32, i32
  }
  func.func @transform_4(%arg0: i32) -> (i32, i32) {
    %c0_i32 = arith.constant 0 : i32
    %c0_i32_0 = arith.constant 0 : i32
    %c0_i32_1 = arith.constant 0 : i32
    return %c0_i32, %c0_i32_0 : i32, i32
  }
  func.func @transform_5(%arg0: i32) -> (i32, i32) {
    %c0_i32 = arith.constant 0 : i32
    %c0_i32_0 = arith.constant 0 : i32
    %c0_i32_1 = arith.constant 0 : i32
    return %c0_i32, %c0_i32_0 : i32, i32
  }
  func.func @transform_6(%arg0: i32) -> (i32, i32) {
    %c0_i32 = arith.constant 0 : i32
    %c0_i32_0 = arith.constant 0 : i32
    %c0_i32_1 = arith.constant 0 : i32
    return %c0_i32, %c0_i32_0 : i32, i32
  }
  func.func @transform_7(%arg0: i32) -> (i32, i32) {
    %c0_i32 = arith.constant 0 : i32
    %c0_i32_0 = arith.constant 0 : i32
    return %arg0, %c0_i32 : i32, i32
  }
}

</mosaic_0001>

<sc_bundles>
// kernel: kernel.7.cloned.1.call-start
scs
__scs_entry_jumppad:
0x0: {  	(pc) =	sbr.rel $0x88, $3  }
0x1: {  	(tag) =	ssettag $0x0;
	lr =	simm.s32 $0x1  }
0x2: {  	[smem:$0x3F91] =	sst lr;
	_ =	strace $0xD0000000  }
0x3: {  	_ = 	snop  }
0x4: {  	_ = 	snop  }
0x5: {  	_ = 	snop  }
0x6: {  	_ = 	snop  }
0x7: {  	_ = 	snop  }
__scs_overlays_trampoline_lowered:
0x8: {  	[smem:$0x3FA0] =	sst s0  }
0x9: {  	[smem:$0x3FA1] =	sst s1  }
0xa: {  	[smem:$0x3FA2] =	sst s2  }
0xb: {  	[smem:$0x3FA3] =	sst s3  }
0xc: {  	[smem:$0x3FA4] =	sst s4  }
0xd: {  	[smem:$0x3FA5] =	sst s5  }
0xe: {  	[smem:$0x3FA6] =	sst s6  }
0xf: {  	[smem:$0x3FA7] =	sst s7  }
0x10: {  	[smem:$0x3FA8] =	sst s8  }
0x11: {  	[smem:$0x3FA9] =	sst s9;
	s0 =	simm.s32 @!p0 $0x0  }
0x12: {  	s1 =	sld [smem:$0x3F8F];
	s0 =	simm.s32 @p0 $0x1  }
0x13: {  	[smem:$0x3FAA] =	sst s0;
	s0 =	simm.s32 @!p1 $0x0  }
0x14: {  	s2 =	sld [smem:$0x3F8E];
	s0 =	simm.s32 @p1 $0x1  }
0x15: {  	[smem:$0x3FAB] =	sst s0;
	s0 =	simm.s32 @!p2 $0x0  }
0x16: {  	s3 =	sld [smem:$0x3FDB];
	s0 =	simm.s32 @p2 $0x1  }
0x17: {  	s4 =	simm.s32 $0x1BF5;
	[smem:$0x3FAD] =	sst s0  }
0x18: {  	s0 =	sld [smem:$0x3F90];
	_ =	swait.ge [sflag:s4], $0x0  }
0x19: {  	s7 =	sld [smem:$0x3F91]  }
0x1a: {  	s8 =	sadd.s32 $0xFFFFE003, lr  }
0x1b: {  	s9 =	sadd.s32 $0xFFFFFEF7, lr;
	s5 =	simm.s32 $0xFFFFFFFF;
	p2 =	slt.u32 s8, $0xFFFFF086  }
0x1c: {  	p1 =	slt.u32 s9, $0xF7A;
	s5 =	simm.s32 @!p2 $0x0  }
0x1d: {  	s5 =	simm.s32 @p1 $0x1;
	p0 =	seq.s32 s7, s2  }
0x1e: {  	s7 =	smul.u32 @!p0 $0xF7A, s2;
	p2 =	seq.s32 @!p0 s5, $0x0  }
0x1f: {  	s9 =	smul.u32 $0xF7A, s1;
	s8 =	simm.s32 @!p0 $0x1BF5;
	p2 =	por !p2, p0  }
0x20: {  	[sflag:s8] =	ssyncset.s32 @!p0 $0xFFFFF086;
	s6 =	sadd.s32 @!p0 s3, s7;
	s7 =	simm.s32 @!p0 $0x108  }
0x21: {  	s3 =	sadd.s32 s3, s9;
	s6 =	sadd.s32 @!p0 $0x88, s6;
	s7 =	simm.s32 @p2 $0x1082  }
0x22: {  	[simem:s7], [sflag:s8] =	dma.local @!p0 [hbm:s6], $0xF7A  }
0x23: {  	s9 =	sor.u32 $0xD0000000, s2;
	s6 =	simm.s32 $0x108;
	_ =	swait.ge @!p0 [sflag:s8], $0x0  }
0x24: {  	s3 =	sadd.s32 $0x88, s3;
	s6 =	simm.s32 @!p1 $0x1082;
	[sflag:s4] =	ssyncset.s32 $0xFFFFF086  }
0x25: {  	[simem:s6], [sflag:s4] =	dma.local [hbm:s3], $0xF7A  }
0x26: {  	[smem:$0x3F91] =	sst s1;
	(tag) =	ssettag s2;
	_ =	strace s9  }
0x27: {  	s1 =	sld [smem:$0x3FA1]  }
0x28: {  	s2 =	sld [smem:$0x3FA2]  }
0x29: {  	s4 =	sld [smem:$0x3FA4]  }
0x2a: {  	p0 =	seq.s32 s5, $0x0;
	s5 =	sld [smem:$0x3FA5]  }
0x2b: {  	s6 =	sld [smem:$0x3FA6]  }
0x2c: {  	s7 =	sld [smem:$0x3FA7]  }
0x2d: {  	s3 =	simm.s32 $0x108;
	s8 =	sld [smem:$0x3FA8]  }
0x2e: {  	s3 =	simm.s32 @!p0 $0x1082;
	s9 =	sld [smem:$0x3FA9]  }
0x2f: {  	lr =	sadd.s32 s0, s3;
	s0 =	sld [smem:$0x3FA0]  }
0x30: {  	s3 =	sld [smem:$0x3FA3]  }
0x31: {  	[smem:$0x3FAC] =	sst s10  }
0x32: {  	s10 =	sld [smem:$0x3FAA];
	_ =	sdelay $0x3  }
0x33: {  	p0 =	seq.s32 s10, $0x1;
	s10 =	sld [smem:$0x3FAC];
	_ =	sdelay $0x3  }
0x34: {  	[smem:$0x3FAC] =	sst s10  }
0x35: {  	s10 =	sld [smem:$0x3FAB];
	_ =	sdelay $0x3  }
0x36: {  	p1 =	seq.s32 s10, $0x1;
	s10 =	sld [smem:$0x3FAC];
	_ =	sdelay $0x3  }
0x37: {  	[smem:$0x3FAC] =	sst s10  }
0x38: {  	s10 =	sld [smem:$0x3FAD]  }
0x39: {  	_ = 	snop;
	(pc) =	sbr.ind lr, $3  }
0x3a: {  	_ = 	snop  }
0x3b: {  	_ = 	snop  }
0x3c: {  	p2 =	seq.s32 s10, $0x1;
	s10 =	sld [smem:$0x3FAC]  }
0x3d: {  	_ =	shalt  }
0x3e: {  	_ =	shalt  }
0x3f: {  	_ =	shalt  }
0x40: {  	_ =	shalt  }
0x41: {  	_ =	shalt  }
0x42: {  	_ =	shalt  }
0x43: {  	_ =	shalt  }
0x44: {  	_ =	shalt  }
0x45: {  	_ =	shalt  }
0x46: {  	_ =	shalt  }
0x47: {  	_ =	shalt  }
0x48: {  	_ =	shalt  }
0x49: {  	_ =	shalt  }
0x4a: {  	_ =	shalt  }
0x4b: {  	_ =	shalt  }
0x4c: {  	_ =	shalt  }
0x4d: {  	_ =	shalt  }
0x4e: {  	_ =	shalt  }
0x4f: {  	_ =	shalt  }
0x50: {  	_ =	shalt  }
0x51: {  	_ =	shalt  }
0x52: {  	_ =	shalt  }
0x53: {  	_ =	shalt  }
0x54: {  	_ =	shalt  }
0x55: {  	_ =	shalt  }
0x56: {  	_ =	shalt  }
0x57: {  	_ =	shalt  }
0x58: {  	_ =	shalt  }
0x59: {  	_ =	shalt  }
0x5a: {  	_ =	shalt  }
0x5b: {  	_ =	shalt  }
0x5c: {  	_ =	shalt  }
0x5d: {  	_ =	shalt  }
0x5e: {  	_ =	shalt  }
0x5f: {  	_ =	shalt  }
0x60: {  	_ =	shalt  }
0x61: {  	_ =	shalt  }
0x62: {  	_ =	shalt  }
0x63: {  	_ =	shalt  }
0x64: {  	_ =	shalt  }
0x65: {  	_ =	shalt  }
0x66: {  	_ =	shalt  }
0x67: {  	_ =	shalt  }
0x68: {  	_ =	shalt  }
0x69: {  	_ =	shalt  }
0x6a: {  	_ =	shalt  }
0x6b: {  	_ =	shalt  }
0x6c: {  	_ =	shalt  }
0x6d: {  	_ =	shalt  }
0x6e: {  	_ =	shalt  }
0x6f: {  	_ =	shalt  }
0x70: {  	_ =	shalt  }
0x71: {  	_ =	shalt  }
0x72: {  	_ =	shalt  }
0x73: {  	_ =	shalt  }
0x74: {  	_ =	shalt  }
0x75: {  	_ =	shalt  }
0x76: {  	_ =	shalt  }
0x77: {  	_ =	shalt  }
0x78: {  	_ =	shalt  }
0x79: {  	_ =	shalt  }
0x7a: {  	_ =	shalt  }
0x7b: {  	_ =	shalt  }
0x7c: {  	_ =	shalt  }
0x7d: {  	_ =	shalt  }
0x7e: {  	_ =	shalt  }
0x7f: {  	_ =	shalt  }
0x80: {  	_ =	shalt  }
0x81: {  	_ =	shalt  }
0x82: {  	_ =	shalt  }
0x83: {  	_ =	shalt  }
0x84: {  	_ =	shalt  }
0x85: {  	_ =	shalt  }
0x86: {  	_ =	shalt  }
0x87: {  	_ =	shalt  }
.Lfunc_end0:
.L_simem_size_0:
called_computation_lowered:
.L_overlay_start_0:
0x88: {  	s2 =	sld [smem:$0x3FD9]  }
0x89: {  	s3 =	sld [smem:$0x3FFE];
	_ =	sdelay $0x1  }
0x8a: {  	s1 =	srdreg.scid  }
0x8b: {  	s0 =	sand.u32 $0x1, s1  }
0x8c: {  	s14 =	sshll.u32 s0, $0xA;
	s2 =	sadd.s32 s3, s2  }
0x8d: {  	s2 =	sadd.s32 s2, s14  }
0x8e: {  	[smem:$0x3FB8] =	sst s2  }
0x8f: {  	_ = 	snop  }
0x90: {  	s2 =	sld [smem:$0x3FD0];
	_ =	sdelay $0x2  }
0x91: {  	s4 =	simm.s32 $0xA;
	s5 =	simm.s32 $0x10;
	s15 =	sld [smem:$0x3FC7]  }
0x92: {  	[smem:s5], [sflag:s4] =	dma.local [hbm:s2], $0x1  }
0x93: {  	_ =	swait.eq [sflag:s4], $0x1  }
0x94: {  	[sflag:s4] =	ssyncset.done $0x0  }
0x95: {  	[sflag:s4] =	ssyncadd.s32 $0xFFFFFFFF  }
0x96: {  	s16 =	sld [smem:$0x10];
	(tm) =	ssettm $0x1  }
0x97: {  	s17 =	sld [smem:$0x3FFB];
	_ =	sdelay $0x3  }
0x98: {  	_ =	strace s17  }
0x99: {  	s4 =	sld [smem:$0x3FFC];
	_ =	sdelay $0x3  }
0x9a: {  	_ =	strace s4  }
0x9b: {  	s4 =	sld [smem:$0x3FFD];
	_ =	sdelay $0x3  }
0x9c: {  	_ =	strace s4  }
0x9d: {  	_ =	strace $0x8FFFFFFF  }
0x9e: {  	s18 =	sld [smem:$0x3FDB];
	_ =	sdelay $0x1  }
0x9f: {  	s19 =	simm.s32 $_scs_section_size  }
0xa0: {  	s6 =	simm.s32 $_size__tile_overlayer_lowered;
	s7 =	simm.s32 $_tile_overlayer_lowered  }
0xa1: {  	s22 =	simm.s32 $0x1BFF;
	s21 =	sshll.u32 s7, $0x1;
	s4 =	sadd.s32 s19, s18  }
0xa2: {  	s8 =	simm.s32 $0x0;
	s20 =	sshll.u32 s6, $0x1;
	s6 =	sadd.s32 s21, s4  }
0xa3: {  	[timem:s8], [sflag:s22] =	dma.local [hbm:s6], s20  }
0xa4: {  	_ =	swait.ge [sflag:s22], s20  }
0xa5: {  	s5 =	ssub.s32 $0x0, s20;
	[sflag:s22] =	ssyncset.done $0x0  }
0xa6: {  	[sflag:s22] =	ssyncadd.s32 s5;
	_ =	sdelay $0x1  }
0xa7: {  	s23 =	simm.s32 $0x1B8B  }
0xa8: {  	_ =	swait.ge [sflag:s23], $0x1  }
0xa9: {  	[sflag:s23] =	ssyncset.done $0x0  }
0xaa: {  	s25 =	simm.s32 $0x1B8E;
	s24 =	sld [smem:$0x3FFE];
	[sflag:s23] =	ssyncadd.s32 $0xFFFFFFFF  }
0xab: {  	s26 =	simm.s32 $execute0_lowered;
	[smem:$0x3FD2] =	sst s25  }
0xac: {  	s6 =	sshll.u32 s26, $0x1;
	_ =	strace $0x80000046;
	[dreg:$0x1] =	wrdreg $0xFFFFFFFF  }
0xad: {  	s28 =	simm.s32 $_size_execute0_lowered;
	s4 =	sadd.s32 s4, s6;
	[dreg:$0x0] =	wrdreg $0x0  }
0xae: {  	s6 =	sshll.u32 s28, $0x1;
	[dreg:$0x2] =	wrdreg s4  }
0xaf: {  	[dreg:$0x3] =	wrdreg s6  }
0xb0: {  	[dreg:$0x4] =	wrdreg $0xC0  }
0xb1: {  	_ =	task [dreg:s8], $0x5FFFF  }
0xb2: {  	[dreg:$0x1] =	wrdreg $0xFFFFFFFF  }
0xb3: {  	[dreg:$0x0] =	wrdreg $0x60  }
0xb4: {  	[dreg:$0x2] =	wrdreg s24  }
0xb5: {  	[dreg:$0x3] =	wrdreg s16  }
0xb6: {  	[dreg:$0x4] =	wrdreg s15  }
0xb7: {  	[dreg:$0x5] =	wrdreg $0x9  }
0xb8: {  	_ =	task.clear_ibuf [dreg:s8], $0x6FFFF;
	_ =	strace $0x90000046  }
0xb9: {  	s29 =	simm.s32 $0x9;
	_ =	strace $0x80000048  }
0xba: {  	_ =	swait.ge [sflag:s29], $0x1  }
0xbb: {  	[sflag:s29] =	ssyncadd.s32 $0xFFFFFFFF  }
0xbc: {  	_ =	strace $0x90000048  }
0xbd: {  	_ =	sfence  }
0xbe: {  	s30 =	sld [smem:$0x0];
	_ =	sdelay $0x2  }
0xbf: {  	s31 =	sshll.u32 s1, $0xD;
	s1 =	sshrl.u32 s1, $0x2  }
0xc0: {  	s3 =	sand.u32 $0x4000, s31;
	s1 =	sadd.s32 s1, s30  }
0xc1: {  	s0 =	sor.u32 s3, s0;
	s1 =	sshll.u32 s1, $0x11  }
0xc2: {  	s0 =	sor.u32 s1, s0  }
0xc3: {  	s0 =	sadd.s32 $0x8F2B, s0  }
0xc4: {  	[sflag:s0] =	ssyncadd.remote.s32 $0x1  }
0xc5: {  	_ =	sfence.sel $0xFFFF  }
0xc6: {  	[dreg:$0x0] =	wrdreg $0xFFFFFFFF;
	(pc) =	sbr.abs _section_cstart, $3  }
0xc7: {  	[dreg:$0x1] =	wrdreg $0xFFFFFFFF  }
0xc8: {  	_ =	task.clear_ibuf [dreg:s8], $0x2FFFF;
	_ =	strace $0x9FFFFFFF  }
0xc9: {  	(tm) =	ssettm $0x7FFFFFFF  }
tec
execute0_lowered:
.L_overlay_start_1:
0x0: {  	(tag) =	ssettag $0x1  }
0x1: {  	s0 =	rddreg [dreg:$0x0]  }
0x2: {  	s2 =	rddreg [dreg:$0x2];
	s4 =	simm.s32 $0x0;
	s1 =	srdreg.scid  }
0x3: {  	s3 =	stileid.u32;
	s29 =	simm.s32 $0x3;
	s30 =	simm.s32 $0x6100  }
0x4: {  	s31 =	simm.s32 $0x6200;
	[smem:$0x7FF] =	sst s4;
	s5 =	sadd.s32 $0x1885800, s0  }
0x5: {  	s1 =	sand.u32 $0x1, s1;
	s3 =	sshll.u32 s3, $0x1;
	s7 =	sadd.s32 $0xC50800, s0  }
0x6: {  	s6 =	sadd.s32 $0x2A00, s0;
	s14 =	sadd.s32 $0x1A00, s0;
	s11 =	sadd.s32 $0x1ACFA00, s0  }
0x7: {  	s17 =	sadd.s32 $0x1A3BB80, s0;
	_ =	strace $0x80000047;
	[dreg:$0x5] =	wrdreg s14  }
0x8: {  	s9 =	sadd.s32 $0x1A0C400, s0;
	s19 =	sadd.s32 $0x1A6C980, s0;
	[dreg:$0x7] =	wrdreg s17  }
0x9: {  	s22 =	sadd.s32 $0x1A9D780, s0;
	s0 =	sadd.s32 $0x1ACE580, s0;
	[dreg:$0x9] =	wrdreg s19  }
0xa: {  	s13 =	sor.u32 s1, s3;
	s1 =	ssub.s32 $0x2, s1;
	[dreg:$0xb] =	wrdreg s22  }
0xb: {  	[dreg:$0xd] =	wrdreg s0;
	s0 =	simm.s32 $0x80;
	s10 =	smul.u32 $0x188, s13  }
0xc: {  	s14 =	simm.s32 $0x2;
	s15 =	sshrl.u32 s1, $0x1;
	s8 =	smul.u32 $0x1880, s13  }
0xd: {  	s21 =	smul.u32 $0x30D4, s13;
	p0 =	seq.s32 s13, $0x1F;
	[dreg:$0x4] =	wrdreg s13  }
0xe: {  	s28 =	sadd.s32 $0x1, s13;
	s13 =	simm.s32 $0x1;
	s1 =	ssub.s32 s1, s15  }
0xf: {  	[dreg:$0x10] =	wrdreg s28;
	s15 =	simm.s32 $0x4100;
	s12 =	sadd.s32 $0x30E0, s10  }
0x10: {  	s16 =	sadd.s32 s9, s8;
	s17 =	sadd.s32 $0x61C0, s10;
	s24 =	sadd.s32 $0x30D4, s21  }
0x11: {  	s25 =	sshrl.u32 s21, $0x5;
	s26 =	smax.u32 s1, $0x1;
	s8 =	simm.s32 $0x0  }
0x12: {  	[dreg:$0x6] =	wrdreg s16;
	s18 =	sshll.u32 s12, $0x4;
	s20 =	sshll.u32 s17, $0x4  }
.Ltmp0:
0x13: {  	s24 =	sshrl.u32 s24, $0x5;
	[dreg:$0xf] =	wrdreg s26;
	(pc) =	sbr.rel .LBB2_1-.Ltmp0, $4  }
0x14: {  	[dreg:$0xe] =	wrdreg s25;
	s3 =	sadd.s32 s9, s18;
	s18 =	sadd.s32 $0x92A0, s10  }
0x15: {  	[dreg:$0x8] =	wrdreg s3;
	s3 =	sadd.s32 s9, s20;
	s23 =	sshll.u32 s18, $0x4  }
0x16: {  	p1 =	sge.u32 s25, s24;
	[dreg:$0xa] =	wrdreg s3;
	s3 =	sadd.s32 s9, s23  }
0x17: {  	v0 =	vimm.f32 $0.0e+00;
	s9 =	simm.s32 $0x2100;
	[dreg:$0xc] =	wrdreg s3;
	s3 =	simm.s32 $0x40  }
.LBB2_33:
0x18: {  	s8 =	rddreg [dreg:$0x11]  }
0x19: {  	s1 =	rddreg [dreg:$0xf];
	s8 =	sadd.s32 $0x1, s8  }
0x1a: {  	p2 =	sne.s32 s8, s1  }
.Ltmp1:
0x1b: {  	_ = 	snop;
	(pc) =	sbr.rel @!p2 .LBB2_34-.Ltmp1, $1  }
0x1c: {  	_ =	sdelay $0x3  }
.LBB2_1:
0x1d: {  	[dreg:$0x11] =	wrdreg s8  }
0x1e: {  	s1 =	rddreg [dreg:$0x5];
	s28 =	simm.s32 $0xA200  }
0x1f: {  	[tilespmem:s28], [sflag:$0x3] =	stream.linear.gather [hbm4b:s1+s4], $0x88, $0x38;
	[tilespmem:$0x16700] =	vst v63  }
0x20: {  	_ =	swait.ge [sflag:s29], $0x88  }
0x21: {  	[sflag:s29] =	ssyncset.done $0x0  }
0x22: {  	s8 =	simm.s32 $0x200;
	s1 =	simm.s32 $0x0;
	[sflag:s29] =	ssyncadd.s32 $0xFFFFFF78  }
.LBB2_2:
0x23: {  	p2 =	sne.s32 s8, $0x30E00;
	[tilespmem:s1+$0xA330] =	vst v0;
	s16 =	smov.u32 s8;
	s8 =	sadd.s32 $0x200, s8  }
.Ltmp2:
0x24: {  	[tilespmem:s1+$0xA320] =	vst v0;
	(pc) =	sbr.rel @p2 .LBB2_2-.Ltmp2, $3  }
0x25: {  	[tilespmem:s1+$0xA300] =	vst v0  }
0x26: {  	[tilespmem:s1+$0xA310] =	vst v0;
	_ =	sdelay $0x1  }
0x27: {  	s1 =	sshra.s32 s16, $0x2  }
0x28: {  	[tilespmem:s1+$0xA330] =	vst v0  }
0x29: {  	[tilespmem:s1+$0xA320] =	vst v0  }
0x2a: {  	[tilespmem:s1+$0xA300] =	vst v0  }
0x2b: {  	[tilespmem:s1+$0xA310] =	vst v0;
	s25 =	rddreg [dreg:$0x4]  }
0x2c: {  	s26 =	rddreg [dreg:$0x10];
	v1 =	vld [tilespmem:s25+$0xA200]  }
0x2d: {  	v2 =	vld [tilespmem:s26+$0xA200];
	_ =	sdelay $0x3  }
0x2e: {  	(v2sf) =	vpush v1, $0x0  }
0x2f: {  	(v2sf) =	vpush v2, $0x0;
	_ =	sdelay $0xd  }
0x30: {  	s19 =	spop (v2sf)  }
0x31: {  	s20 =	spop (v2sf)  }
0x32: {  	s28 =	sadd.s32 $0x7F, s20  }
0x33: {  	s8 =	sshra.s32 s19, $0x1F;
	s16 =	sshra.s32 s28, $0x1F  }
0x34: {  	s8 =	sshrl.u32 s8, $0x19;
	s16 =	sshrl.u32 s16, $0x19  }
0x35: {  	s8 =	sadd.s32 s8, s19;
	s1 =	sadd.s32 s16, s28  }
0x36: {  	s21 =	sshra.s32 s8, $0x7;
	s22 =	sshra.s32 s1, $0x7  }
0x37: {  	p2 =	sge.s32 s21, s22  }
.Ltmp3:
0x38: {  	_ = 	snop;
	(pc) =	sbr.rel @p2 .LBB2_8-.Ltmp3, $1  }
0x39: {  	_ =	sdelay $0x3  }
0x3a: {  	s25 =	sshll.u32 s21, $0x7  }
.LBB2_5:
0x3b: {  	s1 =	sshll.u32 s21, $0x4  }
0x3c: {  	s1 =	sand.u32 $0x1FFFFFF0, s1  }
0x3d: {  	s8 =	simm.s32 $0x0;
	s1 =	sadd.s32 s2, s1  }
0x3e: {  	[tilespmem:s30], [sflag:$0x3] =	stream.linear.gather [hbm4b:s1+s8], $0x80, $0x38;
	[tilespmem:$0x16700] =	vst v63  }
0x3f: {  	s28 =	sshll.u32 s21, $0xB;
	_ =	swait.ge [sflag:s29], $0x80  }
0x40: {  	s1 =	sand.u32 $0x1FFFF800, s28;
	[sflag:s29] =	ssyncset.done $0x0  }
0x41: {  	p2 =	slt.s32 s25, s19;
	s1 =	sadd.s32 s7, s1;
	[sflag:s29] =	ssyncadd.s32 $0xFFFFFF80  }
0x42: {  	[tilespmem:s31], [sflag:$0x3] =	stream.linear.gather [hbm4b:s1+s8], $0x4000, $0x38;
	[tilespmem:$0x16700] =	vst v63  }
0x43: {  	p3 =	sge.s32 @!p2 s25, s20;
	_ =	swait.ge [sflag:s29], $0x4000  }
0x44: {  	p3 =	por p3, p2;
	[sflag:s29] =	ssyncset.done $0x0  }
0x45: {  	p2 =	por p3, p3;
	s1 =	simm.s32 @!p3 $0x0;
	[sflag:s29] =	ssyncadd.s32 $0xFFFFC000  }
0x46: {  	v1 =	vld @!p2 [tilespmem:s1+$0x6100];
	_ =	sdelay $0x4  }
0x47: {  	(v2sf) =	vpush @!p2 v1, $0x0;
	_ =	sdelay $0xe  }
0x48: {  	s1 =	spop @!p3 (v2sf)  }
0x49: {  	s1 =	ssub.s32 @!p2 s1, s10  }
0x4a: {  	s26 =	simm.s32 $0x6220;
	s1 =	sshll.u32 @!p2 s1, $0x9  }
0x4b: {  	v1 =	vld @!p2 [tilespmem:s26+$0xFFFFFFE0];
	s1 =	sshra.s32 @!p2 s1, $0x2  }
0x4c: {  	v2 =	vld @!p2 [tilespmem:s1+$0xA300];
	_ =	sdelay $0x4  }
0x4d: {  	v1 =	vadd.f32 @!p2 v1, v2;
	_ =	sdelay $0x1  }
0x4e: {  	[tilespmem:s1+$0xA300] =	vst @!p2 v1;
	v1 =	vld @!p2 [tilespmem:s1+$0xA310]  }
0x4f: {  	v2 =	vld @!p2 [tilespmem:s26+$0xFFFFFFF0];
	_ =	sdelay $0x4  }
0x50: {  	v1 =	vadd.f32 @!p2 v2, v1;
	_ =	sdelay $0x1  }
0x51: {  	[tilespmem:s1+$0xA310] =	vst @!p2 v1;
	v1 =	vld @!p2 [tilespmem:s1+$0xA320]  }
0x52: {  	v2 =	vld @!p2 [tilespmem:s26+$0x0];
	_ =	sdelay $0x4  }
0x53: {  	v1 =	vadd.f32 @!p2 v2, v1;
	_ =	sdelay $0x1  }
0x54: {  	[tilespmem:s1+$0xA320] =	vst @!p2 v1;
	v1 =	vld @!p2 [tilespmem:s1+$0xA330]  }
0x55: {  	v2 =	vld @!p2 [tilespmem:s26+$0x10];
	_ =	sdelay $0x1  }
0x56: {  	s23 =	sadd.s32 $0x1, s25  }
0x57: {  	p3 =	slt.s32 s23, s19  }
0x58: {  	p4 =	sge.s32 @!p3 s23, s20  }
0x59: {  	s16 =	simm.s32 $0x4;
	s8 =	simm.s32 $0x8;
	p4 =	por p4, p3;
	v1 =	vadd.f32 @!p2 v2, v1  }
.LBB2_6:
0x5a: {  	s28 =	sshra.s32 @!p4 s16, $0x2;
	s26 =	sadd.s32 $0x80, s26  }
0x5b: {  	[tilespmem:s1+$0xA330] =	vst @!p2 v1;
	s16 =	smov.u32 s8;
	s8 =	sadd.s32 $0x4, s8;
	p2 =	por p4, p4  }
0x5c: {  	p3 =	sne.s32 s8, $0x200;
	v1 =	vld @!p2 [tilespmem:s28+$0x6100];
	_ =	sdelay $0x4  }
0x5d: {  	(v2sf) =	vpush @!p2 v1, $0x0;
	_ =	sdelay $0xe  }
0x5e: {  	s1 =	spop @!p4 (v2sf)  }
0x5f: {  	s1 =	ssub.s32 @!p2 s1, s10  }
0x60: {  	s1 =	sshll.u32 @!p2 s1, $0x9  }
0x61: {  	s1 =	sshra.s32 @!p2 s1, $0x2;
	v1 =	vld @!p2 [tilespmem:s26+$0xFFFFFFE0]  }
0x62: {  	v2 =	vld @!p2 [tilespmem:s1+$0xA300];
	_ =	sdelay $0x4  }
0x63: {  	v1 =	vadd.f32 @!p2 v1, v2;
	_ =	sdelay $0x1  }
0x64: {  	[tilespmem:s1+$0xA300] =	vst @!p2 v1;
	v1 =	vld @!p2 [tilespmem:s1+$0xA310]  }
0x65: {  	v2 =	vld @!p2 [tilespmem:s26+$0xFFFFFFF0];
	_ =	sdelay $0x4  }
0x66: {  	v1 =	vadd.f32 @!p2 v2, v1;
	_ =	sdelay $0x1  }
0x67: {  	[tilespmem:s1+$0xA310] =	vst @!p2 v1;
	v1 =	vld @!p2 [tilespmem:s1+$0xA320]  }
0x68: {  	v2 =	vld @!p2 [tilespmem:s26+$0x0];
	_ =	sdelay $0x4  }
0x69: {  	v1 =	vadd.f32 @!p2 v2, v1;
	_ =	sdelay $0x1  }
0x6a: {  	[tilespmem:s1+$0xA320] =	vst @!p2 v1;
	v1 =	vld @!p2 [tilespmem:s1+$0xA330]  }
0x6b: {  	v2 =	vld @!p2 [tilespmem:s26+$0x10];
	_ =	sdelay $0x1  }
.Ltmp4:
0x6c: {  	(pc) =	sbr.rel @p3 .LBB2_6-.Ltmp4, $4  }
0x6d: {  	s23 =	sadd.s32 $0x1, s23  }
0x6e: {  	p4 =	slt.s32 s23, s19  }
0x6f: {  	p5 =	sge.s32 @!p4 s23, s20;
	v1 =	vadd.f32 @!p2 v2, v1  }
0x70: {  	p4 =	por p5, p4  }
0x71: {  	s8 =	sshra.s32 @!p4 s16, $0x2;
	[tilespmem:s1+$0xA330] =	vst @!p2 v1;
	p2 =	por p4, p4  }
0x72: {  	v1 =	vld @!p2 [tilespmem:s8+$0x6100];
	_ =	sdelay $0x4  }
0x73: {  	(v2sf) =	vpush @!p2 v1, $0x0;
	_ =	sdelay $0xe  }
0x74: {  	s1 =	spop @!p4 (v2sf)  }
0x75: {  	s1 =	ssub.s32 @!p2 s1, s10  }
0x76: {  	s8 =	sadd.s32 $0x80, s26;
	s1 =	sshll.u32 @!p2 s1, $0x9  }
0x77: {  	v1 =	vld @!p2 [tilespmem:s8+$0xFFFFFFE0];
	s1 =	sshra.s32 @!p2 s1, $0x2  }
0x78: {  	v2 =	vld @!p2 [tilespmem:s1+$0xA300];
	_ =	sdelay $0x4  }
0x79: {  	v1 =	vadd.f32 @!p2 v1, v2;
	_ =	sdelay $0x1  }
0x7a: {  	[tilespmem:s1+$0xA300] =	vst @!p2 v1;
	v1 =	vld @!p2 [tilespmem:s1+$0xA310]  }
0x7b: {  	v2 =	vld @!p2 [tilespmem:s8+$0xFFFFFFF0];
	_ =	sdelay $0x4  }
0x7c: {  	v1 =	vadd.f32 @!p2 v2, v1;
	_ =	sdelay $0x1  }
0x7d: {  	[tilespmem:s1+$0xA310] =	vst @!p2 v1;
	v1 =	vld @!p2 [tilespmem:s1+$0xA320]  }
0x7e: {  	v2 =	vld @!p2 [tilespmem:s8+$0x0];
	_ =	sdelay $0x4  }
0x7f: {  	v1 =	vadd.f32 @!p2 v2, v1;
	_ =	sdelay $0x1  }
0x80: {  	[tilespmem:s1+$0xA320] =	vst @!p2 v1;
	v1 =	vld @!p2 [tilespmem:s1+$0xA330]  }
0x81: {  	v2 =	vld @!p2 [tilespmem:s8+$0x10]  }
0x82: {  	s21 =	sadd.s32 $0x1, s21  }
0x83: {  	p3 =	sne.s32 s21, s22  }
.Ltmp5:
0x84: {  	_ = 	snop;
	(pc) =	sbr.rel @p3 .LBB2_5-.Ltmp5, $3  }
0x85: {  	_ = 	snop  }
0x86: {  	v1 =	vadd.f32 @!p2 v2, v1;
	_ =	sdelay $0x1  }
0x87: {  	s25 =	sadd.s32 $0x80, s25;
	[tilespmem:s1+$0xA330] =	vst @!p2 v1  }
.LBB2_8:
0x88: {  	s1 =	simm.s32 @p0 $0x0;
	s8 =	simm.s32 @p0 $0xA300;
	s16 =	rddreg [dreg:$0x7]  }
0x89: {  	[hbm4b:s16+s1] =	stream.linear.scatter @p0 [tilespmem:s8], [sflag:$0x3], $0xB400, $0x38;
	[tilespmem:$0x16700] =	vst v63  }
0x8a: {  	s1 =	simm.s32 @p0 $0x3  }
0x8b: {  	_ =	swait.ge @p0 [sflag:s1], $0xB400  }
0x8c: {  	s8 =	simm.s32 @!p0 $0xA300;
	[sflag:s1] =	ssyncset.done @p0 $0x0  }
0x8d: {  	s16 =	rddreg [dreg:$0x6];
	[sflag:s1] =	ssyncadd.s32 @p0 $0xFFFF4C00;
	s1 =	simm.s32 @!p0 $0x0  }
0x8e: {  	[hbm4b:s16+s1] =	stream.linear.scatter @!p0 [tilespmem:s8], [sflag:$0x3], $0xC400, $0x38;
	[tilespmem:$0x16700] =	vst v63  }
0x8f: {  	s1 =	simm.s32 @!p0 $0x3  }
0x90: {  	_ =	swait.ge @!p0 [sflag:s1], $0xC400  }
0x91: {  	[sflag:s1] =	ssyncset.done @!p0 $0x0  }
0x92: {  	s8 =	simm.s32 $0x200;
	[sflag:s1] =	ssyncadd.s32 @!p0 $0xFFFF3C00;
	s1 =	simm.s32 $0x0  }
.LBB2_9:
0x93: {  	p2 =	sne.s32 s8, $0x30E00;
	[tilespmem:s1+$0xA330] =	vst v0;
	s16 =	smov.u32 s8;
	s8 =	sadd.s32 $0x200, s8  }
.Ltmp6:
0x94: {  	[tilespmem:s1+$0xA320] =	vst v0;
	(pc) =	sbr.rel @p2 .LBB2_9-.Ltmp6, $3  }
0x95: {  	[tilespmem:s1+$0xA300] =	vst v0  }
0x96: {  	[tilespmem:s1+$0xA310] =	vst v0;
	_ =	sdelay $0x1  }
0x97: {  	s1 =	sshra.s32 s16, $0x2  }
0x98: {  	[tilespmem:s1+$0xA330] =	vst v0  }
0x99: {  	[tilespmem:s1+$0xA320] =	vst v0  }
0x9a: {  	[tilespmem:s1+$0xA300] =	vst v0  }
0x9b: {  	[tilespmem:s1+$0xA310] =	vst v0;
	s26 =	rddreg [dreg:$0x4]  }
0x9c: {  	v1 =	vld [tilespmem:s26+$0xA220]  }
0x9d: {  	v2 =	vld [tilespmem:s26+$0xA221];
	_ =	sdelay $0x3  }
0x9e: {  	(v2sf) =	vpush v1, $0x0  }
0x9f: {  	(v2sf) =	vpush v2, $0x0;
	_ =	sdelay $0xd  }
0xa0: {  	s19 =	spop (v2sf)  }
0xa1: {  	s20 =	spop (v2sf)  }
0xa2: {  	s28 =	sadd.s32 $0x7F, s20  }
0xa3: {  	s8 =	sshra.s32 s19, $0x1F;
	s16 =	sshra.s32 s28, $0x1F  }
0xa4: {  	s8 =	sshrl.u32 s8, $0x19;
	s16 =	sshrl.u32 s16, $0x19  }
0xa5: {  	s8 =	sadd.s32 s8, s19;
	s1 =	sadd.s32 s16, s28  }
0xa6: {  	s21 =	sshra.s32 s8, $0x7;
	s22 =	sshra.s32 s1, $0x7  }
0xa7: {  	p2 =	sge.s32 s21, s22  }
.Ltmp7:
0xa8: {  	_ = 	snop;
	(pc) =	sbr.rel @p2 .LBB2_15-.Ltmp7, $1  }
0xa9: {  	_ =	sdelay $0x3  }
0xaa: {  	s25 =	sshll.u32 s21, $0x7  }
.LBB2_12:
0xab: {  	s1 =	sshll.u32 s21, $0x4  }
0xac: {  	s1 =	sand.u32 $0x1FFFFFF0, s1  }
0xad: {  	s8 =	simm.s32 $0x0;
	s1 =	sadd.s32 s2, s1  }
0xae: {  	[tilespmem:s30], [sflag:$0x3] =	stream.linear.gather [hbm4b:s1+s8], $0x80, $0x38;
	[tilespmem:$0x16700] =	vst v63  }
0xaf: {  	s28 =	sshll.u32 s21, $0xB;
	_ =	swait.ge [sflag:s29], $0x80  }
0xb0: {  	s1 =	sand.u32 $0x1FFFF800, s28;
	[sflag:s29] =	ssyncset.done $0x0  }
0xb1: {  	p2 =	slt.s32 s25, s19;
	s1 =	sadd.s32 s7, s1;
	[sflag:s29] =	ssyncadd.s32 $0xFFFFFF80  }
0xb2: {  	[tilespmem:s31], [sflag:$0x3] =	stream.linear.gather [hbm4b:s1+s8], $0x4000, $0x38;
	[tilespmem:$0x16700] =	vst v63  }
0xb3: {  	p3 =	sge.s32 @!p2 s25, s20;
	_ =	swait.ge [sflag:s29], $0x4000  }
0xb4: {  	p3 =	por p3, p2;
	[sflag:s29] =	ssyncset.done $0x0  }
0xb5: {  	p2 =	por p3, p3;
	s1 =	simm.s32 @!p3 $0x0;
	[sflag:s29] =	ssyncadd.s32 $0xFFFFC000  }
0xb6: {  	v1 =	vld @!p2 [tilespmem:s1+$0x6100];
	_ =	sdelay $0x4  }
0xb7: {  	(v2sf) =	vpush @!p2 v1, $0x0;
	_ =	sdelay $0xe  }
0xb8: {  	s1 =	spop @!p3 (v2sf)  }
0xb9: {  	s1 =	ssub.s32 @!p2 s1, s12  }
0xba: {  	s26 =	simm.s32 $0x6220;
	s1 =	sshll.u32 @!p2 s1, $0x9  }
0xbb: {  	v1 =	vld @!p2 [tilespmem:s26+$0xFFFFFFE0];
	s1 =	sshra.s32 @!p2 s1, $0x2  }
0xbc: {  	v2 =	vld @!p2 [tilespmem:s1+$0xA300];
	_ =	sdelay $0x4  }
0xbd: {  	v1 =	vadd.f32 @!p2 v1, v2;
	_ =	sdelay $0x1  }
0xbe: {  	[tilespmem:s1+$0xA300] =	vst @!p2 v1;
	v1 =	vld @!p2 [tilespmem:s1+$0xA310]  }
0xbf: {  	v2 =	vld @!p2 [tilespmem:s26+$0xFFFFFFF0];
	_ =	sdelay $0x4  }
0xc0: {  	v1 =	vadd.f32 @!p2 v2, v1;
	_ =	sdelay $0x1  }
0xc1: {  	[tilespmem:s1+$0xA310] =	vst @!p2 v1;
	v1 =	vld @!p2 [tilespmem:s1+$0xA320]  }
0xc2: {  	v2 =	vld @!p2 [tilespmem:s26+$0x0];
	_ =	sdelay $0x4  }
0xc3: {  	v1 =	vadd.f32 @!p2 v2, v1;
	_ =	sdelay $0x1  }
0xc4: {  	[tilespmem:s1+$0xA320] =	vst @!p2 v1;
	v1 =	vld @!p2 [tilespmem:s1+$0xA330]  }
0xc5: {  	v2 =	vld @!p2 [tilespmem:s26+$0x10];
	_ =	sdelay $0x1  }
0xc6: {  	s23 =	sadd.s32 $0x1, s25  }
0xc7: {  	p3 =	slt.s32 s23, s19  }
0xc8: {  	p4 =	sge.s32 @!p3 s23, s20  }
0xc9: {  	s16 =	simm.s32 $0x4;
	s8 =	simm.s32 $0x8;
	p4 =	por p4, p3;
	v1 =	vadd.f32 @!p2 v2, v1  }
.LBB2_13:
0xca: {  	s28 =	sshra.s32 @!p4 s16, $0x2;
	s26 =	sadd.s32 $0x80, s26  }
0xcb: {  	[tilespmem:s1+$0xA330] =	vst @!p2 v1;
	s16 =	smov.u32 s8;
	s8 =	sadd.s32 $0x4, s8;
	p2 =	por p4, p4  }
0xcc: {  	p3 =	sne.s32 s8, $0x200;
	v1 =	vld @!p2 [tilespmem:s28+$0x6100];
	_ =	sdelay $0x4  }
0xcd: {  	(v2sf) =	vpush @!p2 v1, $0x0;
	_ =	sdelay $0xe  }
0xce: {  	s1 =	spop @!p4 (v2sf)  }
0xcf: {  	s1 =	ssub.s32 @!p2 s1, s12  }
0xd0: {  	s1 =	sshll.u32 @!p2 s1, $0x9  }
0xd1: {  	s1 =	sshra.s32 @!p2 s1, $0x2;
	v1 =	vld @!p2 [tilespmem:s26+$0xFFFFFFE0]  }
0xd2: {  	v2 =	vld @!p2 [tilespmem:s1+$0xA300];
	_ =	sdelay $0x4  }
0xd3: {  	v1 =	vadd.f32 @!p2 v1, v2;
	_ =	sdelay $0x1  }
0xd4: {  	[tilespmem:s1+$0xA300] =	vst @!p2 v1;
	v1 =	vld @!p2 [tilespmem:s1+$0xA310]  }
0xd5: {  	v2 =	vld @!p2 [tilespmem:s26+$0xFFFFFFF0];
	_ =	sdelay $0x4  }
0xd6: {  	v1 =	vadd.f32 @!p2 v2, v1;
	_ =	sdelay $0x1  }
0xd7: {  	[tilespmem:s1+$0xA310] =	vst @!p2 v1;
	v1 =	vld @!p2 [tilespmem:s1+$0xA320]  }
0xd8: {  	v2 =	vld @!p2 [tilespmem:s26+$0x0];
	_ =	sdelay $0x4  }
0xd9: {  	v1 =	vadd.f32 @!p2 v2, v1;
	_ =	sdelay $0x1  }
0xda: {  	[tilespmem:s1+$0xA320] =	vst @!p2 v1;
	v1 =	vld @!p2 [tilespmem:s1+$0xA330]  }
0xdb: {  	v2 =	vld @!p2 [tilespmem:s26+$0x10];
	_ =	sdelay $0x1  }
.Ltmp8:
0xdc: {  	(pc) =	sbr.rel @p3 .LBB2_13-.Ltmp8, $4  }
0xdd: {  	s23 =	sadd.s32 $0x1, s23  }
0xde: {  	p4 =	slt.s32 s23, s19  }
0xdf: {  	p5 =	sge.s32 @!p4 s23, s20;
	v1 =	vadd.f32 @!p2 v2, v1  }
0xe0: {  	p4 =	por p5, p4  }
0xe1: {  	s8 =	sshra.s32 @!p4 s16, $0x2;
	[tilespmem:s1+$0xA330] =	vst @!p2 v1;
	p2 =	por p4, p4  }
0xe2: {  	v1 =	vld @!p2 [tilespmem:s8+$0x6100];
	_ =	sdelay $0x4  }
0xe3: {  	(v2sf) =	vpush @!p2 v1, $0x0;
	_ =	sdelay $0xe  }
0xe4: {  	s1 =	spop @!p4 (v2sf)  }
0xe5: {  	s1 =	ssub.s32 @!p2 s1, s12  }
0xe6: {  	s8 =	sadd.s32 $0x80, s26;
	s1 =	sshll.u32 @!p2 s1, $0x9  }
0xe7: {  	v1 =	vld @!p2 [tilespmem:s8+$0xFFFFFFE0];
	s1 =	sshra.s32 @!p2 s1, $0x2  }
0xe8: {  	v2 =	vld @!p2 [tilespmem:s1+$0xA300];
	_ =	sdelay $0x4  }
0xe9: {  	v1 =	vadd.f32 @!p2 v1, v2;
	_ =	sdelay $0x1  }
0xea: {  	[tilespmem:s1+$0xA300] =	vst @!p2 v1;
	v1 =	vld @!p2 [tilespmem:s1+$0xA310]  }
0xeb: {  	v2 =	vld @!p2 [tilespmem:s8+$0xFFFFFFF0];
	_ =	sdelay $0x4  }
0xec: {  	v1 =	vadd.f32 @!p2 v2, v1;
	_ =	sdelay $0x1  }
0xed: {  	[tilespmem:s1+$0xA310] =	vst @!p2 v1;
	v1 =	vld @!p2 [tilespmem:s1+$0xA320]  }
0xee: {  	v2 =	vld @!p2 [tilespmem:s8+$0x0];
	_ =	sdelay $0x4  }
0xef: {  	v1 =	vadd.f32 @!p2 v2, v1;
	_ =	sdelay $0x1  }
0xf0: {  	[tilespmem:s1+$0xA320] =	vst @!p2 v1;
	v1 =	vld @!p2 [tilespmem:s1+$0xA330]  }
0xf1: {  	v2 =	vld @!p2 [tilespmem:s8+$0x10]  }
0xf2: {  	s21 =	sadd.s32 $0x1, s21  }
0xf3: {  	p3 =	sne.s32 s21, s22  }
.Ltmp9:
0xf4: {  	_ = 	snop;
	(pc) =	sbr.rel @p3 .LBB2_12-.Ltmp9, $3  }
0xf5: {  	_ = 	snop  }
0xf6: {  	v1 =	vadd.f32 @!p2 v2, v1;
	_ =	sdelay $0x1  }
0xf7: {  	s25 =	sadd.s32 $0x80, s25;
	[tilespmem:s1+$0xA330] =	vst @!p2 v1  }
.LBB2_15:
0xf8: {  	s1 =	simm.s32 @p0 $0x0;
	s8 =	simm.s32 @p0 $0xA300;
	s16 =	rddreg [dreg:$0x9]  }
0xf9: {  	[hbm4b:s16+s1] =	stream.linear.scatter @p0 [tilespmem:s8], [sflag:$0x3], $0xB400, $0x38;
	[tilespmem:$0x16700] =	vst v63  }
0xfa: {  	s1 =	simm.s32 @p0 $0x3  }
0xfb: {  	_ =	swait.ge @p0 [sflag:s1], $0xB400  }
0xfc: {  	s8 =	simm.s32 @!p0 $0xA300;
	[sflag:s1] =	ssyncset.done @p0 $0x0  }
0xfd: {  	s16 =	rddreg [dreg:$0x8];
	[sflag:s1] =	ssyncadd.s32 @p0 $0xFFFF4C00;
	s1 =	simm.s32 @!p0 $0x0  }
0xfe: {  	[hbm4b:s16+s1] =	stream.linear.scatter @!p0 [tilespmem:s8], [sflag:$0x3], $0xC400, $0x38;
	[tilespmem:$0x16700] =	vst v63  }
0xff: {  	s1 =	simm.s32 @!p0 $0x3  }
0x100: {  	_ =	swait.ge @!p0 [sflag:s1], $0xC400  }
0x101: {  	[sflag:s1] =	ssyncset.done @!p0 $0x0  }
0x102: {  	s8 =	simm.s32 $0x200;
	[sflag:s1] =	ssyncadd.s32 @!p0 $0xFFFF3C00;
	s1 =	simm.s32 $0x0  }
.LBB2_16:
0x103: {  	p2 =	sne.s32 s8, $0x30E00;
	[tilespmem:s1+$0xA330] =	vst v0;
	s16 =	smov.u32 s8;
	s8 =	sadd.s32 $0x200, s8  }
.Ltmp10:
0x104: {  	[tilespmem:s1+$0xA320] =	vst v0;
	(pc) =	sbr.rel @p2 .LBB2_16-.Ltmp10, $3  }
0x105: {  	[tilespmem:s1+$0xA300] =	vst v0  }
0x106: {  	[tilespmem:s1+$0xA310] =	vst v0;
	_ =	sdelay $0x1  }
0x107: {  	s1 =	sshra.s32 s16, $0x2  }
0x108: {  	[tilespmem:s1+$0xA330] =	vst v0  }
0x109: {  	[tilespmem:s1+$0xA320] =	vst v0  }
0x10a: {  	[tilespmem:s1+$0xA300] =	vst v0  }
0x10b: {  	[tilespmem:s1+$0xA310] =	vst v0;
	s26 =	rddreg [dreg:$0x4]  }
0x10c: {  	v1 =	vld [tilespmem:s26+$0xA240]  }
0x10d: {  	v2 =	vld [tilespmem:s26+$0xA241];
	_ =	sdelay $0x3  }
0x10e: {  	(v2sf) =	vpush v1, $0x0  }
0x10f: {  	(v2sf) =	vpush v2, $0x0;
	_ =	sdelay $0xd  }
0x110: {  	s19 =	spop (v2sf)  }
0x111: {  	s20 =	spop (v2sf)  }
0x112: {  	s28 =	sadd.s32 $0x7F, s20  }
0x113: {  	s8 =	sshra.s32 s19, $0x1F;
	s16 =	sshra.s32 s28, $0x1F  }
0x114: {  	s8 =	sshrl.u32 s8, $0x19;
	s16 =	sshrl.u32 s16, $0x19  }
0x115: {  	s8 =	sadd.s32 s8, s19;
	s1 =	sadd.s32 s16, s28  }
0x116: {  	s21 =	sshra.s32 s8, $0x7;
	s22 =	sshra.s32 s1, $0x7  }
0x117: {  	p2 =	sge.s32 s21, s22  }
.Ltmp11:
0x118: {  	_ = 	snop;
	(pc) =	sbr.rel @p2 .LBB2_22-.Ltmp11, $1  }
0x119: {  	_ =	sdelay $0x3  }
0x11a: {  	s25 =	sshll.u32 s21, $0x7  }
.LBB2_19:
0x11b: {  	s1 =	sshll.u32 s21, $0x4  }
0x11c: {  	s1 =	sand.u32 $0x1FFFFFF0, s1  }
0x11d: {  	s8 =	simm.s32 $0x0;
	s1 =	sadd.s32 s2, s1  }
0x11e: {  	[tilespmem:s30], [sflag:$0x3] =	stream.linear.gather [hbm4b:s1+s8], $0x80, $0x38;
	[tilespmem:$0x16700] =	vst v63  }
0x11f: {  	s28 =	sshll.u32 s21, $0xB;
	_ =	swait.ge [sflag:s29], $0x80  }
0x120: {  	s1 =	sand.u32 $0x1FFFF800, s28;
	[sflag:s29] =	ssyncset.done $0x0  }
0x121: {  	p2 =	slt.s32 s25, s19;
	s1 =	sadd.s32 s7, s1;
	[sflag:s29] =	ssyncadd.s32 $0xFFFFFF80  }
0x122: {  	[tilespmem:s31], [sflag:$0x3] =	stream.linear.gather [hbm4b:s1+s8], $0x4000, $0x38;
	[tilespmem:$0x16700] =	vst v63  }
0x123: {  	p3 =	sge.s32 @!p2 s25, s20;
	_ =	swait.ge [sflag:s29], $0x4000  }
0x124: {  	p3 =	por p3, p2;
	[sflag:s29] =	ssyncset.done $0x0  }
0x125: {  	p2 =	por p3, p3;
	s1 =	simm.s32 @!p3 $0x0;
	[sflag:s29] =	ssyncadd.s32 $0xFFFFC000  }
0x126: {  	v1 =	vld @!p2 [tilespmem:s1+$0x6100];
	_ =	sdelay $0x4  }
0x127: {  	(v2sf) =	vpush @!p2 v1, $0x0;
	_ =	sdelay $0xe  }
0x128: {  	s1 =	spop @!p3 (v2sf)  }
0x129: {  	s1 =	ssub.s32 @!p2 s1, s17  }
0x12a: {  	s26 =	simm.s32 $0x6220;
	s1 =	sshll.u32 @!p2 s1, $0x9  }
0x12b: {  	v1 =	vld @!p2 [tilespmem:s26+$0xFFFFFFE0];
	s1 =	sshra.s32 @!p2 s1, $0x2  }
0x12c: {  	v2 =	vld @!p2 [tilespmem:s1+$0xA300];
	_ =	sdelay $0x4  }
0x12d: {  	v1 =	vadd.f32 @!p2 v1, v2;
	_ =	sdelay $0x1  }
0x12e: {  	[tilespmem:s1+$0xA300] =	vst @!p2 v1;
	v1 =	vld @!p2 [tilespmem:s1+$0xA310]  }
0x12f: {  	v2 =	vld @!p2 [tilespmem:s26+$0xFFFFFFF0];
	_ =	sdelay $0x4  }
0x130: {  	v1 =	vadd.f32 @!p2 v2, v1;
	_ =	sdelay $0x1  }
0x131: {  	[tilespmem:s1+$0xA310] =	vst @!p2 v1;
	v1 =	vld @!p2 [tilespmem:s1+$0xA320]  }
0x132: {  	v2 =	vld @!p2 [tilespmem:s26+$0x0];
	_ =	sdelay $0x4  }
0x133: {  	v1 =	vadd.f32 @!p2 v2, v1;
	_ =	sdelay $0x1  }
0x134: {  	[tilespmem:s1+$0xA320] =	vst @!p2 v1;
	v1 =	vld @!p2 [tilespmem:s1+$0xA330]  }
0x135: {  	v2 =	vld @!p2 [tilespmem:s26+$0x10];
	_ =	sdelay $0x1  }
0x136: {  	s23 =	sadd.s32 $0x1, s25  }
0x137: {  	p3 =	slt.s32 s23, s19  }
0x138: {  	p4 =	sge.s32 @!p3 s23, s20  }
0x139: {  	s16 =	simm.s32 $0x4;
	s8 =	simm.s32 $0x8;
	p4 =	por p4, p3;
	v1 =	vadd.f32 @!p2 v2, v1  }
.LBB2_20:
0x13a: {  	s28 =	sshra.s32 @!p4 s16, $0x2;
	s26 =	sadd.s32 $0x80, s26  }
0x13b: {  	[tilespmem:s1+$0xA330] =	vst @!p2 v1;
	s16 =	smov.u32 s8;
	s8 =	sadd.s32 $0x4, s8;
	p2 =	por p4, p4  }
0x13c: {  	p3 =	sne.s32 s8, $0x200;
	v1 =	vld @!p2 [tilespmem:s28+$0x6100];
	_ =	sdelay $0x4  }
0x13d: {  	(v2sf) =	vpush @!p2 v1, $0x0;
	_ =	sdelay $0xe  }
0x13e: {  	s1 =	spop @!p4 (v2sf)  }
0x13f: {  	s1 =	ssub.s32 @!p2 s1, s17  }
0x140: {  	s1 =	sshll.u32 @!p2 s1, $0x9  }
0x141: {  	s1 =	sshra.s32 @!p2 s1, $0x2;
	v1 =	vld @!p2 [tilespmem:s26+$0xFFFFFFE0]  }
0x142: {  	v2 =	vld @!p2 [tilespmem:s1+$0xA300];
	_ =	sdelay $0x4  }
0x143: {  	v1 =	vadd.f32 @!p2 v1, v2;
	_ =	sdelay $0x1  }
0x144: {  	[tilespmem:s1+$0xA300] =	vst @!p2 v1;
	v1 =	vld @!p2 [tilespmem:s1+$0xA310]  }
0x145: {  	v2 =	vld @!p2 [tilespmem:s26+$0xFFFFFFF0];
	_ =	sdelay $0x4  }
0x146: {  	v1 =	vadd.f32 @!p2 v2, v1;
	_ =	sdelay $0x1  }
0x147: {  	[tilespmem:s1+$0xA310] =	vst @!p2 v1;
	v1 =	vld @!p2 [tilespmem:s1+$0xA320]  }
0x148: {  	v2 =	vld @!p2 [tilespmem:s26+$0x0];
	_ =	sdelay $0x4  }
0x149: {  	v1 =	vadd.f32 @!p2 v2, v1;
	_ =	sdelay $0x1  }
0x14a: {  	[tilespmem:s1+$0xA320] =	vst @!p2 v1;
	v1 =	vld @!p2 [tilespmem:s1+$0xA330]  }
0x14b: {  	v2 =	vld @!p2 [tilespmem:s26+$0x10];
	_ =	sdelay $0x1  }
.Ltmp12:
0x14c: {  	(pc) =	sbr.rel @p3 .LBB2_20-.Ltmp12, $4  }
0x14d: {  	s23 =	sadd.s32 $0x1, s23  }
0x14e: {  	p4 =	slt.s32 s23, s19  }
0x14f: {  	p5 =	sge.s32 @!p4 s23, s20;
	v1 =	vadd.f32 @!p2 v2, v1  }
0x150: {  	p4 =	por p5, p4  }
0x151: {  	s8 =	sshra.s32 @!p4 s16, $0x2;
	[tilespmem:s1+$0xA330] =	vst @!p2 v1;
	p2 =	por p4, p4  }
0x152: {  	v1 =	vld @!p2 [tilespmem:s8+$0x6100];
	_ =	sdelay $0x4  }
0x153: {  	(v2sf) =	vpush @!p2 v1, $0x0;
	_ =	sdelay $0xe  }
0x154: {  	s1 =	spop @!p4 (v2sf)  }
0x155: {  	s1 =	ssub.s32 @!p2 s1, s17  }
0x156: {  	s8 =	sadd.s32 $0x80, s26;
	s1 =	sshll.u32 @!p2 s1, $0x9  }
0x157: {  	v1 =	vld @!p2 [tilespmem:s8+$0xFFFFFFE0];
	s1 =	sshra.s32 @!p2 s1, $0x2  }
0x158: {  	v2 =	vld @!p2 [tilespmem:s1+$0xA300];
	_ =	sdelay $0x4  }
0x159: {  	v1 =	vadd.f32 @!p2 v1, v2;
	_ =	sdelay $0x1  }
0x15a: {  	[tilespmem:s1+$0xA300] =	vst @!p2 v1;
	v1 =	vld @!p2 [tilespmem:s1+$0xA310]  }
0x15b: {  	v2 =	vld @!p2 [tilespmem:s8+$0xFFFFFFF0];
	_ =	sdelay $0x4  }
0x15c: {  	v1 =	vadd.f32 @!p2 v2, v1;
	_ =	sdelay $0x1  }
0x15d: {  	[tilespmem:s1+$0xA310] =	vst @!p2 v1;
	v1 =	vld @!p2 [tilespmem:s1+$0xA320]  }
0x15e: {  	v2 =	vld @!p2 [tilespmem:s8+$0x0];
	_ =	sdelay $0x4  }
0x15f: {  	v1 =	vadd.f32 @!p2 v2, v1;
	_ =	sdelay $0x1  }
0x160: {  	[tilespmem:s1+$0xA320] =	vst @!p2 v1;
	v1 =	vld @!p2 [tilespmem:s1+$0xA330]  }
0x161: {  	v2 =	vld @!p2 [tilespmem:s8+$0x10]  }
0x162: {  	s21 =	sadd.s32 $0x1, s21  }
0x163: {  	p3 =	sne.s32 s21, s22  }
.Ltmp13:
0x164: {  	_ = 	snop;
	(pc) =	sbr.rel @p3 .LBB2_19-.Ltmp13, $3  }
0x165: {  	_ = 	snop  }
0x166: {  	v1 =	vadd.f32 @!p2 v2, v1;
	_ =	sdelay $0x1  }
0x167: {  	s25 =	sadd.s32 $0x80, s25;
	[tilespmem:s1+$0xA330] =	vst @!p2 v1  }
.LBB2_22:
0x168: {  	s1 =	simm.s32 @p0 $0x0;
	s8 =	simm.s32 @p0 $0xA300;
	s16 =	rddreg [dreg:$0xb]  }
0x169: {  	[hbm4b:s16+s1] =	stream.linear.scatter @p0 [tilespmem:s8], [sflag:$0x3], $0xB400, $0x38;
	[tilespmem:$0x16700] =	vst v63  }
0x16a: {  	s1 =	simm.s32 @p0 $0x3  }
0x16b: {  	_ =	swait.ge @p0 [sflag:s1], $0xB400  }
0x16c: {  	s8 =	simm.s32 @!p0 $0xA300;
	[sflag:s1] =	ssyncset.done @p0 $0x0  }
0x16d: {  	s16 =	rddreg [dreg:$0xa];
	[sflag:s1] =	ssyncadd.s32 @p0 $0xFFFF4C00;
	s1 =	simm.s32 @!p0 $0x0  }
0x16e: {  	[hbm4b:s16+s1] =	stream.linear.scatter @!p0 [tilespmem:s8], [sflag:$0x3], $0xC400, $0x38;
	[tilespmem:$0x16700] =	vst v63  }
0x16f: {  	s1 =	simm.s32 @!p0 $0x3  }
0x170: {  	_ =	swait.ge @!p0 [sflag:s1], $0xC400  }
0x171: {  	[sflag:s1] =	ssyncset.done @!p0 $0x0  }
0x172: {  	s8 =	simm.s32 $0x200;
	[sflag:s1] =	ssyncadd.s32 @!p0 $0xFFFF3C00;
	s1 =	simm.s32 $0x0  }
.LBB2_23:
0x173: {  	p2 =	sne.s32 s8, $0x30E00;
	[tilespmem:s1+$0xA330] =	vst v0;
	s16 =	smov.u32 s8;
	s8 =	sadd.s32 $0x200, s8  }
.Ltmp14:
0x174: {  	[tilespmem:s1+$0xA320] =	vst v0;
	(pc) =	sbr.rel @p2 .LBB2_23-.Ltmp14, $3  }
0x175: {  	[tilespmem:s1+$0xA300] =	vst v0  }
0x176: {  	[tilespmem:s1+$0xA310] =	vst v0;
	_ =	sdelay $0x1  }
0x177: {  	s1 =	sshra.s32 s16, $0x2  }
0x178: {  	[tilespmem:s1+$0xA330] =	vst v0  }
0x179: {  	[tilespmem:s1+$0xA320] =	vst v0  }
0x17a: {  	[tilespmem:s1+$0xA300] =	vst v0  }
0x17b: {  	[tilespmem:s1+$0xA310] =	vst v0;
	s26 =	rddreg [dreg:$0x4]  }
0x17c: {  	v1 =	vld [tilespmem:s26+$0xA260]  }
0x17d: {  	v2 =	vld [tilespmem:s26+$0xA261];
	_ =	sdelay $0x3  }
0x17e: {  	(v2sf) =	vpush v1, $0x0  }
0x17f: {  	(v2sf) =	vpush v2, $0x0;
	_ =	sdelay $0xd  }
0x180: {  	s19 =	spop (v2sf)  }
0x181: {  	s20 =	spop (v2sf)  }
0x182: {  	s28 =	sadd.s32 $0x7F, s20  }
0x183: {  	s8 =	sshra.s32 s19, $0x1F;
	s16 =	sshra.s32 s28, $0x1F  }
0x184: {  	s8 =	sshrl.u32 s8, $0x19;
	s16 =	sshrl.u32 s16, $0x19  }
0x185: {  	s8 =	sadd.s32 s8, s19;
	s1 =	sadd.s32 s16, s28  }
0x186: {  	s21 =	sshra.s32 s8, $0x7;
	s22 =	sshra.s32 s1, $0x7  }
0x187: {  	p2 =	sge.s32 s21, s22  }
.Ltmp15:
0x188: {  	_ = 	snop;
	(pc) =	sbr.rel @p2 .LBB2_29-.Ltmp15, $1  }
0x189: {  	_ =	sdelay $0x3  }
0x18a: {  	s25 =	sshll.u32 s21, $0x7  }
.LBB2_26:
0x18b: {  	s1 =	sshll.u32 s21, $0x4  }
0x18c: {  	s1 =	sand.u32 $0x1FFFFFF0, s1  }
0x18d: {  	s8 =	simm.s32 $0x0;
	s1 =	sadd.s32 s2, s1  }
0x18e: {  	[tilespmem:s30], [sflag:$0x3] =	stream.linear.gather [hbm4b:s1+s8], $0x80, $0x38;
	[tilespmem:$0x16700] =	vst v63  }
0x18f: {  	s28 =	sshll.u32 s21, $0xB;
	_ =	swait.ge [sflag:s29], $0x80  }
0x190: {  	s1 =	sand.u32 $0x1FFFF800, s28;
	[sflag:s29] =	ssyncset.done $0x0  }
0x191: {  	p2 =	slt.s32 s25, s19;
	s1 =	sadd.s32 s7, s1;
	[sflag:s29] =	ssyncadd.s32 $0xFFFFFF80  }
0x192: {  	[tilespmem:s31], [sflag:$0x3] =	stream.linear.gather [hbm4b:s1+s8], $0x4000, $0x38;
	[tilespmem:$0x16700] =	vst v63  }
0x193: {  	p3 =	sge.s32 @!p2 s25, s20;
	_ =	swait.ge [sflag:s29], $0x4000  }
0x194: {  	p3 =	por p3, p2;
	[sflag:s29] =	ssyncset.done $0x0  }
0x195: {  	p2 =	por p3, p3;
	s1 =	simm.s32 @!p3 $0x0;
	[sflag:s29] =	ssyncadd.s32 $0xFFFFC000  }
0x196: {  	v1 =	vld @!p2 [tilespmem:s1+$0x6100];
	_ =	sdelay $0x4  }
0x197: {  	(v2sf) =	vpush @!p2 v1, $0x0;
	_ =	sdelay $0xe  }
0x198: {  	s1 =	spop @!p3 (v2sf)  }
0x199: {  	s1 =	ssub.s32 @!p2 s1, s18  }
0x19a: {  	s26 =	simm.s32 $0x6220;
	s1 =	sshll.u32 @!p2 s1, $0x9  }
0x19b: {  	v1 =	vld @!p2 [tilespmem:s26+$0xFFFFFFE0];
	s1 =	sshra.s32 @!p2 s1, $0x2  }
0x19c: {  	v2 =	vld @!p2 [tilespmem:s1+$0xA300];
	_ =	sdelay $0x4  }
0x19d: {  	v1 =	vadd.f32 @!p2 v1, v2;
	_ =	sdelay $0x1  }
0x19e: {  	[tilespmem:s1+$0xA300] =	vst @!p2 v1;
	v1 =	vld @!p2 [tilespmem:s1+$0xA310]  }
0x19f: {  	v2 =	vld @!p2 [tilespmem:s26+$0xFFFFFFF0];
	_ =	sdelay $0x4  }
0x1a0: {  	v1 =	vadd.f32 @!p2 v2, v1;
	_ =	sdelay $0x1  }
0x1a1: {  	[tilespmem:s1+$0xA310] =	vst @!p2 v1;
	v1 =	vld @!p2 [tilespmem:s1+$0xA320]  }
0x1a2: {  	v2 =	vld @!p2 [tilespmem:s26+$0x0];
	_ =	sdelay $0x4  }
0x1a3: {  	v1 =	vadd.f32 @!p2 v2, v1;
	_ =	sdelay $0x1  }
0x1a4: {  	[tilespmem:s1+$0xA320] =	vst @!p2 v1;
	v1 =	vld @!p2 [tilespmem:s1+$0xA330]  }
0x1a5: {  	v2 =	vld @!p2 [tilespmem:s26+$0x10];
	_ =	sdelay $0x1  }
0x1a6: {  	s23 =	sadd.s32 $0x1, s25  }
0x1a7: {  	p3 =	slt.s32 s23, s19  }
0x1a8: {  	p4 =	sge.s32 @!p3 s23, s20  }
0x1a9: {  	s16 =	simm.s32 $0x4;
	s8 =	simm.s32 $0x8;
	p4 =	por p4, p3;
	v1 =	vadd.f32 @!p2 v2, v1  }
.LBB2_27:
0x1aa: {  	s28 =	sshra.s32 @!p4 s16, $0x2;
	s26 =	sadd.s32 $0x80, s26  }
0x1ab: {  	[tilespmem:s1+$0xA330] =	vst @!p2 v1;
	s16 =	smov.u32 s8;
	s8 =	sadd.s32 $0x4, s8;
	p2 =	por p4, p4  }
0x1ac: {  	p3 =	sne.s32 s8, $0x200;
	v1 =	vld @!p2 [tilespmem:s28+$0x6100];
	_ =	sdelay $0x4  }
0x1ad: {  	(v2sf) =	vpush @!p2 v1, $0x0;
	_ =	sdelay $0xe  }
0x1ae: {  	s1 =	spop @!p4 (v2sf)  }
0x1af: {  	s1 =	ssub.s32 @!p2 s1, s18  }
0x1b0: {  	s1 =	sshll.u32 @!p2 s1, $0x9  }
0x1b1: {  	s1 =	sshra.s32 @!p2 s1, $0x2;
	v1 =	vld @!p2 [tilespmem:s26+$0xFFFFFFE0]  }
0x1b2: {  	v2 =	vld @!p2 [tilespmem:s1+$0xA300];
	_ =	sdelay $0x4  }
0x1b3: {  	v1 =	vadd.f32 @!p2 v1, v2;
	_ =	sdelay $0x1  }
0x1b4: {  	[tilespmem:s1+$0xA300] =	vst @!p2 v1;
	v1 =	vld @!p2 [tilespmem:s1+$0xA310]  }
0x1b5: {  	v2 =	vld @!p2 [tilespmem:s26+$0xFFFFFFF0];
	_ =	sdelay $0x4  }
0x1b6: {  	v1 =	vadd.f32 @!p2 v2, v1;
	_ =	sdelay $0x1  }
0x1b7: {  	[tilespmem:s1+$0xA310] =	vst @!p2 v1;
	v1 =	vld @!p2 [tilespmem:s1+$0xA320]  }
0x1b8: {  	v2 =	vld @!p2 [tilespmem:s26+$0x0];
	_ =	sdelay $0x4  }
0x1b9: {  	v1 =	vadd.f32 @!p2 v2, v1;
	_ =	sdelay $0x1  }
0x1ba: {  	[tilespmem:s1+$0xA320] =	vst @!p2 v1;
	v1 =	vld @!p2 [tilespmem:s1+$0xA330]  }
0x1bb: {  	v2 =	vld @!p2 [tilespmem:s26+$0x10];
	_ =	sdelay $0x1  }
.Ltmp16:
0x1bc: {  	(pc) =	sbr.rel @p3 .LBB2_27-.Ltmp16, $4  }
0x1bd: {  	s23 =	sadd.s32 $0x1, s23  }
0x1be: {  	p4 =	slt.s32 s23, s19  }
0x1bf: {  	p5 =	sge.s32 @!p4 s23, s20;
	v1 =	vadd.f32 @!p2 v2, v1  }
0x1c0: {  	p4 =	por p5, p4  }
0x1c1: {  	s8 =	sshra.s32 @!p4 s16, $0x2;
	[tilespmem:s1+$0xA330] =	vst @!p2 v1;
	p2 =	por p4, p4  }
0x1c2: {  	v1 =	vld @!p2 [tilespmem:s8+$0x6100];
	_ =	sdelay $0x4  }
0x1c3: {  	(v2sf) =	vpush @!p2 v1, $0x0;
	_ =	sdelay $0xe  }
0x1c4: {  	s1 =	spop @!p4 (v2sf)  }
0x1c5: {  	s1 =	ssub.s32 @!p2 s1, s18  }
0x1c6: {  	s8 =	sadd.s32 $0x80, s26;
	s1 =	sshll.u32 @!p2 s1, $0x9  }
0x1c7: {  	v1 =	vld @!p2 [tilespmem:s8+$0xFFFFFFE0];
	s1 =	sshra.s32 @!p2 s1, $0x2  }
0x1c8: {  	v2 =	vld @!p2 [tilespmem:s1+$0xA300];
	_ =	sdelay $0x4  }
0x1c9: {  	v1 =	vadd.f32 @!p2 v1, v2;
	_ =	sdelay $0x1  }
0x1ca: {  	[tilespmem:s1+$0xA300] =	vst @!p2 v1;
	v1 =	vld @!p2 [tilespmem:s1+$0xA310]  }
0x1cb: {  	v2 =	vld @!p2 [tilespmem:s8+$0xFFFFFFF0];
	_ =	sdelay $0x4  }
0x1cc: {  	v1 =	vadd.f32 @!p2 v2, v1;
	_ =	sdelay $0x1  }
0x1cd: {  	[tilespmem:s1+$0xA310] =	vst @!p2 v1;
	v1 =	vld @!p2 [tilespmem:s1+$0xA320]  }
0x1ce: {  	v2 =	vld @!p2 [tilespmem:s8+$0x0];
	_ =	sdelay $0x4  }
0x1cf: {  	v1 =	vadd.f32 @!p2 v2, v1;
	_ =	sdelay $0x1  }
0x1d0: {  	[tilespmem:s1+$0xA320] =	vst @!p2 v1;
	v1 =	vld @!p2 [tilespmem:s1+$0xA330]  }
0x1d1: {  	v2 =	vld @!p2 [tilespmem:s8+$0x10]  }
0x1d2: {  	s21 =	sadd.s32 $0x1, s21  }
0x1d3: {  	p3 =	sne.s32 s21, s22  }
.Ltmp17:
0x1d4: {  	_ = 	snop;
	(pc) =	sbr.rel @p3 .LBB2_26-.Ltmp17, $3  }
0x1d5: {  	_ = 	snop  }
0x1d6: {  	v1 =	vadd.f32 @!p2 v2, v1;
	_ =	sdelay $0x1  }
0x1d7: {  	s25 =	sadd.s32 $0x80, s25;
	[tilespmem:s1+$0xA330] =	vst @!p2 v1  }
.LBB2_29:
0x1d8: {  	s1 =	simm.s32 @p0 $0x0;
	s8 =	simm.s32 @p0 $0xA300;
	s16 =	rddreg [dreg:$0xd]  }
0x1d9: {  	[hbm4b:s16+s1] =	stream.linear.scatter @p0 [tilespmem:s8], [sflag:$0x3], $0x9C00, $0x38;
	[tilespmem:$0x16700] =	vst v63  }
0x1da: {  	s1 =	simm.s32 @p0 $0x3  }
0x1db: {  	_ =	swait.ge @p0 [sflag:s1], $0x9C00  }
0x1dc: {  	s8 =	simm.s32 @!p0 $0xA300;
	[sflag:s1] =	ssyncset.done @p0 $0x0  }
0x1dd: {  	s16 =	rddreg [dreg:$0xc];
	[sflag:s1] =	ssyncadd.s32 @p0 $0xFFFF6400;
	s1 =	simm.s32 @!p0 $0x0  }
0x1de: {  	[hbm4b:s16+s1] =	stream.linear.scatter @!p0 [tilespmem:s8], [sflag:$0x3], $0xC400, $0x38;
	[tilespmem:$0x16700] =	vst v63  }
.Ltmp18:
0x1df: {  	s1 =	simm.s32 @!p0 $0x3;
	(pc) =	sbr.rel @p1 .LBB2_33-.Ltmp18, $4  }
0x1e0: {  	_ =	swait.ge @!p0 [sflag:s1], $0xC400  }
0x1e1: {  	[sflag:s1] =	ssyncset.done @!p0 $0x0  }
0x1e2: {  	s19 =	rddreg [dreg:$0xe];
	[sflag:s1] =	ssyncadd.s32 @!p0 $0xFFFF3C00  }
0x1e3: {  	s23 =	simm.s32 $0x100;
	s22 =	rddreg [dreg:$0x1]  }
.LBB2_30:
0x1e4: {  	s1 =	sshll.u32 s19, $0x3  }
0x1e5: {  	s16 =	simm.s32 $0x0;
	s8 =	sadd.s32 s6, s1  }
0x1e6: {  	[tilespmem:s16], [sflag:$0x3] =	stream.linear.gather [hbm4b:s8+s16], $0x40, $0x38;
	[tilespmem:$0x16700] =	vst v63  }
0x1e7: {  	_ =	swait.ge [sflag:s29], $0x40  }
0x1e8: {  	[sflag:s29] =	ssyncset.done $0x0  }
0x1e9: {  	s1 =	sadd.s32 s22, s1;
	[sflag:s29] =	ssyncadd.s32 $0xFFFFFFC0  }
0x1ea: {  	[tilespmem:s0], [sflag:$0x3] =	stream.linear.gather [hbm4b:s1+s16], $0x40, $0x38;
	[tilespmem:$0x16700] =	vst v63  }
0x1eb: {  	_ =	swait.ge [sflag:s29], $0x40  }
0x1ec: {  	[sflag:s29] =	ssyncset.done $0x0  }
0x1ed: {  	[sflag:s29] =	ssyncadd.s32 $0xFFFFFFC0  }
0x1ee: {  	[tilespmem:s23], [sflag:$0x1] =	stream.indirect.gather [hbm4b:s5+s3], $0x80, s16, s3, $0xb8;
	[tilespmem:$0x16700] =	vst v63  }
0x1ef: {  	_ = 	snop  }
0x1f0: {  	[tilespmem:s9], [sflag:$0x2] =	stream.indirect.gather [hbm4b:s5+s3], $0x80, s0, s3, $0xb8;
	[tilespmem:$0x16700] =	vst v63  }
0x1f1: {  	_ =	swait.ge [sflag:s13], $0x2000  }
0x1f2: {  	[sflag:s13] =	ssyncset.done $0x0  }
0x1f3: {  	[sflag:s13] =	ssyncadd.s32 $0xFFFFE000  }
0x1f4: {  	_ =	swait.ge [sflag:s14], $0x2000  }
0x1f5: {  	[sflag:s14] =	ssyncset.done $0x0  }
0x1f6: {  	s20 =	simm.s32 $0x0;
	[sflag:s14] =	ssyncadd.s32 $0xFFFFE000  }
0x1f7: {  	v1 =	vld [tilespmem:s20+$0x130]  }
0x1f8: {  	v2 =	vld [tilespmem:s20+$0x170]  }
0x1f9: {  	v3 =	vld [tilespmem:s20+$0x2130]  }
0x1fa: {  	v4 =	vld [tilespmem:s20+$0x2170]  }
0x1fb: {  	v5 =	vld [tilespmem:s20+$0x100]  }
0x1fc: {  	v6 =	vld [tilespmem:s20+$0x140]  }
0x1fd: {  	v7 =	vld [tilespmem:s20+$0x2100]  }
0x1fe: {  	v8 =	vld [tilespmem:s20+$0x2140]  }
0x1ff: {  	v9 =	vld [tilespmem:s20+$0x110]  }
0x200: {  	v10 =	vld [tilespmem:s20+$0x2110];
	v1 =	vadd.f32 v4, v1;
	v2 =	vadd.f32 v3, v2  }
0x201: {  	v11 =	vld [tilespmem:s20+$0x2150]  }
0x202: {  	v3 =	vld [tilespmem:s20+$0x150];
	v7 =	vadd.f32 v7, v6;
	v1 =	vmax.f32 v1, $0.0e+00;
	v2 =	vmax.f32 v2, $0.0e+00  }
0x203: {  	v4 =	vld [tilespmem:s20+$0x160];
	v5 =	vadd.f32 v8, v5;
	v2 =	vadd.f32 v1, v2  }
0x204: {  	v6 =	vld [tilespmem:s20+$0x2120]  }
0x205: {  	v5 =	vmax.f32 v5, $0.0e+00;
	v1 =	vld [tilespmem:s20+$0x120];
	[tilespmem:s20+$0x4130] =	vst v2;
	v2 =	vmax.f32 v7, $0.0e+00  }
0x206: {  	s21 =	simm.s32 $0x80;
	v7 =	vld [tilespmem:s20+$0x2160];
	v5 =	vadd.f32 v5, v2  }
0x207: {  	v9 =	vadd.f32 v11, v9;
	v8 =	vadd.f32 v10, v3;
	v2 =	vld [tilespmem:s21+$0x130]  }
0x208: {  	v3 =	vld [tilespmem:s21+$0x170];
	[tilespmem:s20+$0x4100] =	vst v5  }
0x209: {  	s1 =	simm.s32 $0x400;
	v9 =	vmax.f32 v9, $0.0e+00;
	v8 =	vmax.f32 v8, $0.0e+00;
	v5 =	vld [tilespmem:s21+$0x2130]  }
.LBB2_31:
0x20a: {  	p2 =	sne.s32 s1, $0x7E00;
	v10 =	vld [tilespmem:s21+$0x2170];
	v8 =	vadd.f32 v9, v8;
	v4 =	vadd.f32 v6, v4  }
0x20b: {  	v6 =	vld [tilespmem:s21+$0x100];
	v1 =	vadd.f32 v7, v1  }
0x20c: {  	v7 =	vld [tilespmem:s21+$0x140];
	[tilespmem:s20+$0x4110] =	vst v8;
	v4 =	vmax.f32 v4, $0.0e+00  }
0x20d: {  	v8 =	vld [tilespmem:s21+$0x2100];
	v1 =	vmax.f32 v1, $0.0e+00  }
0x20e: {  	v9 =	vld [tilespmem:s21+$0x2140];
	v1 =	vadd.f32 v1, v4  }
0x20f: {  	v3 =	vadd.f32 v5, v3;
	v11 =	vld [tilespmem:s21+$0x110];
	v2 =	vadd.f32 v10, v2  }
0x210: {  	v5 =	vld [tilespmem:s21+$0x150];
	[tilespmem:s20+$0x4120] =	vst v1;
	s20 =	smov.u32 s21  }
0x211: {  	v10 =	vld [tilespmem:s20+$0x2110];
	v1 =	vmax.f32 v2, $0.0e+00;
	v2 =	vmax.f32 v3, $0.0e+00  }
0x212: {  	v3 =	vadd.f32 v8, v7;
	v8 =	vld [tilespmem:s20+$0x2150];
	v2 =	vadd.f32 v1, v2  }
0x213: {  	v6 =	vadd.f32 v9, v6;
	v1 =	vld [tilespmem:s20+$0x120]  }
0x214: {  	v3 =	vmax.f32 v3, $0.0e+00;
	v4 =	vld [tilespmem:s20+$0x160];
	[tilespmem:s20+$0x4130] =	vst v2  }
.Ltmp19:
0x215: {  	v2 =	vmax.f32 v6, $0.0e+00;
	v6 =	vld [tilespmem:s20+$0x2120];
	(pc) =	sbr.rel @p2 .LBB2_31-.Ltmp19, $4  }
0x216: {  	s21 =	sshra.s32 s1, $0x2;
	v9 =	vadd.f32 v2, v3;
	v5 =	vadd.f32 v10, v5;
	v7 =	vld [tilespmem:s20+$0x2160]  }
0x217: {  	v2 =	vld [tilespmem:s21+$0x130];
	v10 =	vadd.f32 v8, v11  }
0x218: {  	v3 =	vld [tilespmem:s21+$0x170];
	[tilespmem:s20+$0x4100] =	vst v9;
	v8 =	vmax.f32 v5, $0.0e+00  }
0x219: {  	s1 =	sadd.s32 $0x200, s1;
	v5 =	vld [tilespmem:s21+$0x2130];
	v9 =	vmax.f32 v10, $0.0e+00  }
0x21a: {  	v10 =	vld [tilespmem:s21+$0x2170];
	v8 =	vadd.f32 v9, v8  }
0x21b: {  	v57 =	vld [tilespmem:s21+$0x100];
	v4 =	vadd.f32 v6, v4;
	v1 =	vadd.f32 v7, v1  }
0x21c: {  	v11 =	vld [tilespmem:s21+$0x140];
	[tilespmem:s20+$0x4110] =	vst v8  }
0x21d: {  	v4 =	vmax.f32 v4, $0.0e+00;
	v58 =	vld [tilespmem:s21+$0x2100];
	v1 =	vmax.f32 v1, $0.0e+00  }
0x21e: {  	v59 =	vld [tilespmem:s21+$0x2140];
	v1 =	vadd.f32 v1, v4  }
0x21f: {  	v60 =	vld [tilespmem:s21+$0x110]  }
0x220: {  	v8 =	vld [tilespmem:s21+$0x150];
	[tilespmem:s20+$0x4120] =	vst v1  }
0x221: {  	v3 =	vadd.f32 v5, v3;
	v2 =	vadd.f32 v10, v2;
	v1 =	vld [tilespmem:s21+$0x2110]  }
0x222: {  	v61 =	vld [tilespmem:s21+$0x2150]  }
0x223: {  	v3 =	vmax.f32 v3, $0.0e+00;
	v2 =	vmax.f32 v2, $0.0e+00;
	v62 =	vld [tilespmem:s21+$0x160]  }
0x224: {  	v12 =	vld [tilespmem:s21+$0x2160];
	v2 =	vadd.f32 v2, v3  }
0x225: {  	v3 =	vld [tilespmem:s21+$0x120]  }
0x226: {  	[tilespmem:s21+$0x4130] =	vst v2;
	v2 =	vld [tilespmem:s21+$0x2120];
	_ =	sdelay $0x1  }
0x227: {  	v6 =	vadd.f32 v58, v11  }
0x228: {  	v7 =	vadd.f32 v59, v57  }
0x229: {  	v6 =	vmax.f32 v6, $0.0e+00;
	v1 =	vadd.f32 v1, v8;
	v4 =	vadd.f32 v61, v60  }
0x22a: {  	v63 =	vmax.f32 v7, $0.0e+00;
	v3 =	vadd.f32 v12, v3;
	v2 =	vadd.f32 v2, v62  }
0x22b: {  	v5 =	vadd.f32 v63, v6;
	v1 =	vmax.f32 v1, $0.0e+00;
	v4 =	vmax.f32 v4, $0.0e+00  }
0x22c: {  	v1 =	vadd.f32 v4, v1;
	v3 =	vmax.f32 v3, $0.0e+00;
	v2 =	vmax.f32 v2, $0.0e+00  }
0x22d: {  	[tilespmem:s21+$0x4100] =	vst v5;
	v2 =	vadd.f32 v3, v2  }
0x22e: {  	s1 =	sshll.u32 s19, $0xA;
	s19 =	sadd.s32 $0x1, s19;
	[tilespmem:s21+$0x4110] =	vst v1  }
0x22f: {  	s1 =	sadd.s32 s11, s1;
	p2 =	slt.u32 s19, s24;
	[tilespmem:s21+$0x4120] =	vst v2  }
0x230: {  	[hbm4b:s1+s4] =	stream.linear.scatter [tilespmem:s15], [sflag:$0x3], $0x2000, $0x38;
	[tilespmem:$0x16700] =	vst v63  }
.Ltmp20:
0x231: {  	_ = 	snop;
	(pc) =	sbr.rel @p2 .LBB2_30-.Ltmp20, $4  }
.Ltmp21:
0x232: {  	_ = 	snop;
	(pc) =	sbr.rel @!p2 .LBB2_33-.Ltmp21, $4  }
0x233: {  	_ =	swait.ge [sflag:s29], $0x2000  }
0x234: {  	[sflag:s29] =	ssyncset.done $0x0  }
0x235: {  	[sflag:s29] =	ssyncadd.s32 $0xFFFFE000  }
0x236: {  	_ = 	snop  }
.LBB2_34:
0x237: {  	_ =	sfence.sel $0x180000  }
0x238: {  	[bflag:$0x0] =	sbarrier.arrive $0xFFFF  }
0x239: {  	_ =	strace $0x90000047  }
0x23a: {  	s0 =	stileid.u32;
	[bflag:$0x2] =	sbarrier.arrive $0xFFFF  }
0x23b: {  	p0 =	sne.s32 s0, $0x0;
	s0 =	rddreg [dreg:$0x3]  }
0x23c: {  	s0 =	sadd.s32 @!p0 $0x100000, s0  }
0x23d: {  	[sflag:s0] =	ssyncadd.tile.s32 @!p0 $0x1;
	_ =	shalt  }
.Lfunc_end2:
_tile_overlayer_lowered:
.L_overlay_start_2:
0x23e: {  	(tag) =	ssettag $0x2  }
0x23f: {  	s0 =	rddreg [dreg:$0x0];
	s2 =	stileid.u32  }
0x240: {  	s1 =	rddreg [dreg:$0x1];
	p0 =	sne.s32 s2, $0x0  }
0x241: {  	s3 =	rddreg [dreg:$0x2];
	[bflag:$0x3] =	sbarrier.arrive $0xFFFF;
	s2 =	simm.s32 @!p0 $0x1C03  }
0x242: {  	[timem:s3], [sflag:s2] =	dma.local @!p0 [hbm:s0], s1  }
0x243: {  	s0 =	simm.s32 @!p0 $0x3  }
0x244: {  	_ =	swait.ge @!p0 [sflag:s0], s1  }
0x245: {  	s1 =	ssub.s32 @!p0 $0x0, s1;
	[sflag:s0] =	ssyncset.done @!p0 $0x0  }
0x246: {  	[sflag:s0] =	ssyncadd.s32 @!p0 s1  }
0x247: {  	[bflag:$0x3] =	sbarrier.arrive $0xFFFF  }
0x248: {  	_ =	shalt  }

</sc_bundles>
